<compile_context>
chip_gen: v7x
topology: tpu7x:2x2x1
jax: 0.10.2.dev20260603
libtpu: 0.0.44.dev20260713+nightly
codegen_flags: <defaults>
</compile_context>

<pallas_src>
import functools

import jax
import jax.numpy as jnp
from jax import lax
from jax.experimental import pallas as pl
from jax.experimental.pallas import tpu as pltpu
from jax.experimental.pallas import tpu_sc as plsc

NC = 2
NS = 16
L = 16



def _hp_body(n, h_ref, w_ref, ws_ref, b_ref, e_ref, s_ref,
             hp_ref, sl_ref, g_ref, hs_ref):
    @pl.when(pl.program_id(1) == 0)
    def _selfloop():
        h = h_ref[...]
        hs_ref[...] = h
        sl_ref[...] = jnp.dot(h, ws_ref[...],
                              preferred_element_type=jnp.float32) + b_ref[...]

    hp_ref[...] = jnp.dot(hs_ref[...], w_ref[0],
                          preferred_element_type=jnp.float32)

    @pl.when((pl.program_id(0) == 0) & (pl.program_id(1) == 0))
    def _gidx():
        g_ref[...] = e_ref[...] * jnp.int32(n) + s_ref[...]


def _tc_transform(h, W, Ws, b, edges2d, src2d, bn):
    N, D = h.shape
    R = W.shape[0]
    nb = N // bn
    erows = edges2d.shape[0]
    return pl.pallas_call(
        functools.partial(_hp_body, N),
        grid=(nb, R),
        in_specs=[
            pl.BlockSpec((bn, D), lambda i, r: (i, 0)),
            pl.BlockSpec((1, D, D), lambda i, r: (r, 0, 0)),
            pl.BlockSpec((D, D), lambda i, r: (0, 0)),
            pl.BlockSpec((1, D), lambda i, r: (0, 0)),
            pl.BlockSpec((erows, 128), lambda i, r: (0, 0)),
            pl.BlockSpec((erows, 128), lambda i, r: (0, 0)),
        ],
        out_specs=[
            pl.BlockSpec((bn, D), lambda i, r: (r * nb + i, 0)),
            pl.BlockSpec((bn, D), lambda i, r: (i, 0)),
            pl.BlockSpec((erows, 128), lambda i, r: (0, 0)),
        ],
        out_shape=[
            jax.ShapeDtypeStruct((R * N, D), jnp.float32),
            jax.ShapeDtypeStruct((N, D), jnp.float32),
            jax.ShapeDtypeStruct((erows, 128), jnp.int32),
        ],
        scratch_shapes=[pltpu.VMEM((bn, D), jnp.float32)],
    )(h, W, Ws, b, edges2d, src2d)


def _hpf_body(p_ref, sl_ref, w_ref, ws_ref, b_ref, hp_ref, slo_ref, hs_ref):
    @pl.when(pl.program_id(1) == 0)
    def _epilogue():
        h = jnp.maximum(p_ref[0] + p_ref[1] + sl_ref[...], 0.0)
        hs_ref[...] = h
        slo_ref[...] = jnp.dot(h, ws_ref[...],
                               preferred_element_type=jnp.float32) + b_ref[...]

    hp_ref[...] = jnp.dot(hs_ref[...], w_ref[0],
                          preferred_element_type=jnp.float32)


def _tc_fused(parts, sl, W, Ws, b, bn):
    _, N, D = parts.shape
    R = W.shape[0]
    nb = N // bn
    return pl.pallas_call(
        _hpf_body,
        grid=(nb, R),
        in_specs=[
            pl.BlockSpec((NC, bn, D), lambda i, r: (0, i, 0)),
            pl.BlockSpec((bn, D), lambda i, r: (i, 0)),
            pl.BlockSpec((1, D, D), lambda i, r: (r, 0, 0)),
            pl.BlockSpec((D, D), lambda i, r: (0, 0)),
            pl.BlockSpec((1, D), lambda i, r: (0, 0)),
        ],
        out_specs=[
            pl.BlockSpec((bn, D), lambda i, r: (r * nb + i, 0)),
            pl.BlockSpec((bn, D), lambda i, r: (i, 0)),
        ],
        out_shape=[
            jax.ShapeDtypeStruct((R * N, D), jnp.float32),
            jax.ShapeDtypeStruct((N, D), jnp.float32),
        ],
        scratch_shapes=[pltpu.VMEM((bn, D), jnp.float32)],
    )(parts, sl, W, Ws, b)


def _fin_body(p_ref, sl_ref, o_ref):
    o_ref[...] = jnp.maximum(p_ref[0] + p_ref[1] + sl_ref[...], 0.0)


def _tc_finish(parts, sl, bn):
    _, N, D = parts.shape
    nb = N // bn
    return pl.pallas_call(
        _fin_body,
        grid=(nb,),
        in_specs=[
            pl.BlockSpec((NC, bn, D), lambda i: (0, i, 0)),
            pl.BlockSpec((bn, D), lambda i: (i, 0)),
        ],
        out_specs=pl.BlockSpec((bn, D), lambda i: (i, 0)),
        out_shape=jax.ShapeDtypeStruct((N, D), jnp.float32),
    )(parts, sl)



def _make_sc_scatter(N, D, E, R):
    ept = E // (NC * NS)
    ch = 104
    rem = ept % ch
    chunks = (ept - rem) // ch
    nbuf = 3
    rpt = (N // NS) // 8 * 8
    tail = N - rpt * NS
    assert ch % 8 == 0 and rem % 8 == 0 and tail % 8 == 0 and tail <= ch
    assert chunks >= nbuf

    mesh = plsc.VectorSubcoreMesh(core_axis_name="c", subcore_axis_name="s",
                                  num_cores=NC, num_subcores=NS)

    scratch = (
        [pltpu.VMEM((ept,), jnp.int32)]
        + [pltpu.VMEM((ch,), jnp.int32)] * nbuf
        + [pltpu.VMEM((ch, D), jnp.float32)] * nbuf
        + [pltpu.SemaphoreType.DMA] * (3 * nbuf)
        + [pltpu.VMEM((max(rem, 8),), jnp.int32)]
        + [pltpu.VMEM_SHARED((N, D), jnp.float32)]
    )

    @functools.partial(
        pl.kernel,
        mesh=mesh,
        out_type=jax.ShapeDtypeStruct((NC, N, D), jnp.float32),
        scratch_types=scratch,
    )
    def sc_scatter(hp, gidx, dst, out, *refs):
        gidxs = refs[0]
        dbufs = refs[1:1 + nbuf]
        rbufs = refs[1 + nbuf:1 + 2 * nbuf]
        gsems = refs[1 + 2 * nbuf:1 + 3 * nbuf]
        dsems = refs[1 + 3 * nbuf:1 + 4 * nbuf]
        ssems = refs[1 + 4 * nbuf:1 + 5 * nbuf]
        dbuf_rem = refs[1 + 5 * nbuf]
        acc = refs[2 + 5 * nbuf]

        c = lax.axis_index("c")
        s = lax.axis_index("s")

        zv = jnp.zeros((L,), jnp.float32)

        def zero_row(i, carry):
            for j in range(D // L):
                rbufs[0][i, pl.ds(j * L, L)] = zv
            return carry

        lax.fori_loop(0, ch, zero_row, 0)
        for k in range(rpt // ch):
            pltpu.sync_copy(rbufs[0], acc.at[pl.ds(s * rpt + k * ch, ch)])
        zrem = rpt % ch
        if zrem:
            pltpu.sync_copy(rbufs[0].at[pl.ds(0, zrem)],
                            acc.at[pl.ds(s * rpt + (rpt // ch) * ch, zrem)])

        @pl.when(s == NS - 1)
        def _zero_tail():
            pltpu.sync_copy(rbufs[0].at[pl.ds(0, tail)],
                            acc.at[pl.ds(NS * rpt, tail)])

        plsc.subcore_barrier()

        base = (c * NS + s) * ept
        pltpu.sync_copy(gidx.at[pl.ds(base, ept)], gidxs)

        if rem:
            pltpu.sync_copy(dst.at[pl.ds(base, rem)], dbuf_rem)
            pltpu.sync_copy(hp.at[gidxs.at[pl.ds(0, rem)]],
                            rbufs[0].at[pl.ds(0, rem)])
            pltpu.sync_copy(rbufs[0].at[pl.ds(0, rem)], acc.at[dbuf_rem],
                            add=True)

        def start_fetch(chunk_idx, b):
            off = rem + chunk_idx * ch
            pltpu.async_copy(dst.at[pl.ds(base + off, ch)], dbufs[b],
                             dsems[b])
            pltpu.async_copy(hp.at[gidxs.at[pl.ds(off, ch)]], rbufs[b],
                             gsems[b])

        for b in range(nbuf):
            start_fetch(jnp.int32(b), b)

        def body(k, carry):
            i0 = k * nbuf
            for b in range(nbuf):
                cidx = i0 + b

                @pl.when(cidx < chunks)
                def _drain():
                    pltpu.make_async_copy(hp.at[gidxs.at[pl.ds(0, ch)]],
                                          rbufs[b], gsems[b]).wait()
                    pltpu.make_async_copy(dst.at[pl.ds(base, ch)],
                                          dbufs[b], dsems[b]).wait()
                    pltpu.async_copy(rbufs[b], acc.at[dbufs[b]], ssems[b],
                                     add=True)

                @pl.when(cidx + nbuf < chunks)
                def _refill():
                    pltpu.make_async_copy(rbufs[b], acc.at[dbufs[b]],
                                          ssems[b]).wait()
                    start_fetch(cidx + nbuf, b)
            return carry

        lax.fori_loop(0, (chunks + nbuf - 1) // nbuf, body, 0)

        for b in range(nbuf):
            pltpu.make_async_copy(rbufs[b], acc.at[dbufs[b]],
                                  ssems[b]).wait()
        plsc.subcore_barrier()

        r0 = s * rpt
        pltpu.sync_copy(acc.at[pl.ds(r0, rpt)], out.at[c, pl.ds(r0, rpt)])

        @pl.when(s == NS - 1)
        def _copy_tail():
            pltpu.sync_copy(acc.at[pl.ds(NS * rpt, tail)],
                            out.at[c, pl.ds(NS * rpt, tail)])

    return sc_scatter



def kernel(g, feat, edges, W0, Ws0, b0, W1, Ws1, b1, W2, Ws2, b2):
    dst = g[1]
    N, D = feat.shape
    E = edges.shape[0]
    R = W0.shape[0]
    bn = 10000

    sc_scatter = _make_sc_scatter(N, D, E, R)

    hp, sl, gidx2d = _tc_transform(feat, W0, Ws0, b0.reshape(1, D),
                                   edges.reshape(-1, 128),
                                   g[0].reshape(-1, 128), bn)
    gidx = gidx2d.reshape(E)
    parts = sc_scatter(hp, gidx, dst)
    for (W, Ws, b) in ((W1, Ws1, b1), (W2, Ws2, b2)):
        hp, sl = _tc_fused(parts, sl, W, Ws, b.reshape(1, D), bn)
        parts = sc_scatter(hp, gidx, dst)
    return _tc_finish(parts, sl, bn)

# --- scband reference (transcript-rebuilt; emitter-appended) ---
"""Pipeline reference for scband-model-60026462929565 (READ-ONLY COPY).

The authoritative reference and input builder live on the scoring server;
editing this copy changes nothing except your own understanding.
"""

import jax, jax.numpy as jnp
import numpy as np

N = 10000
E = 320000
D = 128
R = 8

def setup_inputs(seed: int = 0) -> dict:
    key = jax.random.key(seed)
    ks = jax.random.split(key, 16)
    inp = {}
    inp["g"] = jax.random.randint(ks[0], (2, E), 0, N, dtype=jnp.int32)
    inp["feat"] = jax.random.normal(ks[1], (N, D), dtype=jnp.float32)
    inp["edges"] = jax.random.randint(ks[2], (E,), 0, R, dtype=jnp.int32)
    scale = 0.05
    # 3 RelGraphConv layers: in->h, h->h, h->out (all dims = 128 here)
    for i in range(3):
        inp[f"W{i}"] = jax.random.normal(ks[3 + 3 * i], (R, D, D), dtype=jnp.float32) * scale
        inp[f"Ws{i}"] = jax.random.normal(ks[4 + 3 * i], (D, D), dtype=jnp.float32) * scale
        inp[f"b{i}"] = jnp.zeros((D,), dtype=jnp.float32)
    return inp


def reference(g, feat, edges, W0, Ws0, b0, W1, Ws1, b1, W2, Ws2, b2):
    src = g[0]
    dst = g[1]

    def layer(h, W, Ws, b):
        # relation-specific transform of all nodes: [R, N, Dout]
        Hp = jnp.einsum('nd,rdh->rnh', h, W)
        # per-edge message: W_{etype} @ h_src  -> gather [E, Dout]
        msg = Hp[edges, src]
        # sum aggregation at destination nodes (scatter-add)
        agg = jnp.zeros((h.shape[0], W.shape[2]), dtype=h.dtype).at[dst].add(msg)
        # self-loop + bias (DGL RelGraphConv defaults: self_loop=True, bias=True)
        return agg + h @ Ws + b

    h = feat
    for (W, Ws, b) in ((W0, Ws0, b0), (W1, Ws1, b1), (W2, Ws2, b2)):
        h = jax.nn.relu(layer(h, W, Ws, b))
    return h

if __name__ == "__main__":
    import jax
    _d = setup_inputs()
    print(jax.jit(kernel)(*tuple(_d.values())))

</pallas_src>

<mosaic_0001>
#map = affine_map<(d0, d1) -> (0, 0)>
#map1 = affine_map<(d0, d1) -> (0)>
#map2 = affine_map<(d0, d1) -> (0, 0, 0)>
module attributes {stable_mosaic.version = 14 : i64} {
  func.func @sc_scatter(%arg0: i32, %arg1: i32, %arg2: memref<80000x128xf32, #tpu.memory_space<hbm>>, %arg3: memref<320000xi32, #tpu.memory_space<hbm>>, %arg4: memref<320000xi32, #tpu.memory_space<hbm>>, %arg5: memref<2x10000x128xf32, #tpu.memory_space<hbm>>, %arg6: memref<10000xi32, #tpu.memory_space<vmem>>, %arg7: memref<104xi32, #tpu.memory_space<vmem>>, %arg8: memref<104xi32, #tpu.memory_space<vmem>>, %arg9: memref<104xi32, #tpu.memory_space<vmem>>, %arg10: memref<104x128xf32, #tpu.memory_space<vmem>>, %arg11: memref<104x128xf32, #tpu.memory_space<vmem>>, %arg12: memref<104x128xf32, #tpu.memory_space<vmem>>, %arg13: memref<!tpu.dma_semaphore, #tpu.memory_space<semaphore_mem>>, %arg14: memref<!tpu.dma_semaphore, #tpu.memory_space<semaphore_mem>>, %arg15: memref<!tpu.dma_semaphore, #tpu.memory_space<semaphore_mem>>, %arg16: memref<!tpu.dma_semaphore, #tpu.memory_space<semaphore_mem>>, %arg17: memref<!tpu.dma_semaphore, #tpu.memory_space<semaphore_mem>>, %arg18: memref<!tpu.dma_semaphore, #tpu.memory_space<semaphore_mem>>, %arg19: memref<!tpu.dma_semaphore, #tpu.memory_space<semaphore_mem>>, %arg20: memref<!tpu.dma_semaphore, #tpu.memory_space<semaphore_mem>>, %arg21: memref<!tpu.dma_semaphore, #tpu.memory_space<semaphore_mem>>, %arg22: memref<16xi32, #tpu.memory_space<vmem>>, %arg23: memref<10000x128xf32, #tpu.memory_space<vmem_shared>>) attributes {dimension_semantics = [#tpu.dimension_semantics<core_parallel>, #tpu.dimension_semantics<subcore_parallel>], iteration_bounds = array<i64: 2, 16>, scalar_prefetch = 0 : i64, scratch_operands = 18 : i64, tpu.core_type = #tpu.core_type<sc_vector_subcore>, window_params = [{transform_indices = #map}, {transform_indices = #map1}, {transform_indices = #map1}, {transform_indices = #map2}]} {
    %broadcast_in_dim3A = arith.constant 0.000000e+00 : f32
    %broadcast_in_dim3A_0 = vector.broadcast %broadcast_in_dim3A : f32 to vector<16xf32>
    %scan3A = arith.constant 0 : i32
    %scan3A_1 = arith.constant 0 : i32
    %scan3A_2 = arith.constant 104 : i32
    %scan3A_3 = arith.addi %scan3A_1, %scan3A_2 : i32
    %scan3A_4 = arith.constant 1 : i32
    scf.for %scan3A_92 = %scan3A_1 to %scan3A_3 step %scan3A_4  : i32 {
      %swap3A = arith.index_cast %scan3A_92 : i32 to index
      %swap3A_93 = arith.constant 0 : index
      %swap3A_94 = tpu.vector_load %arg10[%swap3A, %swap3A_93] {strides = array<i32>} : memref<104x128xf32, #tpu.memory_space<vmem>>, vector<1x16xf32>,
      %swap3A_95 = vector.shape_cast %swap3A_94 : vector<1x16xf32> to vector<16xf32>
      %swap3A_96 = vector.shape_cast %broadcast_in_dim3A_0 : vector<16xf32> to vector<1x16xf32>
      tpu.vector_store %arg10[%swap3A, %swap3A_93], %swap3A_96 {strides = array<i32>} : memref<104x128xf32, #tpu.memory_space<vmem>>, vector<1x16xf32>,
      %swap3A_97 = arith.index_cast %scan3A_92 : i32 to index
      %swap3A_98 = arith.constant 16 : index
      %swap3A_99 = tpu.vector_load %arg10[%swap3A_97, %swap3A_98] {strides = array<i32>} : memref<104x128xf32, #tpu.memory_space<vmem>>, vector<1x16xf32>,
      %swap3A_100 = vector.shape_cast %swap3A_99 : vector<1x16xf32> to vector<16xf32>
      %swap3A_101 = vector.shape_cast %broadcast_in_dim3A_0 : vector<16xf32> to vector<1x16xf32>
      tpu.vector_store %arg10[%swap3A_97, %swap3A_98], %swap3A_101 {strides = array<i32>} : memref<104x128xf32, #tpu.memory_space<vmem>>, vector<1x16xf32>,
      %swap3A_102 = arith.index_cast %scan3A_92 : i32 to index
      %swap3A_103 = arith.constant 32 : index
      %swap3A_104 = tpu.vector_load %arg10[%swap3A_102, %swap3A_103] {strides = array<i32>} : memref<104x128xf32, #tpu.memory_space<vmem>>, vector<1x16xf32>,
      %swap3A_105 = vector.shape_cast %swap3A_104 : vector<1x16xf32> to vector<16xf32>
      %swap3A_106 = vector.shape_cast %broadcast_in_dim3A_0 : vector<16xf32> to vector<1x16xf32>
      tpu.vector_store %arg10[%swap3A_102, %swap3A_103], %swap3A_106 {strides = array<i32>} : memref<104x128xf32, #tpu.memory_space<vmem>>, vector<1x16xf32>,
      %swap3A_107 = arith.index_cast %scan3A_92 : i32 to index
      %swap3A_108 = arith.constant 48 : index
      %swap3A_109 = tpu.vector_load %arg10[%swap3A_107, %swap3A_108] {strides = array<i32>} : memref<104x128xf32, #tpu.memory_space<vmem>>, vector<1x16xf32>,
      %swap3A_110 = vector.shape_cast %swap3A_109 : vector<1x16xf32> to vector<16xf32>
      %swap3A_111 = vector.shape_cast %broadcast_in_dim3A_0 : vector<16xf32> to vector<1x16xf32>
      tpu.vector_store %arg10[%swap3A_107, %swap3A_108], %swap3A_111 {strides = array<i32>} : memref<104x128xf32, #tpu.memory_space<vmem>>, vector<1x16xf32>,
      %swap3A_112 = arith.index_cast %scan3A_92 : i32 to index
      %swap3A_113 = arith.constant 64 : index
      %swap3A_114 = tpu.vector_load %arg10[%swap3A_112, %swap3A_113] {strides = array<i32>} : memref<104x128xf32, #tpu.memory_space<vmem>>, vector<1x16xf32>,
      %swap3A_115 = vector.shape_cast %swap3A_114 : vector<1x16xf32> to vector<16xf32>
      %swap3A_116 = vector.shape_cast %broadcast_in_dim3A_0 : vector<16xf32> to vector<1x16xf32>
      tpu.vector_store %arg10[%swap3A_112, %swap3A_113], %swap3A_116 {strides = array<i32>} : memref<104x128xf32, #tpu.memory_space<vmem>>, vector<1x16xf32>,
      %swap3A_117 = arith.index_cast %scan3A_92 : i32 to index
      %swap3A_118 = arith.constant 80 : index
      %swap3A_119 = tpu.vector_load %arg10[%swap3A_117, %swap3A_118] {strides = array<i32>} : memref<104x128xf32, #tpu.memory_space<vmem>>, vector<1x16xf32>,
      %swap3A_120 = vector.shape_cast %swap3A_119 : vector<1x16xf32> to vector<16xf32>
      %swap3A_121 = vector.shape_cast %broadcast_in_dim3A_0 : vector<16xf32> to vector<1x16xf32>
      tpu.vector_store %arg10[%swap3A_117, %swap3A_118], %swap3A_121 {strides = array<i32>} : memref<104x128xf32, #tpu.memory_space<vmem>>, vector<1x16xf32>,
      %swap3A_122 = arith.index_cast %scan3A_92 : i32 to index
      %swap3A_123 = arith.constant 96 : index
      %swap3A_124 = tpu.vector_load %arg10[%swap3A_122, %swap3A_123] {strides = array<i32>} : memref<104x128xf32, #tpu.memory_space<vmem>>, vector<1x16xf32>,
      %swap3A_125 = vector.shape_cast %swap3A_124 : vector<1x16xf32> to vector<16xf32>
      %swap3A_126 = vector.shape_cast %broadcast_in_dim3A_0 : vector<16xf32> to vector<1x16xf32>
      tpu.vector_store %arg10[%swap3A_122, %swap3A_123], %swap3A_126 {strides = array<i32>} : memref<104x128xf32, #tpu.memory_space<vmem>>, vector<1x16xf32>,
      %swap3A_127 = arith.index_cast %scan3A_92 : i32 to index
      %swap3A_128 = arith.constant 112 : index
      %swap3A_129 = tpu.vector_load %arg10[%swap3A_127, %swap3A_128] {strides = array<i32>} : memref<104x128xf32, #tpu.memory_space<vmem>>, vector<1x16xf32>,
      %swap3A_130 = vector.shape_cast %swap3A_129 : vector<1x16xf32> to vector<16xf32>
      %swap3A_131 = vector.shape_cast %broadcast_in_dim3A_0 : vector<16xf32> to vector<1x16xf32>
      tpu.vector_store %arg10[%swap3A_127, %swap3A_128], %swap3A_131 {strides = array<i32>} : memref<104x128xf32, #tpu.memory_space<vmem>>, vector<1x16xf32>,
    }
    %scan3A_5 = arith.constant 104 : i32
    %mul3A = arith.constant 624 : i32
    %mul3A_6 = arith.muli %arg1, %mul3A : i32
    %add3A = arith.constant 0 : i32
    %add3A_7 = arith.addi %mul3A_6, %add3A : i32
    "tpu.region"() ({
      %run_scoped3A = tpu.sem_alloc : memref<!tpu.dma_semaphore, #tpu.memory_space<semaphore_mem>>
      %dma_start3A_92 = arith.constant 0 : i32
      %dma_start3A_93 = tpu.memref_slice %arg23[%add3A_7, %dma_start3A_92] : memref<10000x128xf32, #tpu.memory_space<vmem_shared>> -> memref<104x128xf32, #tpu.memory_space<vmem_shared>>
      %dma_start3A_94 = arith.constant 0 : i32
      %dma_start3A_95 = tpu.memref_slice %arg23[%add3A_7, %dma_start3A_94] : memref<10000x128xf32, #tpu.memory_space<vmem_shared>> -> memref<104x128xf32, #tpu.memory_space<vmem_shared>>
      tpu.enqueue_dma source(%arg10 : memref<104x128xf32, #tpu.memory_space<vmem>>) target(%dma_start3A_95 : memref<104x128xf32, #tpu.memory_space<vmem_shared>>) target_semaphore(%run_scoped3A : memref<!tpu.dma_semaphore, #tpu.memory_space<semaphore_mem>>)
      %dma_wait3A_96 = arith.constant 0 : i32
      %dma_wait3A_97 = tpu.memref_slice %arg23[%add3A_7, %dma_wait3A_96] : memref<10000x128xf32, #tpu.memory_space<vmem_shared>> -> memref<104x128xf32, #tpu.memory_space<vmem_shared>>
      %dma_wait3A_98 = arith.constant 0 : i32
      %dma_wait3A_99 = tpu.memref_slice %arg23[%add3A_7, %dma_wait3A_98] : memref<10000x128xf32, #tpu.memory_space<vmem_shared>> -> memref<104x128xf32, #tpu.memory_space<vmem_shared>>
      tpu.wait_dma2 semaphore(%run_scoped3A : memref<!tpu.dma_semaphore, #tpu.memory_space<semaphore_mem>>) src(%arg10 : memref<104x128xf32, #tpu.memory_space<vmem>>) dst(%dma_wait3A_99 : memref<104x128xf32, #tpu.memory_space<vmem_shared>>)
      tpu.yield
    }) : () -> ()
    %mul3A_8 = arith.constant 624 : i32
    %mul3A_9 = arith.muli %arg1, %mul3A_8 : i32
    %add3A_10 = arith.constant 104 : i32
    %add3A_11 = arith.addi %mul3A_9, %add3A_10 : i32
    "tpu.region"() ({
      %run_scoped3A = tpu.sem_alloc : memref<!tpu.dma_semaphore, #tpu.memory_space<semaphore_mem>>
      %dma_start3A_92 = arith.constant 0 : i32
      %dma_start3A_93 = tpu.memref_slice %arg23[%add3A_11, %dma_start3A_92] : memref<10000x128xf32, #tpu.memory_space<vmem_shared>> -> memref<104x128xf32, #tpu.memory_space<vmem_shared>>
      %dma_start3A_94 = arith.constant 0 : i32
      %dma_start3A_95 = tpu.memref_slice %arg23[%add3A_11, %dma_start3A_94] : memref<10000x128xf32, #tpu.memory_space<vmem_shared>> -> memref<104x128xf32, #tpu.memory_space<vmem_shared>>
      tpu.enqueue_dma source(%arg10 : memref<104x128xf32, #tpu.memory_space<vmem>>) target(%dma_start3A_95 : memref<104x128xf32, #tpu.memory_space<vmem_shared>>) target_semaphore(%run_scoped3A : memref<!tpu.dma_semaphore, #tpu.memory_space<semaphore_mem>>)
      %dma_wait3A_96 = arith.constant 0 : i32
      %dma_wait3A_97 = tpu.memref_slice %arg23[%add3A_11, %dma_wait3A_96] : memref<10000x128xf32, #tpu.memory_space<vmem_shared>> -> memref<104x128xf32, #tpu.memory_space<vmem_shared>>
      %dma_wait3A_98 = arith.constant 0 : i32
      %dma_wait3A_99 = tpu.memref_slice %arg23[%add3A_11, %dma_wait3A_98] : memref<10000x128xf32, #tpu.memory_space<vmem_shared>> -> memref<104x128xf32, #tpu.memory_space<vmem_shared>>
      tpu.wait_dma2 semaphore(%run_scoped3A : memref<!tpu.dma_semaphore, #tpu.memory_space<semaphore_mem>>) src(%arg10 : memref<104x128xf32, #tpu.memory_space<vmem>>) dst(%dma_wait3A_99 : memref<104x128xf32, #tpu.memory_space<vmem_shared>>)
      tpu.yield
    }) : () -> ()
    %mul3A_12 = arith.constant 624 : i32
    %mul3A_13 = arith.muli %arg1, %mul3A_12 : i32
    %add3A_14 = arith.constant 208 : i32
    %add3A_15 = arith.addi %mul3A_13, %add3A_14 : i32
    "tpu.region"() ({
      %run_scoped3A = tpu.sem_alloc : memref<!tpu.dma_semaphore, #tpu.memory_space<semaphore_mem>>
      %dma_start3A_92 = arith.constant 0 : i32
      %dma_start3A_93 = tpu.memref_slice %arg23[%add3A_15, %dma_start3A_92] : memref<10000x128xf32, #tpu.memory_space<vmem_shared>> -> memref<104x128xf32, #tpu.memory_space<vmem_shared>>
      %dma_start3A_94 = arith.constant 0 : i32
      %dma_start3A_95 = tpu.memref_slice %arg23[%add3A_15, %dma_start3A_94] : memref<10000x128xf32, #tpu.memory_space<vmem_shared>> -> memref<104x128xf32, #tpu.memory_space<vmem_shared>>
      tpu.enqueue_dma source(%arg10 : memref<104x128xf32, #tpu.memory_space<vmem>>) target(%dma_start3A_95 : memref<104x128xf32, #tpu.memory_space<vmem_shared>>) target_semaphore(%run_scoped3A : memref<!tpu.dma_semaphore, #tpu.memory_space<semaphore_mem>>)
      %dma_wait3A_96 = arith.constant 0 : i32
      %dma_wait3A_97 = tpu.memref_slice %arg23[%add3A_15, %dma_wait3A_96] : memref<10000x128xf32, #tpu.memory_space<vmem_shared>> -> memref<104x128xf32, #tpu.memory_space<vmem_shared>>
      %dma_wait3A_98 = arith.constant 0 : i32
      %dma_wait3A_99 = tpu.memref_slice %arg23[%add3A_15, %dma_wait3A_98] : memref<10000x128xf32, #tpu.memory_space<vmem_shared>> -> memref<104x128xf32, #tpu.memory_space<vmem_shared>>
      tpu.wait_dma2 semaphore(%run_scoped3A : memref<!tpu.dma_semaphore, #tpu.memory_space<semaphore_mem>>) src(%arg10 : memref<104x128xf32, #tpu.memory_space<vmem>>) dst(%dma_wait3A_99 : memref<104x128xf32, #tpu.memory_space<vmem_shared>>)
      tpu.yield
    }) : () -> ()
    %mul3A_16 = arith.constant 624 : i32
    %mul3A_17 = arith.muli %arg1, %mul3A_16 : i32
    %add3A_18 = arith.constant 312 : i32
    %add3A_19 = arith.addi %mul3A_17, %add3A_18 : i32
    "tpu.region"() ({
      %run_scoped3A = tpu.sem_alloc : memref<!tpu.dma_semaphore, #tpu.memory_space<semaphore_mem>>
      %dma_start3A_92 = arith.constant 0 : i32
      %dma_start3A_93 = tpu.memref_slice %arg23[%add3A_19, %dma_start3A_92] : memref<10000x128xf32, #tpu.memory_space<vmem_shared>> -> memref<104x128xf32, #tpu.memory_space<vmem_shared>>
      %dma_start3A_94 = arith.constant 0 : i32
      %dma_start3A_95 = tpu.memref_slice %arg23[%add3A_19, %dma_start3A_94] : memref<10000x128xf32, #tpu.memory_space<vmem_shared>> -> memref<104x128xf32, #tpu.memory_space<vmem_shared>>
      tpu.enqueue_dma source(%arg10 : memref<104x128xf32, #tpu.memory_space<vmem>>) target(%dma_start3A_95 : memref<104x128xf32, #tpu.memory_space<vmem_shared>>) target_semaphore(%run_scoped3A : memref<!tpu.dma_semaphore, #tpu.memory_space<semaphore_mem>>)
      %dma_wait3A_96 = arith.constant 0 : i32
      %dma_wait3A_97 = tpu.memref_slice %arg23[%add3A_19, %dma_wait3A_96] : memref<10000x128xf32, #tpu.memory_space<vmem_shared>> -> memref<104x128xf32, #tpu.memory_space<vmem_shared>>
      %dma_wait3A_98 = arith.constant 0 : i32
      %dma_wait3A_99 = tpu.memref_slice %arg23[%add3A_19, %dma_wait3A_98] : memref<10000x128xf32, #tpu.memory_space<vmem_shared>> -> memref<104x128xf32, #tpu.memory_space<vmem_shared>>
      tpu.wait_dma2 semaphore(%run_scoped3A : memref<!tpu.dma_semaphore, #tpu.memory_space<semaphore_mem>>) src(%arg10 : memref<104x128xf32, #tpu.memory_space<vmem>>) dst(%dma_wait3A_99 : memref<104x128xf32, #tpu.memory_space<vmem_shared>>)
      tpu.yield
    }) : () -> ()
    %mul3A_20 = arith.constant 624 : i32
    %mul3A_21 = arith.muli %arg1, %mul3A_20 : i32
    %add3A_22 = arith.constant 416 : i32
    %add3A_23 = arith.addi %mul3A_21, %add3A_22 : i32
    "tpu.region"() ({
      %run_scoped3A = tpu.sem_alloc : memref<!tpu.dma_semaphore, #tpu.memory_space<semaphore_mem>>
      %dma_start3A_92 = arith.constant 0 : i32
      %dma_start3A_93 = tpu.memref_slice %arg23[%add3A_23, %dma_start3A_92] : memref<10000x128xf32, #tpu.memory_space<vmem_shared>> -> memref<104x128xf32, #tpu.memory_space<vmem_shared>>
      %dma_start3A_94 = arith.constant 0 : i32
      %dma_start3A_95 = tpu.memref_slice %arg23[%add3A_23, %dma_start3A_94] : memref<10000x128xf32, #tpu.memory_space<vmem_shared>> -> memref<104x128xf32, #tpu.memory_space<vmem_shared>>
      tpu.enqueue_dma source(%arg10 : memref<104x128xf32, #tpu.memory_space<vmem>>) target(%dma_start3A_95 : memref<104x128xf32, #tpu.memory_space<vmem_shared>>) target_semaphore(%run_scoped3A : memref<!tpu.dma_semaphore, #tpu.memory_space<semaphore_mem>>)
      %dma_wait3A_96 = arith.constant 0 : i32
      %dma_wait3A_97 = tpu.memref_slice %arg23[%add3A_23, %dma_wait3A_96] : memref<10000x128xf32, #tpu.memory_space<vmem_shared>> -> memref<104x128xf32, #tpu.memory_space<vmem_shared>>
      %dma_wait3A_98 = arith.constant 0 : i32
      %dma_wait3A_99 = tpu.memref_slice %arg23[%add3A_23, %dma_wait3A_98] : memref<10000x128xf32, #tpu.memory_space<vmem_shared>> -> memref<104x128xf32, #tpu.memory_space<vmem_shared>>
      tpu.wait_dma2 semaphore(%run_scoped3A : memref<!tpu.dma_semaphore, #tpu.memory_space<semaphore_mem>>) src(%arg10 : memref<104x128xf32, #tpu.memory_space<vmem>>) dst(%dma_wait3A_99 : memref<104x128xf32, #tpu.memory_space<vmem_shared>>)
      tpu.yield
    }) : () -> ()
    %mul3A_24 = arith.constant 624 : i32
    %mul3A_25 = arith.muli %arg1, %mul3A_24 : i32
    %add3A_26 = arith.constant 520 : i32
    %add3A_27 = arith.addi %mul3A_25, %add3A_26 : i32
    "tpu.region"() ({
      %run_scoped3A = tpu.sem_alloc : memref<!tpu.dma_semaphore, #tpu.memory_space<semaphore_mem>>
      %dma_start3A_92 = arith.constant 0 : i32
      %dma_start3A_93 = tpu.memref_slice %arg23[%add3A_27, %dma_start3A_92] : memref<10000x128xf32, #tpu.memory_space<vmem_shared>> -> memref<104x128xf32, #tpu.memory_space<vmem_shared>>
      %dma_start3A_94 = arith.constant 0 : i32
      %dma_start3A_95 = tpu.memref_slice %arg23[%add3A_27, %dma_start3A_94] : memref<10000x128xf32, #tpu.memory_space<vmem_shared>> -> memref<104x128xf32, #tpu.memory_space<vmem_shared>>
      tpu.enqueue_dma source(%arg10 : memref<104x128xf32, #tpu.memory_space<vmem>>) target(%dma_start3A_95 : memref<104x128xf32, #tpu.memory_space<vmem_shared>>) target_semaphore(%run_scoped3A : memref<!tpu.dma_semaphore, #tpu.memory_space<semaphore_mem>>)
      %dma_wait3A_96 = arith.constant 0 : i32
      %dma_wait3A_97 = tpu.memref_slice %arg23[%add3A_27, %dma_wait3A_96] : memref<10000x128xf32, #tpu.memory_space<vmem_shared>> -> memref<104x128xf32, #tpu.memory_space<vmem_shared>>
      %dma_wait3A_98 = arith.constant 0 : i32
      %dma_wait3A_99 = tpu.memref_slice %arg23[%add3A_27, %dma_wait3A_98] : memref<10000x128xf32, #tpu.memory_space<vmem_shared>> -> memref<104x128xf32, #tpu.memory_space<vmem_shared>>
      tpu.wait_dma2 semaphore(%run_scoped3A : memref<!tpu.dma_semaphore, #tpu.memory_space<semaphore_mem>>) src(%arg10 : memref<104x128xf32, #tpu.memory_space<vmem>>) dst(%dma_wait3A_99 : memref<104x128xf32, #tpu.memory_space<vmem_shared>>)
      tpu.yield
    }) : () -> ()
    %eq3A = arith.constant 15 : i32
    %eq3A_28 = arith.cmpi eq, %arg1, %eq3A : i32
    %convert_element_type3A = arith.extui %eq3A_28 : i1 to i32
    %cond3A = arith.constant 0 : i32
    %cond3A_29 = arith.cmpi ne, %convert_element_type3A, %cond3A : i32
    scf.if %cond3A_29 {
      "tpu.region"() ({
        %run_scoped3A = tpu.sem_alloc : memref<!tpu.dma_semaphore, #tpu.memory_space<semaphore_mem>>
        %dma_start3A_92 = arith.constant 0 : i32
        %dma_start3A_93 = arith.constant 0 : i32
        %dma_start3A_94 = tpu.memref_slice %arg10[%dma_start3A_92, %dma_start3A_93] : memref<104x128xf32, #tpu.memory_space<vmem>> -> memref<16x128xf32, #tpu.memory_space<vmem>>
        %dma_start3A_95 = arith.constant 9984 : i32
        %dma_start3A_96 = arith.constant 0 : i32
        %dma_start3A_97 = tpu.memref_slice %arg23[%dma_start3A_95, %dma_start3A_96] : memref<10000x128xf32, #tpu.memory_space<vmem_shared>> -> memref<16x128xf32, #tpu.memory_space<vmem_shared>>
        %dma_start3A_98 = arith.constant 9984 : i32
        %dma_start3A_99 = arith.constant 0 : i32
        %dma_start3A_100 = tpu.memref_slice %arg23[%dma_start3A_98, %dma_start3A_99] : memref<10000x128xf32, #tpu.memory_space<vmem_shared>> -> memref<16x128xf32, #tpu.memory_space<vmem_shared>>
        %dma_start3A_101 = arith.constant 0 : i32
        %dma_start3A_102 = arith.constant 0 : i32
        %dma_start3A_103 = tpu.memref_slice %arg10[%dma_start3A_101, %dma_start3A_102] : memref<104x128xf32, #tpu.memory_space<vmem>> -> memref<16x128xf32, #tpu.memory_space<vmem>>
        tpu.enqueue_dma source(%dma_start3A_103 : memref<16x128xf32, #tpu.memory_space<vmem>>) target(%dma_start3A_100 : memref<16x128xf32, #tpu.memory_space<vmem_shared>>) target_semaphore(%run_scoped3A : memref<!tpu.dma_semaphore, #tpu.memory_space<semaphore_mem>>)
        %dma_wait3A_104 = arith.constant 0 : i32
        %dma_wait3A_105 = arith.constant 0 : i32
        %dma_wait3A_106 = tpu.memref_slice %arg10[%dma_wait3A_104, %dma_wait3A_105] : memref<104x128xf32, #tpu.memory_space<vmem>> -> memref<16x128xf32, #tpu.memory_space<vmem>>
        %dma_wait3A_107 = arith.constant 9984 : i32
        %dma_wait3A_108 = arith.constant 0 : i32
        %dma_wait3A_109 = tpu.memref_slice %arg23[%dma_wait3A_107, %dma_wait3A_108] : memref<10000x128xf32, #tpu.memory_space<vmem_shared>> -> memref<16x128xf32, #tpu.memory_space<vmem_shared>>
        %dma_wait3A_110 = arith.constant 9984 : i32
        %dma_wait3A_111 = arith.constant 0 : i32
        %dma_wait3A_112 = tpu.memref_slice %arg23[%dma_wait3A_110, %dma_wait3A_111] : memref<10000x128xf32, #tpu.memory_space<vmem_shared>> -> memref<16x128xf32, #tpu.memory_space<vmem_shared>>
        %dma_wait3A_113 = arith.constant 0 : i32
        %dma_wait3A_114 = arith.constant 0 : i32
        %dma_wait3A_115 = tpu.memref_slice %arg10[%dma_wait3A_113, %dma_wait3A_114] : memref<104x128xf32, #tpu.memory_space<vmem>> -> memref<16x128xf32, #tpu.memory_space<vmem>>
        tpu.wait_dma2 semaphore(%run_scoped3A : memref<!tpu.dma_semaphore, #tpu.memory_space<semaphore_mem>>) src(%dma_wait3A_115 : memref<16x128xf32, #tpu.memory_space<vmem>>) dst(%dma_wait3A_112 : memref<16x128xf32, #tpu.memory_space<vmem_shared>>)
        tpu.yield
      }) : () -> ()
    } else {
    }
    %barrier3A = arith.constant 0 : index
    tpu.barrier barrier_id(%barrier3A)
    %mul3A_30 = arith.constant 16 : i32
    %mul3A_31 = arith.muli %arg0, %mul3A_30 : i32
    %add3A_32 = arith.addi %mul3A_31, %arg1 : i32
    %mul3A_33 = arith.constant 10000 : i32
    %mul3A_34 = arith.muli %add3A_32, %mul3A_33 : i32
    "tpu.region"() ({
      %run_scoped3A = tpu.sem_alloc : memref<!tpu.dma_semaphore, #tpu.memory_space<semaphore_mem>>
      %dma_start3A_92 = tpu.memref_slice %arg3[%mul3A_34] : memref<320000xi32, #tpu.memory_space<hbm>> -> memref<10000xi32, #tpu.memory_space<hbm>>
      %dma_start3A_93 = tpu.memref_slice %arg3[%mul3A_34] : memref<320000xi32, #tpu.memory_space<hbm>> -> memref<10000xi32, #tpu.memory_space<hbm>>
      tpu.enqueue_dma source(%dma_start3A_93 : memref<10000xi32, #tpu.memory_space<hbm>>) target(%arg6 : memref<10000xi32, #tpu.memory_space<vmem>>) target_semaphore(%run_scoped3A : memref<!tpu.dma_semaphore, #tpu.memory_space<semaphore_mem>>)
      %dma_wait3A_94 = tpu.memref_slice %arg3[%mul3A_34] : memref<320000xi32, #tpu.memory_space<hbm>> -> memref<10000xi32, #tpu.memory_space<hbm>>
      %dma_wait3A_95 = tpu.memref_slice %arg3[%mul3A_34] : memref<320000xi32, #tpu.memory_space<hbm>> -> memref<10000xi32, #tpu.memory_space<hbm>>
      tpu.wait_dma2 semaphore(%run_scoped3A : memref<!tpu.dma_semaphore, #tpu.memory_space<semaphore_mem>>) src(%dma_wait3A_95 : memref<10000xi32, #tpu.memory_space<hbm>>) dst(%arg6 : memref<10000xi32, #tpu.memory_space<vmem>>)
      tpu.yield
    }) : () -> ()
    "tpu.region"() ({
      %run_scoped3A = tpu.sem_alloc : memref<!tpu.dma_semaphore, #tpu.memory_space<semaphore_mem>>
      %dma_start3A_92 = tpu.memref_slice %arg4[%mul3A_34] : memref<320000xi32, #tpu.memory_space<hbm>> -> memref<16xi32, #tpu.memory_space<hbm>>
      %dma_start3A_93 = tpu.memref_slice %arg4[%mul3A_34] : memref<320000xi32, #tpu.memory_space<hbm>> -> memref<16xi32, #tpu.memory_space<hbm>>
      tpu.enqueue_dma source(%dma_start3A_93 : memref<16xi32, #tpu.memory_space<hbm>>) target(%arg22 : memref<16xi32, #tpu.memory_space<vmem>>) target_semaphore(%run_scoped3A : memref<!tpu.dma_semaphore, #tpu.memory_space<semaphore_mem>>)
      %dma_wait3A_94 = tpu.memref_slice %arg4[%mul3A_34] : memref<320000xi32, #tpu.memory_space<hbm>> -> memref<16xi32, #tpu.memory_space<hbm>>
      %dma_wait3A_95 = tpu.memref_slice %arg4[%mul3A_34] : memref<320000xi32, #tpu.memory_space<hbm>> -> memref<16xi32, #tpu.memory_space<hbm>>
      tpu.wait_dma2 semaphore(%run_scoped3A : memref<!tpu.dma_semaphore, #tpu.memory_space<semaphore_mem>>) src(%dma_wait3A_95 : memref<16xi32, #tpu.memory_space<hbm>>) dst(%arg22 : memref<16xi32, #tpu.memory_space<vmem>>)
      tpu.yield
    }) : () -> ()
    "tpu.region"() ({
      %run_scoped3A = tpu.sem_alloc : memref<!tpu.dma_semaphore, #tpu.memory_space<semaphore_mem>>
      %dma_start3A_92 = arith.constant 0 : i32
      %dma_start3A_93 = arith.constant 0 : i32
      %dma_start3A_94 = tpu.memref_slice %arg10[%dma_start3A_92, %dma_start3A_93] : memref<104x128xf32, #tpu.memory_space<vmem>> -> memref<16x128xf32, #tpu.memory_space<vmem>>
      %dma_start3A_95 = arith.constant 0 : i32
      %dma_start3A_96 = tpu.memref_slice %arg6[%dma_start3A_95] : memref<10000xi32, #tpu.memory_space<vmem>> -> memref<16xi32, #tpu.memory_space<vmem>>
      %dma_start3A_97 = arith.constant 0 : i32
      %dma_start3A_98 = arith.constant 0 : i32
      %dma_start3A_99 = tpu.memref_slice %arg2[%dma_start3A_97, %dma_start3A_98] : memref<80000x128xf32, #tpu.memory_space<hbm>> -> memref<80000x128xf32, #tpu.memory_space<hbm>>
      tpu.enqueue_indirect_dma source(%dma_start3A_99 : memref<80000x128xf32, #tpu.memory_space<hbm>>) target(%dma_start3A_94 : memref<16x128xf32, #tpu.memory_space<vmem>>) offsets(%dma_start3A_96 : memref<16xi32, #tpu.memory_space<vmem>>) semaphore(%run_scoped3A : memref<!tpu.dma_semaphore, #tpu.memory_space<semaphore_mem>>)
      %dma_wait3A_100 = arith.constant 0 : i32
      %dma_wait3A_101 = arith.constant 0 : i32
      %dma_wait3A_102 = tpu.memref_slice %arg10[%dma_wait3A_100, %dma_wait3A_101] : memref<104x128xf32, #tpu.memory_space<vmem>> -> memref<16x128xf32, #tpu.memory_space<vmem>>
      %dma_wait3A_103 = arith.constant 0 : i32
      %dma_wait3A_104 = tpu.memref_slice %arg6[%dma_wait3A_103] : memref<10000xi32, #tpu.memory_space<vmem>> -> memref<16xi32, #tpu.memory_space<vmem>>
      %dma_wait3A_105 = arith.constant 0 : i32
      %dma_wait3A_106 = arith.constant 0 : i32
      %dma_wait3A_107 = tpu.memref_slice %arg2[%dma_wait3A_105, %dma_wait3A_106] : memref<80000x128xf32, #tpu.memory_space<hbm>> -> memref<80000x128xf32, #tpu.memory_space<hbm>>
      tpu.wait_indirect_dma semaphore(%run_scoped3A : memref<!tpu.dma_semaphore, #tpu.memory_space<semaphore_mem>>) src(%dma_wait3A_107 : memref<80000x128xf32, #tpu.memory_space<hbm>>) dst(%dma_wait3A_102 : memref<16x128xf32, #tpu.memory_space<vmem>>)
      tpu.yield
    }) : () -> ()
    "tpu.region"() ({
      %run_scoped3A = tpu.sem_alloc : memref<!tpu.dma_semaphore, #tpu.memory_space<semaphore_mem>>
      %dma_start3A_92 = arith.constant 0 : i32
      %dma_start3A_93 = arith.constant 0 : i32
      %dma_start3A_94 = tpu.memref_slice %arg10[%dma_start3A_92, %dma_start3A_93] : memref<104x128xf32, #tpu.memory_space<vmem>> -> memref<16x128xf32, #tpu.memory_space<vmem>>
      %dma_start3A_95 = arith.constant 0 : i32
      %dma_start3A_96 = arith.constant 0 : i32
      %dma_start3A_97 = tpu.memref_slice %arg23[%dma_start3A_95, %dma_start3A_96] : memref<10000x128xf32, #tpu.memory_space<vmem_shared>> -> memref<10000x128xf32, #tpu.memory_space<vmem_shared>>
      tpu.enqueue_indirect_dma source(%dma_start3A_94 : memref<16x128xf32, #tpu.memory_space<vmem>>) target(%dma_start3A_97 : memref<10000x128xf32, #tpu.memory_space<vmem_shared>>) offsets(%arg22 : memref<16xi32, #tpu.memory_space<vmem>>) semaphore(%run_scoped3A : memref<!tpu.dma_semaphore, #tpu.memory_space<semaphore_mem>>) {add = true}
      %dma_wait3A_98 = arith.constant 0 : i32
      %dma_wait3A_99 = arith.constant 0 : i32
      %dma_wait3A_100 = tpu.memref_slice %arg10[%dma_wait3A_98, %dma_wait3A_99] : memref<104x128xf32, #tpu.memory_space<vmem>> -> memref<16x128xf32, #tpu.memory_space<vmem>>
      %dma_wait3A_101 = arith.constant 0 : i32
      %dma_wait3A_102 = arith.constant 0 : i32
      %dma_wait3A_103 = tpu.memref_slice %arg23[%dma_wait3A_101, %dma_wait3A_102] : memref<10000x128xf32, #tpu.memory_space<vmem_shared>> -> memref<10000x128xf32, #tpu.memory_space<vmem_shared>>
      tpu.wait_indirect_dma semaphore(%run_scoped3A : memref<!tpu.dma_semaphore, #tpu.memory_space<semaphore_mem>>) src(%dma_wait3A_100 : memref<16x128xf32, #tpu.memory_space<vmem>>) dst(%dma_wait3A_103 : memref<10000x128xf32, #tpu.memory_space<vmem_shared>>)
      tpu.yield
    }) : () -> ()
    %mul3A_35 = arith.constant 0 : i32
    %mul3A_36 = arith.constant 104 : i32
    %mul3A_37 = arith.muli %mul3A_35, %mul3A_36 : i32
    %add3A_38 = arith.constant 16 : i32
    %add3A_39 = arith.addi %add3A_38, %mul3A_37 : i32
    %add3A_40 = arith.addi %mul3A_34, %add3A_39 : i32
    %dma_start3A = tpu.memref_slice %arg4[%add3A_40] : memref<320000xi32, #tpu.memory_space<hbm>> -> memref<104xi32, #tpu.memory_space<hbm>>
    %dma_start3A_41 = tpu.memref_slice %arg4[%add3A_40] : memref<320000xi32, #tpu.memory_space<hbm>> -> memref<104xi32, #tpu.memory_space<hbm>>
    tpu.enqueue_dma source(%dma_start3A_41 : memref<104xi32, #tpu.memory_space<hbm>>) target(%arg7 : memref<104xi32, #tpu.memory_space<vmem>>) target_semaphore(%arg16 : memref<!tpu.dma_semaphore, #tpu.memory_space<semaphore_mem>>)
    %dma_start3A_42 = tpu.memref_slice %arg6[%add3A_39] : memref<10000xi32, #tpu.memory_space<vmem>> -> memref<104xi32, #tpu.memory_space<vmem>>
    %dma_start3A_43 = arith.constant 0 : i32
    %dma_start3A_44 = arith.constant 0 : i32
    %dma_start3A_45 = tpu.memref_slice %arg2[%dma_start3A_43, %dma_start3A_44] : memref<80000x128xf32, #tpu.memory_space<hbm>> -> memref<80000x128xf32, #tpu.memory_space<hbm>>
    tpu.enqueue_indirect_dma source(%dma_start3A_45 : memref<80000x128xf32, #tpu.memory_space<hbm>>) target(%arg10 : memref<104x128xf32, #tpu.memory_space<vmem>>) offsets(%dma_start3A_42 : memref<104xi32, #tpu.memory_space<vmem>>) semaphore(%arg13 : memref<!tpu.dma_semaphore, #tpu.memory_space<semaphore_mem>>)
    %mul3A_46 = arith.constant 1 : i32
    %mul3A_47 = arith.constant 104 : i32
    %mul3A_48 = arith.muli %mul3A_46, %mul3A_47 : i32
    %add3A_49 = arith.constant 16 : i32
    %add3A_50 = arith.addi %add3A_49, %mul3A_48 : i32
    %add3A_51 = arith.addi %mul3A_34, %add3A_50 : i32
    %dma_start3A_52 = tpu.memref_slice %arg4[%add3A_51] : memref<320000xi32, #tpu.memory_space<hbm>> -> memref<104xi32, #tpu.memory_space<hbm>>
    %dma_start3A_53 = tpu.memref_slice %arg4[%add3A_51] : memref<320000xi32, #tpu.memory_space<hbm>> -> memref<104xi32, #tpu.memory_space<hbm>>
    tpu.enqueue_dma source(%dma_start3A_53 : memref<104xi32, #tpu.memory_space<hbm>>) target(%arg8 : memref<104xi32, #tpu.memory_space<vmem>>) target_semaphore(%arg17 : memref<!tpu.dma_semaphore, #tpu.memory_space<semaphore_mem>>)
    %dma_start3A_54 = tpu.memref_slice %arg6[%add3A_50] : memref<10000xi32, #tpu.memory_space<vmem>> -> memref<104xi32, #tpu.memory_space<vmem>>
    %dma_start3A_55 = arith.constant 0 : i32
    %dma_start3A_56 = arith.constant 0 : i32
    %dma_start3A_57 = tpu.memref_slice %arg2[%dma_start3A_55, %dma_start3A_56] : memref<80000x128xf32, #tpu.memory_space<hbm>> -> memref<80000x128xf32, #tpu.memory_space<hbm>>
    tpu.enqueue_indirect_dma source(%dma_start3A_57 : memref<80000x128xf32, #tpu.memory_space<hbm>>) target(%arg11 : memref<104x128xf32, #tpu.memory_space<vmem>>) offsets(%dma_start3A_54 : memref<104xi32, #tpu.memory_space<vmem>>) semaphore(%arg14 : memref<!tpu.dma_semaphore, #tpu.memory_space<semaphore_mem>>)
    %mul3A_58 = arith.constant 2 : i32
    %mul3A_59 = arith.constant 104 : i32
    %mul3A_60 = arith.muli %mul3A_58, %mul3A_59 : i32
    %add3A_61 = arith.constant 16 : i32
    %add3A_62 = arith.addi %add3A_61, %mul3A_60 : i32
    %add3A_63 = arith.addi %mul3A_34, %add3A_62 : i32
    %dma_start3A_64 = tpu.memref_slice %arg4[%add3A_63] : memref<320000xi32, #tpu.memory_space<hbm>> -> memref<104xi32, #tpu.memory_space<hbm>>
    %dma_start3A_65 = tpu.memref_slice %arg4[%add3A_63] : memref<320000xi32, #tpu.memory_space<hbm>> -> memref<104xi32, #tpu.memory_space<hbm>>
    tpu.enqueue_dma source(%dma_start3A_65 : memref<104xi32, #tpu.memory_space<hbm>>) target(%arg9 : memref<104xi32, #tpu.memory_space<vmem>>) target_semaphore(%arg18 : memref<!tpu.dma_semaphore, #tpu.memory_space<semaphore_mem>>)
    %dma_start3A_66 = tpu.memref_slice %arg6[%add3A_62] : memref<10000xi32, #tpu.memory_space<vmem>> -> memref<104xi32, #tpu.memory_space<vmem>>
    %dma_start3A_67 = arith.constant 0 : i32
    %dma_start3A_68 = arith.constant 0 : i32
    %dma_start3A_69 = tpu.memref_slice %arg2[%dma_start3A_67, %dma_start3A_68] : memref<80000x128xf32, #tpu.memory_space<hbm>> -> memref<80000x128xf32, #tpu.memory_space<hbm>>
    tpu.enqueue_indirect_dma source(%dma_start3A_69 : memref<80000x128xf32, #tpu.memory_space<hbm>>) target(%arg12 : memref<104x128xf32, #tpu.memory_space<vmem>>) offsets(%dma_start3A_66 : memref<104xi32, #tpu.memory_space<vmem>>) semaphore(%arg15 : memref<!tpu.dma_semaphore, #tpu.memory_space<semaphore_mem>>)
    %scan3A_70 = arith.constant 0 : i32
    %scan3A_71 = arith.constant 0 : i32
    %scan3A_72 = arith.constant 32 : i32
    %scan3A_73 = arith.addi %scan3A_71, %scan3A_72 : i32
    %scan3A_74 = arith.constant 1 : i32
    scf.for %scan3A_92 = %scan3A_71 to %scan3A_73 step %scan3A_74  : i32 {
      %mul3A_93 = arith.constant 3 : i32
      %mul3A_94 = arith.muli %scan3A_92, %mul3A_93 : i32
      %add3A_95 = arith.constant 0 : i32
      %add3A_96 = arith.addi %mul3A_94, %add3A_95 : i32
      %lt3A = arith.constant 96 : i32
      %lt3A_97 = arith.cmpi slt, %add3A_96, %lt3A : i32
      %convert_element_type3A_98 = arith.extui %lt3A_97 : i1 to i32
      %cond3A_99 = arith.constant 0 : i32
      %cond3A_100 = arith.cmpi ne, %convert_element_type3A_98, %cond3A_99 : i32
      scf.if %cond3A_100 {
        %dma_wait3A_136 = arith.constant 0 : i32
        %dma_wait3A_137 = tpu.memref_slice %arg6[%dma_wait3A_136] : memref<10000xi32, #tpu.memory_space<vmem>> -> memref<104xi32, #tpu.memory_space<vmem>>
        %dma_wait3A_138 = arith.constant 0 : i32
        %dma_wait3A_139 = arith.constant 0 : i32
        %dma_wait3A_140 = tpu.memref_slice %arg2[%dma_wait3A_138, %dma_wait3A_139] : memref<80000x128xf32, #tpu.memory_space<hbm>> -> memref<80000x128xf32, #tpu.memory_space<hbm>>
        tpu.wait_indirect_dma semaphore(%arg13 : memref<!tpu.dma_semaphore, #tpu.memory_space<semaphore_mem>>) src(%dma_wait3A_140 : memref<80000x128xf32, #tpu.memory_space<hbm>>) dst(%arg10 : memref<104x128xf32, #tpu.memory_space<vmem>>)
        %dma_wait3A_141 = tpu.memref_slice %arg4[%mul3A_34] : memref<320000xi32, #tpu.memory_space<hbm>> -> memref<104xi32, #tpu.memory_space<hbm>>
        %dma_wait3A_142 = tpu.memref_slice %arg4[%mul3A_34] : memref<320000xi32, #tpu.memory_space<hbm>> -> memref<104xi32, #tpu.memory_space<hbm>>
        tpu.wait_dma2 semaphore(%arg16 : memref<!tpu.dma_semaphore, #tpu.memory_space<semaphore_mem>>) src(%dma_wait3A_142 : memref<104xi32, #tpu.memory_space<hbm>>) dst(%arg7 : memref<104xi32, #tpu.memory_space<vmem>>)
        %dma_start3A_143 = arith.constant 0 : i32
        %dma_start3A_144 = arith.constant 0 : i32
        %dma_start3A_145 = tpu.memref_slice %arg23[%dma_start3A_143, %dma_start3A_144] : memref<10000x128xf32, #tpu.memory_space<vmem_shared>> -> memref<10000x128xf32, #tpu.memory_space<vmem_shared>>
        tpu.enqueue_indirect_dma source(%arg10 : memref<104x128xf32, #tpu.memory_space<vmem>>) target(%dma_start3A_145 : memref<10000x128xf32, #tpu.memory_space<vmem_shared>>) offsets(%arg7 : memref<104xi32, #tpu.memory_space<vmem>>) semaphore(%arg19 : memref<!tpu.dma_semaphore, #tpu.memory_space<semaphore_mem>>) {add = true}
      } else {
      }
      %add3A_101 = arith.constant 3 : i32
      %add3A_102 = arith.addi %add3A_96, %add3A_101 : i32
      %lt3A_103 = arith.constant 96 : i32
      %lt3A_104 = arith.cmpi slt, %add3A_102, %lt3A_103 : i32
      %convert_element_type3A_105 = arith.extui %lt3A_104 : i1 to i32
      %cond3A_106 = arith.constant 0 : i32
      %cond3A_107 = arith.cmpi ne, %convert_element_type3A_105, %cond3A_106 : i32
      scf.if %cond3A_107 {
        %dma_wait3A_136 = arith.constant 0 : i32
        %dma_wait3A_137 = arith.constant 0 : i32
        %dma_wait3A_138 = tpu.memref_slice %arg23[%dma_wait3A_136, %dma_wait3A_137] : memref<10000x128xf32, #tpu.memory_space<vmem_shared>> -> memref<10000x128xf32, #tpu.memory_space<vmem_shared>>
        tpu.wait_indirect_dma semaphore(%arg19 : memref<!tpu.dma_semaphore, #tpu.memory_space<semaphore_mem>>) src(%arg10 : memref<104x128xf32, #tpu.memory_space<vmem>>) dst(%dma_wait3A_138 : memref<10000x128xf32, #tpu.memory_space<vmem_shared>>)
        %add3A_139 = arith.constant 3 : i32
        %add3A_140 = arith.addi %add3A_96, %add3A_139 : i32
        %mul3A_141 = arith.constant 104 : i32
        %mul3A_142 = arith.muli %add3A_140, %mul3A_141 : i32
        %add3A_143 = arith.constant 16 : i32
        %add3A_144 = arith.addi %add3A_143, %mul3A_142 : i32
        %add3A_145 = arith.addi %mul3A_34, %add3A_144 : i32
        %dma_start3A_146 = tpu.memref_slice %arg4[%add3A_145] : memref<320000xi32, #tpu.memory_space<hbm>> -> memref<104xi32, #tpu.memory_space<hbm>>
        %dma_start3A_147 = tpu.memref_slice %arg4[%add3A_145] : memref<320000xi32, #tpu.memory_space<hbm>> -> memref<104xi32, #tpu.memory_space<hbm>>
        tpu.enqueue_dma source(%dma_start3A_147 : memref<104xi32, #tpu.memory_space<hbm>>) target(%arg7 : memref<104xi32, #tpu.memory_space<vmem>>) target_semaphore(%arg16 : memref<!tpu.dma_semaphore, #tpu.memory_space<semaphore_mem>>)
        %dma_start3A_148 = tpu.memref_slice %arg6[%add3A_144] : memref<10000xi32, #tpu.memory_space<vmem>> -> memref<104xi32, #tpu.memory_space<vmem>>
        %dma_start3A_149 = arith.constant 0 : i32
        %dma_start3A_150 = arith.constant 0 : i32
        %dma_start3A_151 = tpu.memref_slice %arg2[%dma_start3A_149, %dma_start3A_150] : memref<80000x128xf32, #tpu.memory_space<hbm>> -> memref<80000x128xf32, #tpu.memory_space<hbm>>
        tpu.enqueue_indirect_dma source(%dma_start3A_151 : memref<80000x128xf32, #tpu.memory_space<hbm>>) target(%arg10 : memref<104x128xf32, #tpu.memory_space<vmem>>) offsets(%dma_start3A_148 : memref<104xi32, #tpu.memory_space<vmem>>) semaphore(%arg13 : memref<!tpu.dma_semaphore, #tpu.memory_space<semaphore_mem>>)
      } else {
      }
      %add3A_108 = arith.constant 1 : i32
      %add3A_109 = arith.addi %mul3A_94, %add3A_108 : i32
      %lt3A_110 = arith.constant 96 : i32
      %lt3A_111 = arith.cmpi slt, %add3A_109, %lt3A_110 : i32
      %convert_element_type3A_112 = arith.extui %lt3A_111 : i1 to i32
      %cond3A_113 = arith.constant 0 : i32
      %cond3A_114 = arith.cmpi ne, %convert_element_type3A_112, %cond3A_113 : i32
      scf.if %cond3A_114 {
        %dma_wait3A_136 = arith.constant 0 : i32
        %dma_wait3A_137 = tpu.memref_slice %arg6[%dma_wait3A_136] : memref<10000xi32, #tpu.memory_space<vmem>> -> memref<104xi32, #tpu.memory_space<vmem>>
        %dma_wait3A_138 = arith.constant 0 : i32
        %dma_wait3A_139 = arith.constant 0 : i32
        %dma_wait3A_140 = tpu.memref_slice %arg2[%dma_wait3A_138, %dma_wait3A_139] : memref<80000x128xf32, #tpu.memory_space<hbm>> -> memref<80000x128xf32, #tpu.memory_space<hbm>>
        tpu.wait_indirect_dma semaphore(%arg14 : memref<!tpu.dma_semaphore, #tpu.memory_space<semaphore_mem>>) src(%dma_wait3A_140 : memref<80000x128xf32, #tpu.memory_space<hbm>>) dst(%arg11 : memref<104x128xf32, #tpu.memory_space<vmem>>)
        %dma_wait3A_141 = tpu.memref_slice %arg4[%mul3A_34] : memref<320000xi32, #tpu.memory_space<hbm>> -> memref<104xi32, #tpu.memory_space<hbm>>
        %dma_wait3A_142 = tpu.memref_slice %arg4[%mul3A_34] : memref<320000xi32, #tpu.memory_space<hbm>> -> memref<104xi32, #tpu.memory_space<hbm>>
        tpu.wait_dma2 semaphore(%arg17 : memref<!tpu.dma_semaphore, #tpu.memory_space<semaphore_mem>>) src(%dma_wait3A_142 : memref<104xi32, #tpu.memory_space<hbm>>) dst(%arg8 : memref<104xi32, #tpu.memory_space<vmem>>)
        %dma_start3A_143 = arith.constant 0 : i32
        %dma_start3A_144 = arith.constant 0 : i32
        %dma_start3A_145 = tpu.memref_slice %arg23[%dma_start3A_143, %dma_start3A_144] : memref<10000x128xf32, #tpu.memory_space<vmem_shared>> -> memref<10000x128xf32, #tpu.memory_space<vmem_shared>>
        tpu.enqueue_indirect_dma source(%arg11 : memref<104x128xf32, #tpu.memory_space<vmem>>) target(%dma_start3A_145 : memref<10000x128xf32, #tpu.memory_space<vmem_shared>>) offsets(%arg8 : memref<104xi32, #tpu.memory_space<vmem>>) semaphore(%arg20 : memref<!tpu.dma_semaphore, #tpu.memory_space<semaphore_mem>>) {add = true}
      } else {
      }
      %add3A_115 = arith.constant 3 : i32
      %add3A_116 = arith.addi %add3A_109, %add3A_115 : i32
      %lt3A_117 = arith.constant 96 : i32
      %lt3A_118 = arith.cmpi slt, %add3A_116, %lt3A_117 : i32
      %convert_element_type3A_119 = arith.extui %lt3A_118 : i1 to i32
      %cond3A_120 = arith.constant 0 : i32
      %cond3A_121 = arith.cmpi ne, %convert_element_type3A_119, %cond3A_120 : i32
      scf.if %cond3A_121 {
        %dma_wait3A_136 = arith.constant 0 : i32
        %dma_wait3A_137 = arith.constant 0 : i32
        %dma_wait3A_138 = tpu.memref_slice %arg23[%dma_wait3A_136, %dma_wait3A_137] : memref<10000x128xf32, #tpu.memory_space<vmem_shared>> -> memref<10000x128xf32, #tpu.memory_space<vmem_shared>>
        tpu.wait_indirect_dma semaphore(%arg20 : memref<!tpu.dma_semaphore, #tpu.memory_space<semaphore_mem>>) src(%arg11 : memref<104x128xf32, #tpu.memory_space<vmem>>) dst(%dma_wait3A_138 : memref<10000x128xf32, #tpu.memory_space<vmem_shared>>)
        %add3A_139 = arith.constant 3 : i32
        %add3A_140 = arith.addi %add3A_109, %add3A_139 : i32
        %mul3A_141 = arith.constant 104 : i32
        %mul3A_142 = arith.muli %add3A_140, %mul3A_141 : i32
        %add3A_143 = arith.constant 16 : i32
        %add3A_144 = arith.addi %add3A_143, %mul3A_142 : i32
        %add3A_145 = arith.addi %mul3A_34, %add3A_144 : i32
        %dma_start3A_146 = tpu.memref_slice %arg4[%add3A_145] : memref<320000xi32, #tpu.memory_space<hbm>> -> memref<104xi32, #tpu.memory_space<hbm>>
        %dma_start3A_147 = tpu.memref_slice %arg4[%add3A_145] : memref<320000xi32, #tpu.memory_space<hbm>> -> memref<104xi32, #tpu.memory_space<hbm>>
        tpu.enqueue_dma source(%dma_start3A_147 : memref<104xi32, #tpu.memory_space<hbm>>) target(%arg8 : memref<104xi32, #tpu.memory_space<vmem>>) target_semaphore(%arg17 : memref<!tpu.dma_semaphore, #tpu.memory_space<semaphore_mem>>)
        %dma_start3A_148 = tpu.memref_slice %arg6[%add3A_144] : memref<10000xi32, #tpu.memory_space<vmem>> -> memref<104xi32, #tpu.memory_space<vmem>>
        %dma_start3A_149 = arith.constant 0 : i32
        %dma_start3A_150 = arith.constant 0 : i32
        %dma_start3A_151 = tpu.memref_slice %arg2[%dma_start3A_149, %dma_start3A_150] : memref<80000x128xf32, #tpu.memory_space<hbm>> -> memref<80000x128xf32, #tpu.memory_space<hbm>>
        tpu.enqueue_indirect_dma source(%dma_start3A_151 : memref<80000x128xf32, #tpu.memory_space<hbm>>) target(%arg11 : memref<104x128xf32, #tpu.memory_space<vmem>>) offsets(%dma_start3A_148 : memref<104xi32, #tpu.memory_space<vmem>>) semaphore(%arg14 : memref<!tpu.dma_semaphore, #tpu.memory_space<semaphore_mem>>)
      } else {
      }
      %add3A_122 = arith.constant 2 : i32
      %add3A_123 = arith.addi %mul3A_94, %add3A_122 : i32
      %lt3A_124 = arith.constant 96 : i32
      %lt3A_125 = arith.cmpi slt, %add3A_123, %lt3A_124 : i32
      %convert_element_type3A_126 = arith.extui %lt3A_125 : i1 to i32
      %cond3A_127 = arith.constant 0 : i32
      %cond3A_128 = arith.cmpi ne, %convert_element_type3A_126, %cond3A_127 : i32
      scf.if %cond3A_128 {
        %dma_wait3A_136 = arith.constant 0 : i32
        %dma_wait3A_137 = tpu.memref_slice %arg6[%dma_wait3A_136] : memref<10000xi32, #tpu.memory_space<vmem>> -> memref<104xi32, #tpu.memory_space<vmem>>
        %dma_wait3A_138 = arith.constant 0 : i32
        %dma_wait3A_139 = arith.constant 0 : i32
        %dma_wait3A_140 = tpu.memref_slice %arg2[%dma_wait3A_138, %dma_wait3A_139] : memref<80000x128xf32, #tpu.memory_space<hbm>> -> memref<80000x128xf32, #tpu.memory_space<hbm>>
        tpu.wait_indirect_dma semaphore(%arg15 : memref<!tpu.dma_semaphore, #tpu.memory_space<semaphore_mem>>) src(%dma_wait3A_140 : memref<80000x128xf32, #tpu.memory_space<hbm>>) dst(%arg12 : memref<104x128xf32, #tpu.memory_space<vmem>>)
        %dma_wait3A_141 = tpu.memref_slice %arg4[%mul3A_34] : memref<320000xi32, #tpu.memory_space<hbm>> -> memref<104xi32, #tpu.memory_space<hbm>>
        %dma_wait3A_142 = tpu.memref_slice %arg4[%mul3A_34] : memref<320000xi32, #tpu.memory_space<hbm>> -> memref<104xi32, #tpu.memory_space<hbm>>
        tpu.wait_dma2 semaphore(%arg18 : memref<!tpu.dma_semaphore, #tpu.memory_space<semaphore_mem>>) src(%dma_wait3A_142 : memref<104xi32, #tpu.memory_space<hbm>>) dst(%arg9 : memref<104xi32, #tpu.memory_space<vmem>>)
        %dma_start3A_143 = arith.constant 0 : i32
        %dma_start3A_144 = arith.constant 0 : i32
        %dma_start3A_145 = tpu.memref_slice %arg23[%dma_start3A_143, %dma_start3A_144] : memref<10000x128xf32, #tpu.memory_space<vmem_shared>> -> memref<10000x128xf32, #tpu.memory_space<vmem_shared>>
        tpu.enqueue_indirect_dma source(%arg12 : memref<104x128xf32, #tpu.memory_space<vmem>>) target(%dma_start3A_145 : memref<10000x128xf32, #tpu.memory_space<vmem_shared>>) offsets(%arg9 : memref<104xi32, #tpu.memory_space<vmem>>) semaphore(%arg21 : memref<!tpu.dma_semaphore, #tpu.memory_space<semaphore_mem>>) {add = true}
      } else {
      }
      %add3A_129 = arith.constant 3 : i32
      %add3A_130 = arith.addi %add3A_123, %add3A_129 : i32
      %lt3A_131 = arith.constant 96 : i32
      %lt3A_132 = arith.cmpi slt, %add3A_130, %lt3A_131 : i32
      %convert_element_type3A_133 = arith.extui %lt3A_132 : i1 to i32
      %cond3A_134 = arith.constant 0 : i32
      %cond3A_135 = arith.cmpi ne, %convert_element_type3A_133, %cond3A_134 : i32
      scf.if %cond3A_135 {
        %dma_wait3A_136 = arith.constant 0 : i32
        %dma_wait3A_137 = arith.constant 0 : i32
        %dma_wait3A_138 = tpu.memref_slice %arg23[%dma_wait3A_136, %dma_wait3A_137] : memref<10000x128xf32, #tpu.memory_space<vmem_shared>> -> memref<10000x128xf32, #tpu.memory_space<vmem_shared>>
        tpu.wait_indirect_dma semaphore(%arg21 : memref<!tpu.dma_semaphore, #tpu.memory_space<semaphore_mem>>) src(%arg12 : memref<104x128xf32, #tpu.memory_space<vmem>>) dst(%dma_wait3A_138 : memref<10000x128xf32, #tpu.memory_space<vmem_shared>>)
        %add3A_139 = arith.constant 3 : i32
        %add3A_140 = arith.addi %add3A_123, %add3A_139 : i32
        %mul3A_141 = arith.constant 104 : i32
        %mul3A_142 = arith.muli %add3A_140, %mul3A_141 : i32
        %add3A_143 = arith.constant 16 : i32
        %add3A_144 = arith.addi %add3A_143, %mul3A_142 : i32
        %add3A_145 = arith.addi %mul3A_34, %add3A_144 : i32
        %dma_start3A_146 = tpu.memref_slice %arg4[%add3A_145] : memref<320000xi32, #tpu.memory_space<hbm>> -> memref<104xi32, #tpu.memory_space<hbm>>
        %dma_start3A_147 = tpu.memref_slice %arg4[%add3A_145] : memref<320000xi32, #tpu.memory_space<hbm>> -> memref<104xi32, #tpu.memory_space<hbm>>
        tpu.enqueue_dma source(%dma_start3A_147 : memref<104xi32, #tpu.memory_space<hbm>>) target(%arg9 : memref<104xi32, #tpu.memory_space<vmem>>) target_semaphore(%arg18 : memref<!tpu.dma_semaphore, #tpu.memory_space<semaphore_mem>>)
        %dma_start3A_148 = tpu.memref_slice %arg6[%add3A_144] : memref<10000xi32, #tpu.memory_space<vmem>> -> memref<104xi32, #tpu.memory_space<vmem>>
        %dma_start3A_149 = arith.constant 0 : i32
        %dma_start3A_150 = arith.constant 0 : i32
        %dma_start3A_151 = tpu.memref_slice %arg2[%dma_start3A_149, %dma_start3A_150] : memref<80000x128xf32, #tpu.memory_space<hbm>> -> memref<80000x128xf32, #tpu.memory_space<hbm>>
        tpu.enqueue_indirect_dma source(%dma_start3A_151 : memref<80000x128xf32, #tpu.memory_space<hbm>>) target(%arg12 : memref<104x128xf32, #tpu.memory_space<vmem>>) offsets(%dma_start3A_148 : memref<104xi32, #tpu.memory_space<vmem>>) semaphore(%arg15 : memref<!tpu.dma_semaphore, #tpu.memory_space<semaphore_mem>>)
      } else {
      }
    }
    %scan3A_75 = arith.constant 32 : i32
    %dma_wait3A = arith.constant 0 : i32
    %dma_wait3A_76 = arith.constant 0 : i32
    %dma_wait3A_77 = tpu.memref_slice %arg23[%dma_wait3A, %dma_wait3A_76] : memref<10000x128xf32, #tpu.memory_space<vmem_shared>> -> memref<10000x128xf32, #tpu.memory_space<vmem_shared>>
    tpu.wait_indirect_dma semaphore(%arg19 : memref<!tpu.dma_semaphore, #tpu.memory_space<semaphore_mem>>) src(%arg10 : memref<104x128xf32, #tpu.memory_space<vmem>>) dst(%dma_wait3A_77 : memref<10000x128xf32, #tpu.memory_space<vmem_shared>>)
    %dma_wait3A_78 = arith.constant 0 : i32
    %dma_wait3A_79 = arith.constant 0 : i32
    %dma_wait3A_80 = tpu.memref_slice %arg23[%dma_wait3A_78, %dma_wait3A_79] : memref<10000x128xf32, #tpu.memory_space<vmem_shared>> -> memref<10000x128xf32, #tpu.memory_space<vmem_shared>>
    tpu.wait_indirect_dma semaphore(%arg20 : memref<!tpu.dma_semaphore, #tpu.memory_space<semaphore_mem>>) src(%arg11 : memref<104x128xf32, #tpu.memory_space<vmem>>) dst(%dma_wait3A_80 : memref<10000x128xf32, #tpu.memory_space<vmem_shared>>)
    %dma_wait3A_81 = arith.constant 0 : i32
    %dma_wait3A_82 = arith.constant 0 : i32
    %dma_wait3A_83 = tpu.memref_slice %arg23[%dma_wait3A_81, %dma_wait3A_82] : memref<10000x128xf32, #tpu.memory_space<vmem_shared>> -> memref<10000x128xf32, #tpu.memory_space<vmem_shared>>
    tpu.wait_indirect_dma semaphore(%arg21 : memref<!tpu.dma_semaphore, #tpu.memory_space<semaphore_mem>>) src(%arg12 : memref<104x128xf32, #tpu.memory_space<vmem>>) dst(%dma_wait3A_83 : memref<10000x128xf32, #tpu.memory_space<vmem_shared>>)
    %barrier3A_84 = arith.constant 0 : index
    tpu.barrier barrier_id(%barrier3A_84)
    %mul3A_85 = arith.constant 624 : i32
    %mul3A_86 = arith.muli %arg1, %mul3A_85 : i32
    "tpu.region"() ({
      %run_scoped3A = tpu.sem_alloc : memref<!tpu.dma_semaphore, #tpu.memory_space<semaphore_mem>>
      %dma_start3A_92 = arith.constant 0 : i32
      %dma_start3A_93 = tpu.memref_slice %arg5[%arg0, %mul3A_86, %dma_start3A_92] : memref<2x10000x128xf32, #tpu.memory_space<hbm>> -> memref<1x624x128xf32, #tpu.memory_space<hbm>>
      %dma_start3A_94 = tpu.memref_squeeze %dma_start3A_93 : memref<1x624x128xf32, #tpu.memory_space<hbm>> -> memref<624x128xf32, #tpu.memory_space<hbm>>
      %dma_start3A_95 = arith.constant 0 : i32
      %dma_start3A_96 = tpu.memref_slice %arg23[%mul3A_86, %dma_start3A_95] : memref<10000x128xf32, #tpu.memory_space<vmem_shared>> -> memref<624x128xf32, #tpu.memory_space<vmem_shared>>
      tpu.enqueue_dma source(%dma_start3A_96 : memref<624x128xf32, #tpu.memory_space<vmem_shared>>) target(%dma_start3A_94 : memref<624x128xf32, #tpu.memory_space<hbm>>) target_semaphore(%run_scoped3A : memref<!tpu.dma_semaphore, #tpu.memory_space<semaphore_mem>>)
      %dma_wait3A_97 = arith.constant 0 : i32
      %dma_wait3A_98 = tpu.memref_slice %arg5[%arg0, %mul3A_86, %dma_wait3A_97] : memref<2x10000x128xf32, #tpu.memory_space<hbm>> -> memref<1x624x128xf32, #tpu.memory_space<hbm>>
      %dma_wait3A_99 = tpu.memref_squeeze %dma_wait3A_98 : memref<1x624x128xf32, #tpu.memory_space<hbm>> -> memref<624x128xf32, #tpu.memory_space<hbm>>
      %dma_wait3A_100 = arith.constant 0 : i32
      %dma_wait3A_101 = tpu.memref_slice %arg23[%mul3A_86, %dma_wait3A_100] : memref<10000x128xf32, #tpu.memory_space<vmem_shared>> -> memref<624x128xf32, #tpu.memory_space<vmem_shared>>
      tpu.wait_dma2 semaphore(%run_scoped3A : memref<!tpu.dma_semaphore, #tpu.memory_space<semaphore_mem>>) src(%dma_wait3A_101 : memref<624x128xf32, #tpu.memory_space<vmem_shared>>) dst(%dma_wait3A_99 : memref<624x128xf32, #tpu.memory_space<hbm>>)
      tpu.yield
    }) : () -> ()
    %eq3A_87 = arith.constant 15 : i32
    %eq3A_88 = arith.cmpi eq, %arg1, %eq3A_87 : i32
    %convert_element_type3A_89 = arith.extui %eq3A_88 : i1 to i32
    %cond3A_90 = arith.constant 0 : i32
    %cond3A_91 = arith.cmpi ne, %convert_element_type3A_89, %cond3A_90 : i32
    scf.if %cond3A_91 {
      "tpu.region"() ({
        %run_scoped3A = tpu.sem_alloc : memref<!tpu.dma_semaphore, #tpu.memory_space<semaphore_mem>>
        %dma_start3A_92 = arith.constant 9984 : i32
        %dma_start3A_93 = arith.constant 0 : i32
        %dma_start3A_94 = tpu.memref_slice %arg5[%arg0, %dma_start3A_92, %dma_start3A_93] : memref<2x10000x128xf32, #tpu.memory_space<hbm>> -> memref<1x16x128xf32, #tpu.memory_space<hbm>>
        %dma_start3A_95 = tpu.memref_squeeze %dma_start3A_94 : memref<1x16x128xf32, #tpu.memory_space<hbm>> -> memref<16x128xf32, #tpu.memory_space<hbm>>
        %dma_start3A_96 = arith.constant 9984 : i32
        %dma_start3A_97 = arith.constant 0 : i32
        %dma_start3A_98 = tpu.memref_slice %arg23[%dma_start3A_96, %dma_start3A_97] : memref<10000x128xf32, #tpu.memory_space<vmem_shared>> -> memref<16x128xf32, #tpu.memory_space<vmem_shared>>
        tpu.enqueue_dma source(%dma_start3A_98 : memref<16x128xf32, #tpu.memory_space<vmem_shared>>) target(%dma_start3A_95 : memref<16x128xf32, #tpu.memory_space<hbm>>) target_semaphore(%run_scoped3A : memref<!tpu.dma_semaphore, #tpu.memory_space<semaphore_mem>>)
        %dma_wait3A_99 = arith.constant 9984 : i32
        %dma_wait3A_100 = arith.constant 0 : i32
        %dma_wait3A_101 = tpu.memref_slice %arg5[%arg0, %dma_wait3A_99, %dma_wait3A_100] : memref<2x10000x128xf32, #tpu.memory_space<hbm>> -> memref<1x16x128xf32, #tpu.memory_space<hbm>>
        %dma_wait3A_102 = tpu.memref_squeeze %dma_wait3A_101 : memref<1x16x128xf32, #tpu.memory_space<hbm>> -> memref<16x128xf32, #tpu.memory_space<hbm>>
        %dma_wait3A_103 = arith.constant 9984 : i32
        %dma_wait3A_104 = arith.constant 0 : i32
        %dma_wait3A_105 = tpu.memref_slice %arg23[%dma_wait3A_103, %dma_wait3A_104] : memref<10000x128xf32, #tpu.memory_space<vmem_shared>> -> memref<16x128xf32, #tpu.memory_space<vmem_shared>>
        tpu.wait_dma2 semaphore(%run_scoped3A : memref<!tpu.dma_semaphore, #tpu.memory_space<semaphore_mem>>) src(%dma_wait3A_105 : memref<16x128xf32, #tpu.memory_space<vmem_shared>>) dst(%dma_wait3A_102 : memref<16x128xf32, #tpu.memory_space<hbm>>)
        tpu.yield
      }) : () -> ()
    } else {
    }
    return
  }
}

#map = affine_map<(d0, d1) -> (0, 0)>
#map1 = affine_map<(d0, d1) -> (0)>
#map2 = affine_map<(d0, d1) -> (0, 0, 0)>
module attributes {stable_mosaic.version = 14 : i64} {
  func.func @sc_scatter(%arg0: i32, %arg1: i32, %arg2: memref<80000x128xf32, #tpu.memory_space<hbm>>, %arg3: memref<320000xi32, #tpu.memory_space<hbm>>, %arg4: memref<320000xi32, #tpu.memory_space<hbm>>, %arg5: memref<2x10000x128xf32, #tpu.memory_space<hbm>>, %arg6: memref<10000xi32, #tpu.memory_space<vmem>>, %arg7: memref<104xi32, #tpu.memory_space<vmem>>, %arg8: memref<104xi32, #tpu.memory_space<vmem>>, %arg9: memref<104xi32, #tpu.memory_space<vmem>>, %arg10: memref<104x128xf32, #tpu.memory_space<vmem>>, %arg11: memref<104x128xf32, #tpu.memory_space<vmem>>, %arg12: memref<104x128xf32, #tpu.memory_space<vmem>>, %arg13: memref<!tpu.dma_semaphore, #tpu.memory_space<semaphore_mem>>, %arg14: memref<!tpu.dma_semaphore, #tpu.memory_space<semaphore_mem>>, %arg15: memref<!tpu.dma_semaphore, #tpu.memory_space<semaphore_mem>>, %arg16: memref<!tpu.dma_semaphore, #tpu.memory_space<semaphore_mem>>, %arg17: memref<!tpu.dma_semaphore, #tpu.memory_space<semaphore_mem>>, %arg18: memref<!tpu.dma_semaphore, #tpu.memory_space<semaphore_mem>>, %arg19: memref<!tpu.dma_semaphore, #tpu.memory_space<semaphore_mem>>, %arg20: memref<!tpu.dma_semaphore, #tpu.memory_space<semaphore_mem>>, %arg21: memref<!tpu.dma_semaphore, #tpu.memory_space<semaphore_mem>>, %arg22: memref<16xi32, #tpu.memory_space<vmem>>, %arg23: memref<10000x128xf32, #tpu.memory_space<vmem_shared>>) attributes {dimension_semantics = [#tpu.dimension_semantics<core_parallel>, #tpu.dimension_semantics<subcore_parallel>], iteration_bounds = array<i64: 2, 16>, scalar_prefetch = 0 : i64, scratch_operands = 18 : i64, tpu.core_type = #tpu.core_type<sc_vector_subcore>, window_params = [{transform_indices = #map}, {transform_indices = #map1}, {transform_indices = #map1}, {transform_indices = #map2}]} {
    %broadcast_in_dim3A = arith.constant 0.000000e+00 : f32
    %broadcast_in_dim3A_0 = vector.broadcast %broadcast_in_dim3A : f32 to vector<16xf32>
    %scan3A = arith.constant 0 : i32
    %scan3A_1 = arith.constant 0 : i32
    %scan3A_2 = arith.constant 104 : i32
    %scan3A_3 = arith.addi %scan3A_1, %scan3A_2 : i32
    %scan3A_4 = arith.constant 1 : i32
    scf.for %scan3A_92 = %scan3A_1 to %scan3A_3 step %scan3A_4  : i32 {
      %swap3A = arith.index_cast %scan3A_92 : i32 to index
      %swap3A_93 = arith.constant 0 : index
      %swap3A_94 = tpu.vector_load %arg10[%swap3A, %swap3A_93] {strides = array<i32>} : memref<104x128xf32, #tpu.memory_space<vmem>>, vector<1x16xf32>,
      %swap3A_95 = vector.shape_cast %swap3A_94 : vector<1x16xf32> to vector<16xf32>
      %swap3A_96 = vector.shape_cast %broadcast_in_dim3A_0 : vector<16xf32> to vector<1x16xf32>
      tpu.vector_store %arg10[%swap3A, %swap3A_93], %swap3A_96 {strides = array<i32>} : memref<104x128xf32, #tpu.memory_space<vmem>>, vector<1x16xf32>,
      %swap3A_97 = arith.index_cast %scan3A_92 : i32 to index
      %swap3A_98 = arith.constant 16 : index
      %swap3A_99 = tpu.vector_load %arg10[%swap3A_97, %swap3A_98] {strides = array<i32>} : memref<104x128xf32, #tpu.memory_space<vmem>>, vector<1x16xf32>,
      %swap3A_100 = vector.shape_cast %swap3A_99 : vector<1x16xf32> to vector<16xf32>
      %swap3A_101 = vector.shape_cast %broadcast_in_dim3A_0 : vector<16xf32> to vector<1x16xf32>
      tpu.vector_store %arg10[%swap3A_97, %swap3A_98], %swap3A_101 {strides = array<i32>} : memref<104x128xf32, #tpu.memory_space<vmem>>, vector<1x16xf32>,
      %swap3A_102 = arith.index_cast %scan3A_92 : i32 to index
      %swap3A_103 = arith.constant 32 : index
      %swap3A_104 = tpu.vector_load %arg10[%swap3A_102, %swap3A_103] {strides = array<i32>} : memref<104x128xf32, #tpu.memory_space<vmem>>, vector<1x16xf32>,
      %swap3A_105 = vector.shape_cast %swap3A_104 : vector<1x16xf32> to vector<16xf32>
      %swap3A_106 = vector.shape_cast %broadcast_in_dim3A_0 : vector<16xf32> to vector<1x16xf32>
      tpu.vector_store %arg10[%swap3A_102, %swap3A_103], %swap3A_106 {strides = array<i32>} : memref<104x128xf32, #tpu.memory_space<vmem>>, vector<1x16xf32>,
      %swap3A_107 = arith.index_cast %scan3A_92 : i32 to index
      %swap3A_108 = arith.constant 48 : index
      %swap3A_109 = tpu.vector_load %arg10[%swap3A_107, %swap3A_108] {strides = array<i32>} : memref<104x128xf32, #tpu.memory_space<vmem>>, vector<1x16xf32>,
      %swap3A_110 = vector.shape_cast %swap3A_109 : vector<1x16xf32> to vector<16xf32>
      %swap3A_111 = vector.shape_cast %broadcast_in_dim3A_0 : vector<16xf32> to vector<1x16xf32>
      tpu.vector_store %arg10[%swap3A_107, %swap3A_108], %swap3A_111 {strides = array<i32>} : memref<104x128xf32, #tpu.memory_space<vmem>>, vector<1x16xf32>,
      %swap3A_112 = arith.index_cast %scan3A_92 : i32 to index
      %swap3A_113 = arith.constant 64 : index
      %swap3A_114 = tpu.vector_load %arg10[%swap3A_112, %swap3A_113] {strides = array<i32>} : memref<104x128xf32, #tpu.memory_space<vmem>>, vector<1x16xf32>,
      %swap3A_115 = vector.shape_cast %swap3A_114 : vector<1x16xf32> to vector<16xf32>
      %swap3A_116 = vector.shape_cast %broadcast_in_dim3A_0 : vector<16xf32> to vector<1x16xf32>
      tpu.vector_store %arg10[%swap3A_112, %swap3A_113], %swap3A_116 {strides = array<i32>} : memref<104x128xf32, #tpu.memory_space<vmem>>, vector<1x16xf32>,
      %swap3A_117 = arith.index_cast %scan3A_92 : i32 to index
      %swap3A_118 = arith.constant 80 : index
      %swap3A_119 = tpu.vector_load %arg10[%swap3A_117, %swap3A_118] {strides = array<i32>} : memref<104x128xf32, #tpu.memory_space<vmem>>, vector<1x16xf32>,
      %swap3A_120 = vector.shape_cast %swap3A_119 : vector<1x16xf32> to vector<16xf32>
      %swap3A_121 = vector.shape_cast %broadcast_in_dim3A_0 : vector<16xf32> to vector<1x16xf32>
      tpu.vector_store %arg10[%swap3A_117, %swap3A_118], %swap3A_121 {strides = array<i32>} : memref<104x128xf32, #tpu.memory_space<vmem>>, vector<1x16xf32>,
      %swap3A_122 = arith.index_cast %scan3A_92 : i32 to index
      %swap3A_123 = arith.constant 96 : index
      %swap3A_124 = tpu.vector_load %arg10[%swap3A_122, %swap3A_123] {strides = array<i32>} : memref<104x128xf32, #tpu.memory_space<vmem>>, vector<1x16xf32>,
      %swap3A_125 = vector.shape_cast %swap3A_124 : vector<1x16xf32> to vector<16xf32>
      %swap3A_126 = vector.shape_cast %broadcast_in_dim3A_0 : vector<16xf32> to vector<1x16xf32>
      tpu.vector_store %arg10[%swap3A_122, %swap3A_123], %swap3A_126 {strides = array<i32>} : memref<104x128xf32, #tpu.memory_space<vmem>>, vector<1x16xf32>,
      %swap3A_127 = arith.index_cast %scan3A_92 : i32 to index
      %swap3A_128 = arith.constant 112 : index
      %swap3A_129 = tpu.vector_load %arg10[%swap3A_127, %swap3A_128] {strides = array<i32>} : memref<104x128xf32, #tpu.memory_space<vmem>>, vector<1x16xf32>,
      %swap3A_130 = vector.shape_cast %swap3A_129 : vector<1x16xf32> to vector<16xf32>
      %swap3A_131 = vector.shape_cast %broadcast_in_dim3A_0 : vector<16xf32> to vector<1x16xf32>
      tpu.vector_store %arg10[%swap3A_127, %swap3A_128], %swap3A_131 {strides = array<i32>} : memref<104x128xf32, #tpu.memory_space<vmem>>, vector<1x16xf32>,
    }
    %scan3A_5 = arith.constant 104 : i32
    %mul3A = arith.constant 624 : i32
    %mul3A_6 = arith.muli %arg1, %mul3A : i32
    %add3A = arith.constant 0 : i32
    %add3A_7 = arith.addi %mul3A_6, %add3A : i32
    "tpu.region"() ({
      %run_scoped3A = tpu.sem_alloc : memref<!tpu.dma_semaphore, #tpu.memory_space<semaphore_mem>>
      %dma_start3A_92 = arith.constant 0 : i32
      %dma_start3A_93 = tpu.memref_slice %arg23[%add3A_7, %dma_start3A_92] : memref<10000x128xf32, #tpu.memory_space<vmem_shared>> -> memref<104x128xf32, #tpu.memory_space<vmem_shared>>
      %dma_start3A_94 = arith.constant 0 : i32
      %dma_start3A_95 = tpu.memref_slice %arg23[%add3A_7, %dma_start3A_94] : memref<10000x128xf32, #tpu.memory_space<vmem_shared>> -> memref<104x128xf32, #tpu.memory_space<vmem_shared>>
      tpu.enqueue_dma source(%arg10 : memref<104x128xf32, #tpu.memory_space<vmem>>) target(%dma_start3A_95 : memref<104x128xf32, #tpu.memory_space<vmem_shared>>) target_semaphore(%run_scoped3A : memref<!tpu.dma_semaphore, #tpu.memory_space<semaphore_mem>>)
      %dma_wait3A_96 = arith.constant 0 : i32
      %dma_wait3A_97 = tpu.memref_slice %arg23[%add3A_7, %dma_wait3A_96] : memref<10000x128xf32, #tpu.memory_space<vmem_shared>> -> memref<104x128xf32, #tpu.memory_space<vmem_shared>>
      %dma_wait3A_98 = arith.constant 0 : i32
      %dma_wait3A_99 = tpu.memref_slice %arg23[%add3A_7, %dma_wait3A_98] : memref<10000x128xf32, #tpu.memory_space<vmem_shared>> -> memref<104x128xf32, #tpu.memory_space<vmem_shared>>
      tpu.wait_dma2 semaphore(%run_scoped3A : memref<!tpu.dma_semaphore, #tpu.memory_space<semaphore_mem>>) src(%arg10 : memref<104x128xf32, #tpu.memory_space<vmem>>) dst(%dma_wait3A_99 : memref<104x128xf32, #tpu.memory_space<vmem_shared>>)
      tpu.yield
    }) : () -> ()
    %mul3A_8 = arith.constant 624 : i32
    %mul3A_9 = arith.muli %arg1, %mul3A_8 : i32
    %add3A_10 = arith.constant 104 : i32
    %add3A_11 = arith.addi %mul3A_9, %add3A_10 : i32
    "tpu.region"() ({
      %run_scoped3A = tpu.sem_alloc : memref<!tpu.dma_semaphore, #tpu.memory_space<semaphore_mem>>
      %dma_start3A_92 = arith.constant 0 : i32
      %dma_start3A_93 = tpu.memref_slice %arg23[%add3A_11, %dma_start3A_92] : memref<10000x128xf32, #tpu.memory_space<vmem_shared>> -> memref<104x128xf32, #tpu.memory_space<vmem_shared>>
      %dma_start3A_94 = arith.constant 0 : i32
      %dma_start3A_95 = tpu.memref_slice %arg23[%add3A_11, %dma_start3A_94] : memref<10000x128xf32, #tpu.memory_space<vmem_shared>> -> memref<104x128xf32, #tpu.memory_space<vmem_shared>>
      tpu.enqueue_dma source(%arg10 : memref<104x128xf32, #tpu.memory_space<vmem>>) target(%dma_start3A_95 : memref<104x128xf32, #tpu.memory_space<vmem_shared>>) target_semaphore(%run_scoped3A : memref<!tpu.dma_semaphore, #tpu.memory_space<semaphore_mem>>)
      %dma_wait3A_96 = arith.constant 0 : i32
      %dma_wait3A_97 = tpu.memref_slice %arg23[%add3A_11, %dma_wait3A_96] : memref<10000x128xf32, #tpu.memory_space<vmem_shared>> -> memref<104x128xf32, #tpu.memory_space<vmem_shared>>
      %dma_wait3A_98 = arith.constant 0 : i32
      %dma_wait3A_99 = tpu.memref_slice %arg23[%add3A_11, %dma_wait3A_98] : memref<10000x128xf32, #tpu.memory_space<vmem_shared>> -> memref<104x128xf32, #tpu.memory_space<vmem_shared>>
      tpu.wait_dma2 semaphore(%run_scoped3A : memref<!tpu.dma_semaphore, #tpu.memory_space<semaphore_mem>>) src(%arg10 : memref<104x128xf32, #tpu.memory_space<vmem>>) dst(%dma_wait3A_99 : memref<104x128xf32, #tpu.memory_space<vmem_shared>>)
      tpu.yield
    }) : () -> ()
    %mul3A_12 = arith.constant 624 : i32
    %mul3A_13 = arith.muli %arg1, %mul3A_12 : i32
    %add3A_14 = arith.constant 208 : i32
    %add3A_15 = arith.addi %mul3A_13, %add3A_14 : i32
    "tpu.region"() ({
      %run_scoped3A = tpu.sem_alloc : memref<!tpu.dma_semaphore, #tpu.memory_space<semaphore_mem>>
      %dma_start3A_92 = arith.constant 0 : i32
      %dma_start3A_93 = tpu.memref_slice %arg23[%add3A_15, %dma_start3A_92] : memref<10000x128xf32, #tpu.memory_space<vmem_shared>> -> memref<104x128xf32, #tpu.memory_space<vmem_shared>>
      %dma_start3A_94 = arith.constant 0 : i32
      %dma_start3A_95 = tpu.memref_slice %arg23[%add3A_15, %dma_start3A_94] : memref<10000x128xf32, #tpu.memory_space<vmem_shared>> -> memref<104x128xf32, #tpu.memory_space<vmem_shared>>
      tpu.enqueue_dma source(%arg10 : memref<104x128xf32, #tpu.memory_space<vmem>>) target(%dma_start3A_95 : memref<104x128xf32, #tpu.memory_space<vmem_shared>>) target_semaphore(%run_scoped3A : memref<!tpu.dma_semaphore, #tpu.memory_space<semaphore_mem>>)
      %dma_wait3A_96 = arith.constant 0 : i32
      %dma_wait3A_97 = tpu.memref_slice %arg23[%add3A_15, %dma_wait3A_96] : memref<10000x128xf32, #tpu.memory_space<vmem_shared>> -> memref<104x128xf32, #tpu.memory_space<vmem_shared>>
      %dma_wait3A_98 = arith.constant 0 : i32
      %dma_wait3A_99 = tpu.memref_slice %arg23[%add3A_15, %dma_wait3A_98] : memref<10000x128xf32, #tpu.memory_space<vmem_shared>> -> memref<104x128xf32, #tpu.memory_space<vmem_shared>>
      tpu.wait_dma2 semaphore(%run_scoped3A : memref<!tpu.dma_semaphore, #tpu.memory_space<semaphore_mem>>) src(%arg10 : memref<104x128xf32, #tpu.memory_space<vmem>>) dst(%dma_wait3A_99 : memref<104x128xf32, #tpu.memory_space<vmem_shared>>)
      tpu.yield
    }) : () -> ()
    %mul3A_16 = arith.constant 624 : i32
    %mul3A_17 = arith.muli %arg1, %mul3A_16 : i32
    %add3A_18 = arith.constant 312 : i32
    %add3A_19 = arith.addi %mul3A_17, %add3A_18 : i32
    "tpu.region"() ({
      %run_scoped3A = tpu.sem_alloc : memref<!tpu.dma_semaphore, #tpu.memory_space<semaphore_mem>>
      %dma_start3A_92 = arith.constant 0 : i32
      %dma_start3A_93 = tpu.memref_slice %arg23[%add3A_19, %dma_start3A_92] : memref<10000x128xf32, #tpu.memory_space<vmem_shared>> -> memref<104x128xf32, #tpu.memory_space<vmem_shared>>
      %dma_start3A_94 = arith.constant 0 : i32
      %dma_start3A_95 = tpu.memref_slice %arg23[%add3A_19, %dma_start3A_94] : memref<10000x128xf32, #tpu.memory_space<vmem_shared>> -> memref<104x128xf32, #tpu.memory_space<vmem_shared>>
      tpu.enqueue_dma source(%arg10 : memref<104x128xf32, #tpu.memory_space<vmem>>) target(%dma_start3A_95 : memref<104x128xf32, #tpu.memory_space<vmem_shared>>) target_semaphore(%run_scoped3A : memref<!tpu.dma_semaphore, #tpu.memory_space<semaphore_mem>>)
      %dma_wait3A_96 = arith.constant 0 : i32
      %dma_wait3A_97 = tpu.memref_slice %arg23[%add3A_19, %dma_wait3A_96] : memref<10000x128xf32, #tpu.memory_space<vmem_shared>> -> memref<104x128xf32, #tpu.memory_space<vmem_shared>>
      %dma_wait3A_98 = arith.constant 0 : i32
      %dma_wait3A_99 = tpu.memref_slice %arg23[%add3A_19, %dma_wait3A_98] : memref<10000x128xf32, #tpu.memory_space<vmem_shared>> -> memref<104x128xf32, #tpu.memory_space<vmem_shared>>
      tpu.wait_dma2 semaphore(%run_scoped3A : memref<!tpu.dma_semaphore, #tpu.memory_space<semaphore_mem>>) src(%arg10 : memref<104x128xf32, #tpu.memory_space<vmem>>) dst(%dma_wait3A_99 : memref<104x128xf32, #tpu.memory_space<vmem_shared>>)
      tpu.yield
    }) : () -> ()
    %mul3A_20 = arith.constant 624 : i32
    %mul3A_21 = arith.muli %arg1, %mul3A_20 : i32
    %add3A_22 = arith.constant 416 : i32
    %add3A_23 = arith.addi %mul3A_21, %add3A_22 : i32
    "tpu.region"() ({
      %run_scoped3A = tpu.sem_alloc : memref<!tpu.dma_semaphore, #tpu.memory_space<semaphore_mem>>
      %dma_start3A_92 = arith.constant 0 : i32
      %dma_start3A_93 = tpu.memref_slice %arg23[%add3A_23, %dma_start3A_92] : memref<10000x128xf32, #tpu.memory_space<vmem_shared>> -> memref<104x128xf32, #tpu.memory_space<vmem_shared>>
      %dma_start3A_94 = arith.constant 0 : i32
      %dma_start3A_95 = tpu.memref_slice %arg23[%add3A_23, %dma_start3A_94] : memref<10000x128xf32, #tpu.memory_space<vmem_shared>> -> memref<104x128xf32, #tpu.memory_space<vmem_shared>>
      tpu.enqueue_dma source(%arg10 : memref<104x128xf32, #tpu.memory_space<vmem>>) target(%dma_start3A_95 : memref<104x128xf32, #tpu.memory_space<vmem_shared>>) target_semaphore(%run_scoped3A : memref<!tpu.dma_semaphore, #tpu.memory_space<semaphore_mem>>)
      %dma_wait3A_96 = arith.constant 0 : i32
      %dma_wait3A_97 = tpu.memref_slice %arg23[%add3A_23, %dma_wait3A_96] : memref<10000x128xf32, #tpu.memory_space<vmem_shared>> -> memref<104x128xf32, #tpu.memory_space<vmem_shared>>
      %dma_wait3A_98 = arith.constant 0 : i32
      %dma_wait3A_99 = tpu.memref_slice %arg23[%add3A_23, %dma_wait3A_98] : memref<10000x128xf32, #tpu.memory_space<vmem_shared>> -> memref<104x128xf32, #tpu.memory_space<vmem_shared>>
      tpu.wait_dma2 semaphore(%run_scoped3A : memref<!tpu.dma_semaphore, #tpu.memory_space<semaphore_mem>>) src(%arg10 : memref<104x128xf32, #tpu.memory_space<vmem>>) dst(%dma_wait3A_99 : memref<104x128xf32, #tpu.memory_space<vmem_shared>>)
      tpu.yield
    }) : () -> ()
    %mul3A_24 = arith.constant 624 : i32
    %mul3A_25 = arith.muli %arg1, %mul3A_24 : i32
    %add3A_26 = arith.constant 520 : i32
    %add3A_27 = arith.addi %mul3A_25, %add3A_26 : i32
    "tpu.region"() ({
      %run_scoped3A = tpu.sem_alloc : memref<!tpu.dma_semaphore, #tpu.memory_space<semaphore_mem>>
      %dma_start3A_92 = arith.constant 0 : i32
      %dma_start3A_93 = tpu.memref_slice %arg23[%add3A_27, %dma_start3A_92] : memref<10000x128xf32, #tpu.memory_space<vmem_shared>> -> memref<104x128xf32, #tpu.memory_space<vmem_shared>>
      %dma_start3A_94 = arith.constant 0 : i32
      %dma_start3A_95 = tpu.memref_slice %arg23[%add3A_27, %dma_start3A_94] : memref<10000x128xf32, #tpu.memory_space<vmem_shared>> -> memref<104x128xf32, #tpu.memory_space<vmem_shared>>
      tpu.enqueue_dma source(%arg10 : memref<104x128xf32, #tpu.memory_space<vmem>>) target(%dma_start3A_95 : memref<104x128xf32, #tpu.memory_space<vmem_shared>>) target_semaphore(%run_scoped3A : memref<!tpu.dma_semaphore, #tpu.memory_space<semaphore_mem>>)
      %dma_wait3A_96 = arith.constant 0 : i32
      %dma_wait3A_97 = tpu.memref_slice %arg23[%add3A_27, %dma_wait3A_96] : memref<10000x128xf32, #tpu.memory_space<vmem_shared>> -> memref<104x128xf32, #tpu.memory_space<vmem_shared>>
      %dma_wait3A_98 = arith.constant 0 : i32
      %dma_wait3A_99 = tpu.memref_slice %arg23[%add3A_27, %dma_wait3A_98] : memref<10000x128xf32, #tpu.memory_space<vmem_shared>> -> memref<104x128xf32, #tpu.memory_space<vmem_shared>>
      tpu.wait_dma2 semaphore(%run_scoped3A : memref<!tpu.dma_semaphore, #tpu.memory_space<semaphore_mem>>) src(%arg10 : memref<104x128xf32, #tpu.memory_space<vmem>>) dst(%dma_wait3A_99 : memref<104x128xf32, #tpu.memory_space<vmem_shared>>)
      tpu.yield
    }) : () -> ()
    %eq3A = arith.constant 15 : i32
    %eq3A_28 = arith.cmpi eq, %arg1, %eq3A : i32
    %convert_element_type3A = arith.extui %eq3A_28 : i1 to i32
    %cond3A = arith.constant 0 : i32
    %cond3A_29 = arith.cmpi ne, %convert_element_type3A, %cond3A : i32
    scf.if %cond3A_29 {
      "tpu.region"() ({
        %run_scoped3A = tpu.sem_alloc : memref<!tpu.dma_semaphore, #tpu.memory_space<semaphore_mem>>
        %dma_start3A_92 = arith.constant 0 : i32
        %dma_start3A_93 = arith.constant 0 : i32
        %dma_start3A_94 = tpu.memref_slice %arg10[%dma_start3A_92, %dma_start3A_93] : memref<104x128xf32, #tpu.memory_space<vmem>> -> memref<16x128xf32, #tpu.memory_space<vmem>>
        %dma_start3A_95 = arith.constant 9984 : i32
        %dma_start3A_96 = arith.constant 0 : i32
        %dma_start3A_97 = tpu.memref_slice %arg23[%dma_start3A_95, %dma_start3A_96] : memref<10000x128xf32, #tpu.memory_space<vmem_shared>> -> memref<16x128xf32, #tpu.memory_space<vmem_shared>>
        %dma_start3A_98 = arith.constant 9984 : i32
        %dma_start3A_99 = arith.constant 0 : i32
        %dma_start3A_100 = tpu.memref_slice %arg23[%dma_start3A_98, %dma_start3A_99] : memref<10000x128xf32, #tpu.memory_space<vmem_shared>> -> memref<16x128xf32, #tpu.memory_space<vmem_shared>>
        %dma_start3A_101 = arith.constant 0 : i32
        %dma_start3A_102 = arith.constant 0 : i32
        %dma_start3A_103 = tpu.memref_slice %arg10[%dma_start3A_101, %dma_start3A_102] : memref<104x128xf32, #tpu.memory_space<vmem>> -> memref<16x128xf32, #tpu.memory_space<vmem>>
        tpu.enqueue_dma source(%dma_start3A_103 : memref<16x128xf32, #tpu.memory_space<vmem>>) target(%dma_start3A_100 : memref<16x128xf32, #tpu.memory_space<vmem_shared>>) target_semaphore(%run_scoped3A : memref<!tpu.dma_semaphore, #tpu.memory_space<semaphore_mem>>)
        %dma_wait3A_104 = arith.constant 0 : i32
        %dma_wait3A_105 = arith.constant 0 : i32
        %dma_wait3A_106 = tpu.memref_slice %arg10[%dma_wait3A_104, %dma_wait3A_105] : memref<104x128xf32, #tpu.memory_space<vmem>> -> memref<16x128xf32, #tpu.memory_space<vmem>>
        %dma_wait3A_107 = arith.constant 9984 : i32
        %dma_wait3A_108 = arith.constant 0 : i32
        %dma_wait3A_109 = tpu.memref_slice %arg23[%dma_wait3A_107, %dma_wait3A_108] : memref<10000x128xf32, #tpu.memory_space<vmem_shared>> -> memref<16x128xf32, #tpu.memory_space<vmem_shared>>
        %dma_wait3A_110 = arith.constant 9984 : i32
        %dma_wait3A_111 = arith.constant 0 : i32
        %dma_wait3A_112 = tpu.memref_slice %arg23[%dma_wait3A_110, %dma_wait3A_111] : memref<10000x128xf32, #tpu.memory_space<vmem_shared>> -> memref<16x128xf32, #tpu.memory_space<vmem_shared>>
        %dma_wait3A_113 = arith.constant 0 : i32
        %dma_wait3A_114 = arith.constant 0 : i32
        %dma_wait3A_115 = tpu.memref_slice %arg10[%dma_wait3A_113, %dma_wait3A_114] : memref<104x128xf32, #tpu.memory_space<vmem>> -> memref<16x128xf32, #tpu.memory_space<vmem>>
        tpu.wait_dma2 semaphore(%run_scoped3A : memref<!tpu.dma_semaphore, #tpu.memory_space<semaphore_mem>>) src(%dma_wait3A_115 : memref<16x128xf32, #tpu.memory_space<vmem>>) dst(%dma_wait3A_112 : memref<16x128xf32, #tpu.memory_space<vmem_shared>>)
        tpu.yield
      }) : () -> ()
    } else {
    }
    %barrier3A = arith.constant 0 : index
    tpu.barrier barrier_id(%barrier3A)
    %mul3A_30 = arith.constant 16 : i32
    %mul3A_31 = arith.muli %arg0, %mul3A_30 : i32
    %add3A_32 = arith.addi %mul3A_31, %arg1 : i32
    %mul3A_33 = arith.constant 10000 : i32
    %mul3A_34 = arith.muli %add3A_32, %mul3A_33 : i32
    "tpu.region"() ({
      %run_scoped3A = tpu.sem_alloc : memref<!tpu.dma_semaphore, #tpu.memory_space<semaphore_mem>>
      %dma_start3A_92 = tpu.memref_slice %arg3[%mul3A_34] : memref<320000xi32, #tpu.memory_space<hbm>> -> memref<10000xi32, #tpu.memory_space<hbm>>
      %dma_start3A_93 = tpu.memref_slice %arg3[%mul3A_34] : memref<320000xi32, #tpu.memory_space<hbm>> -> memref<10000xi32, #tpu.memory_space<hbm>>
      tpu.enqueue_dma source(%dma_start3A_93 : memref<10000xi32, #tpu.memory_space<hbm>>) target(%arg6 : memref<10000xi32, #tpu.memory_space<vmem>>) target_semaphore(%run_scoped3A : memref<!tpu.dma_semaphore, #tpu.memory_space<semaphore_mem>>)
      %dma_wait3A_94 = tpu.memref_slice %arg3[%mul3A_34] : memref<320000xi32, #tpu.memory_space<hbm>> -> memref<10000xi32, #tpu.memory_space<hbm>>
      %dma_wait3A_95 = tpu.memref_slice %arg3[%mul3A_34] : memref<320000xi32, #tpu.memory_space<hbm>> -> memref<10000xi32, #tpu.memory_space<hbm>>
      tpu.wait_dma2 semaphore(%run_scoped3A : memref<!tpu.dma_semaphore, #tpu.memory_space<semaphore_mem>>) src(%dma_wait3A_95 : memref<10000xi32, #tpu.memory_space<hbm>>) dst(%arg6 : memref<10000xi32, #tpu.memory_space<vmem>>)
      tpu.yield
    }) : () -> ()
    "tpu.region"() ({
      %run_scoped3A = tpu.sem_alloc : memref<!tpu.dma_semaphore, #tpu.memory_space<semaphore_mem>>
      %dma_start3A_92 = tpu.memref_slice %arg4[%mul3A_34] : memref<320000xi32, #tpu.memory_space<hbm>> -> memref<16xi32, #tpu.memory_space<hbm>>
      %dma_start3A_93 = tpu.memref_slice %arg4[%mul3A_34] : memref<320000xi32, #tpu.memory_space<hbm>> -> memref<16xi32, #tpu.memory_space<hbm>>
      tpu.enqueue_dma source(%dma_start3A_93 : memref<16xi32, #tpu.memory_space<hbm>>) target(%arg22 : memref<16xi32, #tpu.memory_space<vmem>>) target_semaphore(%run_scoped3A : memref<!tpu.dma_semaphore, #tpu.memory_space<semaphore_mem>>)
      %dma_wait3A_94 = tpu.memref_slice %arg4[%mul3A_34] : memref<320000xi32, #tpu.memory_space<hbm>> -> memref<16xi32, #tpu.memory_space<hbm>>
      %dma_wait3A_95 = tpu.memref_slice %arg4[%mul3A_34] : memref<320000xi32, #tpu.memory_space<hbm>> -> memref<16xi32, #tpu.memory_space<hbm>>
      tpu.wait_dma2 semaphore(%run_scoped3A : memref<!tpu.dma_semaphore, #tpu.memory_space<semaphore_mem>>) src(%dma_wait3A_95 : memref<16xi32, #tpu.memory_space<hbm>>) dst(%arg22 : memref<16xi32, #tpu.memory_space<vmem>>)
      tpu.yield
    }) : () -> ()
    "tpu.region"() ({
      %run_scoped3A = tpu.sem_alloc : memref<!tpu.dma_semaphore, #tpu.memory_space<semaphore_mem>>
      %dma_start3A_92 = arith.constant 0 : i32
      %dma_start3A_93 = arith.constant 0 : i32
      %dma_start3A_94 = tpu.memref_slice %arg10[%dma_start3A_92, %dma_start3A_93] : memref<104x128xf32, #tpu.memory_space<vmem>> -> memref<16x128xf32, #tpu.memory_space<vmem>>
      %dma_start3A_95 = arith.constant 0 : i32
      %dma_start3A_96 = tpu.memref_slice %arg6[%dma_start3A_95] : memref<10000xi32, #tpu.memory_space<vmem>> -> memref<16xi32, #tpu.memory_space<vmem>>
      %dma_start3A_97 = arith.constant 0 : i32
      %dma_start3A_98 = arith.constant 0 : i32
      %dma_start3A_99 = tpu.memref_slice %arg2[%dma_start3A_97, %dma_start3A_98] : memref<80000x128xf32, #tpu.memory_space<hbm>> -> memref<80000x128xf32, #tpu.memory_space<hbm>>
      tpu.enqueue_indirect_dma source(%dma_start3A_99 : memref<80000x128xf32, #tpu.memory_space<hbm>>) target(%dma_start3A_94 : memref<16x128xf32, #tpu.memory_space<vmem>>) offsets(%dma_start3A_96 : memref<16xi32, #tpu.memory_space<vmem>>) semaphore(%run_scoped3A : memref<!tpu.dma_semaphore, #tpu.memory_space<semaphore_mem>>)
      %dma_wait3A_100 = arith.constant 0 : i32
      %dma_wait3A_101 = arith.constant 0 : i32
      %dma_wait3A_102 = tpu.memref_slice %arg10[%dma_wait3A_100, %dma_wait3A_101] : memref<104x128xf32, #tpu.memory_space<vmem>> -> memref<16x128xf32, #tpu.memory_space<vmem>>
      %dma_wait3A_103 = arith.constant 0 : i32
      %dma_wait3A_104 = tpu.memref_slice %arg6[%dma_wait3A_103] : memref<10000xi32, #tpu.memory_space<vmem>> -> memref<16xi32, #tpu.memory_space<vmem>>
      %dma_wait3A_105 = arith.constant 0 : i32
      %dma_wait3A_106 = arith.constant 0 : i32
      %dma_wait3A_107 = tpu.memref_slice %arg2[%dma_wait3A_105, %dma_wait3A_106] : memref<80000x128xf32, #tpu.memory_space<hbm>> -> memref<80000x128xf32, #tpu.memory_space<hbm>>
      tpu.wait_indirect_dma semaphore(%run_scoped3A : memref<!tpu.dma_semaphore, #tpu.memory_space<semaphore_mem>>) src(%dma_wait3A_107 : memref<80000x128xf32, #tpu.memory_space<hbm>>) dst(%dma_wait3A_102 : memref<16x128xf32, #tpu.memory_space<vmem>>)
      tpu.yield
    }) : () -> ()
    "tpu.region"() ({
      %run_scoped3A = tpu.sem_alloc : memref<!tpu.dma_semaphore, #tpu.memory_space<semaphore_mem>>
      %dma_start3A_92 = arith.constant 0 : i32
      %dma_start3A_93 = arith.constant 0 : i32
      %dma_start3A_94 = tpu.memref_slice %arg10[%dma_start3A_92, %dma_start3A_93] : memref<104x128xf32, #tpu.memory_space<vmem>> -> memref<16x128xf32, #tpu.memory_space<vmem>>
      %dma_start3A_95 = arith.constant 0 : i32
      %dma_start3A_96 = arith.constant 0 : i32
      %dma_start3A_97 = tpu.memref_slice %arg23[%dma_start3A_95, %dma_start3A_96] : memref<10000x128xf32, #tpu.memory_space<vmem_shared>> -> memref<10000x128xf32, #tpu.memory_space<vmem_shared>>
      tpu.enqueue_indirect_dma source(%dma_start3A_94 : memref<16x128xf32, #tpu.memory_space<vmem>>) target(%dma_start3A_97 : memref<10000x128xf32, #tpu.memory_space<vmem_shared>>) offsets(%arg22 : memref<16xi32, #tpu.memory_space<vmem>>) semaphore(%run_scoped3A : memref<!tpu.dma_semaphore, #tpu.memory_space<semaphore_mem>>) {add = true}
      %dma_wait3A_98 = arith.constant 0 : i32
      %dma_wait3A_99 = arith.constant 0 : i32
      %dma_wait3A_100 = tpu.memref_slice %arg10[%dma_wait3A_98, %dma_wait3A_99] : memref<104x128xf32, #tpu.memory_space<vmem>> -> memref<16x128xf32, #tpu.memory_space<vmem>>
      %dma_wait3A_101 = arith.constant 0 : i32
      %dma_wait3A_102 = arith.constant 0 : i32
      %dma_wait3A_103 = tpu.memref_slice %arg23[%dma_wait3A_101, %dma_wait3A_102] : memref<10000x128xf32, #tpu.memory_space<vmem_shared>> -> memref<10000x128xf32, #tpu.memory_space<vmem_shared>>
      tpu.wait_indirect_dma semaphore(%run_scoped3A : memref<!tpu.dma_semaphore, #tpu.memory_space<semaphore_mem>>) src(%dma_wait3A_100 : memref<16x128xf32, #tpu.memory_space<vmem>>) dst(%dma_wait3A_103 : memref<10000x128xf32, #tpu.memory_space<vmem_shared>>)
      tpu.yield
    }) : () -> ()
    %mul3A_35 = arith.constant 0 : i32
    %mul3A_36 = arith.constant 104 : i32
    %mul3A_37 = arith.muli %mul3A_35, %mul3A_36 : i32
    %add3A_38 = arith.constant 16 : i32
    %add3A_39 = arith.addi %add3A_38, %mul3A_37 : i32
    %add3A_40 = arith.addi %mul3A_34, %add3A_39 : i32
    %dma_start3A = tpu.memref_slice %arg4[%add3A_40] : memref<320000xi32, #tpu.memory_space<hbm>> -> memref<104xi32, #tpu.memory_space<hbm>>
    %dma_start3A_41 = tpu.memref_slice %arg4[%add3A_40] : memref<320000xi32, #tpu.memory_space<hbm>> -> memref<104xi32, #tpu.memory_space<hbm>>
    tpu.enqueue_dma source(%dma_start3A_41 : memref<104xi32, #tpu.memory_space<hbm>>) target(%arg7 : memref<104xi32, #tpu.memory_space<vmem>>) target_semaphore(%arg16 : memref<!tpu.dma_semaphore, #tpu.memory_space<semaphore_mem>>)
    %dma_start3A_42 = tpu.memref_slice %arg6[%add3A_39] : memref<10000xi32, #tpu.memory_space<vmem>> -> memref<104xi32, #tpu.memory_space<vmem>>
    %dma_start3A_43 = arith.constant 0 : i32
    %dma_start3A_44 = arith.constant 0 : i32
    %dma_start3A_45 = tpu.memref_slice %arg2[%dma_start3A_43, %dma_start3A_44] : memref<80000x128xf32, #tpu.memory_space<hbm>> -> memref<80000x128xf32, #tpu.memory_space<hbm>>
    tpu.enqueue_indirect_dma source(%dma_start3A_45 : memref<80000x128xf32, #tpu.memory_space<hbm>>) target(%arg10 : memref<104x128xf32, #tpu.memory_space<vmem>>) offsets(%dma_start3A_42 : memref<104xi32, #tpu.memory_space<vmem>>) semaphore(%arg13 : memref<!tpu.dma_semaphore, #tpu.memory_space<semaphore_mem>>)
    %mul3A_46 = arith.constant 1 : i32
    %mul3A_47 = arith.constant 104 : i32
    %mul3A_48 = arith.muli %mul3A_46, %mul3A_47 : i32
    %add3A_49 = arith.constant 16 : i32
    %add3A_50 = arith.addi %add3A_49, %mul3A_48 : i32
    %add3A_51 = arith.addi %mul3A_34, %add3A_50 : i32
    %dma_start3A_52 = tpu.memref_slice %arg4[%add3A_51] : memref<320000xi32, #tpu.memory_space<hbm>> -> memref<104xi32, #tpu.memory_space<hbm>>
    %dma_start3A_53 = tpu.memref_slice %arg4[%add3A_51] : memref<320000xi32, #tpu.memory_space<hbm>> -> memref<104xi32, #tpu.memory_space<hbm>>
    tpu.enqueue_dma source(%dma_start3A_53 : memref<104xi32, #tpu.memory_space<hbm>>) target(%arg8 : memref<104xi32, #tpu.memory_space<vmem>>) target_semaphore(%arg17 : memref<!tpu.dma_semaphore, #tpu.memory_space<semaphore_mem>>)
    %dma_start3A_54 = tpu.memref_slice %arg6[%add3A_50] : memref<10000xi32, #tpu.memory_space<vmem>> -> memref<104xi32, #tpu.memory_space<vmem>>
    %dma_start3A_55 = arith.constant 0 : i32
    %dma_start3A_56 = arith.constant 0 : i32
    %dma_start3A_57 = tpu.memref_slice %arg2[%dma_start3A_55, %dma_start3A_56] : memref<80000x128xf32, #tpu.memory_space<hbm>> -> memref<80000x128xf32, #tpu.memory_space<hbm>>
    tpu.enqueue_indirect_dma source(%dma_start3A_57 : memref<80000x128xf32, #tpu.memory_space<hbm>>) target(%arg11 : memref<104x128xf32, #tpu.memory_space<vmem>>) offsets(%dma_start3A_54 : memref<104xi32, #tpu.memory_space<vmem>>) semaphore(%arg14 : memref<!tpu.dma_semaphore, #tpu.memory_space<semaphore_mem>>)
    %mul3A_58 = arith.constant 2 : i32
    %mul3A_59 = arith.constant 104 : i32
    %mul3A_60 = arith.muli %mul3A_58, %mul3A_59 : i32
    %add3A_61 = arith.constant 16 : i32
    %add3A_62 = arith.addi %add3A_61, %mul3A_60 : i32
    %add3A_63 = arith.addi %mul3A_34, %add3A_62 : i32
    %dma_start3A_64 = tpu.memref_slice %arg4[%add3A_63] : memref<320000xi32, #tpu.memory_space<hbm>> -> memref<104xi32, #tpu.memory_space<hbm>>
    %dma_start3A_65 = tpu.memref_slice %arg4[%add3A_63] : memref<320000xi32, #tpu.memory_space<hbm>> -> memref<104xi32, #tpu.memory_space<hbm>>
    tpu.enqueue_dma source(%dma_start3A_65 : memref<104xi32, #tpu.memory_space<hbm>>) target(%arg9 : memref<104xi32, #tpu.memory_space<vmem>>) target_semaphore(%arg18 : memref<!tpu.dma_semaphore, #tpu.memory_space<semaphore_mem>>)
    %dma_start3A_66 = tpu.memref_slice %arg6[%add3A_62] : memref<10000xi32, #tpu.memory_space<vmem>> -> memref<104xi32, #tpu.memory_space<vmem>>
    %dma_start3A_67 = arith.constant 0 : i32
    %dma_start3A_68 = arith.constant 0 : i32
    %dma_start3A_69 = tpu.memref_slice %arg2[%dma_start3A_67, %dma_start3A_68] : memref<80000x128xf32, #tpu.memory_space<hbm>> -> memref<80000x128xf32, #tpu.memory_space<hbm>>
    tpu.enqueue_indirect_dma source(%dma_start3A_69 : memref<80000x128xf32, #tpu.memory_space<hbm>>) target(%arg12 : memref<104x128xf32, #tpu.memory_space<vmem>>) offsets(%dma_start3A_66 : memref<104xi32, #tpu.memory_space<vmem>>) semaphore(%arg15 : memref<!tpu.dma_semaphore, #tpu.memory_space<semaphore_mem>>)
    %scan3A_70 = arith.constant 0 : i32
    %scan3A_71 = arith.constant 0 : i32
    %scan3A_72 = arith.constant 32 : i32
    %scan3A_73 = arith.addi %scan3A_71, %scan3A_72 : i32
    %scan3A_74 = arith.constant 1 : i32
    scf.for %scan3A_92 = %scan3A_71 to %scan3A_73 step %scan3A_74  : i32 {
      %mul3A_93 = arith.constant 3 : i32
      %mul3A_94 = arith.muli %scan3A_92, %mul3A_93 : i32
      %add3A_95 = arith.constant 0 : i32
      %add3A_96 = arith.addi %mul3A_94, %add3A_95 : i32
      %lt3A = arith.constant 96 : i32
      %lt3A_97 = arith.cmpi slt, %add3A_96, %lt3A : i32
      %convert_element_type3A_98 = arith.extui %lt3A_97 : i1 to i32
      %cond3A_99 = arith.constant 0 : i32
      %cond3A_100 = arith.cmpi ne, %convert_element_type3A_98, %cond3A_99 : i32
      scf.if %cond3A_100 {
        %dma_wait3A_136 = arith.constant 0 : i32
        %dma_wait3A_137 = tpu.memref_slice %arg6[%dma_wait3A_136] : memref<10000xi32, #tpu.memory_space<vmem>> -> memref<104xi32, #tpu.memory_space<vmem>>
        %dma_wait3A_138 = arith.constant 0 : i32
        %dma_wait3A_139 = arith.constant 0 : i32
        %dma_wait3A_140 = tpu.memref_slice %arg2[%dma_wait3A_138, %dma_wait3A_139] : memref<80000x128xf32, #tpu.memory_space<hbm>> -> memref<80000x128xf32, #tpu.memory_space<hbm>>
        tpu.wait_indirect_dma semaphore(%arg13 : memref<!tpu.dma_semaphore, #tpu.memory_space<semaphore_mem>>) src(%dma_wait3A_140 : memref<80000x128xf32, #tpu.memory_space<hbm>>) dst(%arg10 : memref<104x128xf32, #tpu.memory_space<vmem>>)
        %dma_wait3A_141 = tpu.memref_slice %arg4[%mul3A_34] : memref<320000xi32, #tpu.memory_space<hbm>> -> memref<104xi32, #tpu.memory_space<hbm>>
        %dma_wait3A_142 = tpu.memref_slice %arg4[%mul3A_34] : memref<320000xi32, #tpu.memory_space<hbm>> -> memref<104xi32, #tpu.memory_space<hbm>>
        tpu.wait_dma2 semaphore(%arg16 : memref<!tpu.dma_semaphore, #tpu.memory_space<semaphore_mem>>) src(%dma_wait3A_142 : memref<104xi32, #tpu.memory_space<hbm>>) dst(%arg7 : memref<104xi32, #tpu.memory_space<vmem>>)
        %dma_start3A_143 = arith.constant 0 : i32
        %dma_start3A_144 = arith.constant 0 : i32
        %dma_start3A_145 = tpu.memref_slice %arg23[%dma_start3A_143, %dma_start3A_144] : memref<10000x128xf32, #tpu.memory_space<vmem_shared>> -> memref<10000x128xf32, #tpu.memory_space<vmem_shared>>
        tpu.enqueue_indirect_dma source(%arg10 : memref<104x128xf32, #tpu.memory_space<vmem>>) target(%dma_start3A_145 : memref<10000x128xf32, #tpu.memory_space<vmem_shared>>) offsets(%arg7 : memref<104xi32, #tpu.memory_space<vmem>>) semaphore(%arg19 : memref<!tpu.dma_semaphore, #tpu.memory_space<semaphore_mem>>) {add = true}
      } else {
      }
      %add3A_101 = arith.constant 3 : i32
      %add3A_102 = arith.addi %add3A_96, %add3A_101 : i32
      %lt3A_103 = arith.constant 96 : i32
      %lt3A_104 = arith.cmpi slt, %add3A_102, %lt3A_103 : i32
      %convert_element_type3A_105 = arith.extui %lt3A_104 : i1 to i32
      %cond3A_106 = arith.constant 0 : i32
      %cond3A_107 = arith.cmpi ne, %convert_element_type3A_105, %cond3A_106 : i32
      scf.if %cond3A_107 {
        %dma_wait3A_136 = arith.constant 0 : i32
        %dma_wait3A_137 = arith.constant 0 : i32
        %dma_wait3A_138 = tpu.memref_slice %arg23[%dma_wait3A_136, %dma_wait3A_137] : memref<10000x128xf32, #tpu.memory_space<vmem_shared>> -> memref<10000x128xf32, #tpu.memory_space<vmem_shared>>
        tpu.wait_indirect_dma semaphore(%arg19 : memref<!tpu.dma_semaphore, #tpu.memory_space<semaphore_mem>>) src(%arg10 : memref<104x128xf32, #tpu.memory_space<vmem>>) dst(%dma_wait3A_138 : memref<10000x128xf32, #tpu.memory_space<vmem_shared>>)
        %add3A_139 = arith.constant 3 : i32
        %add3A_140 = arith.addi %add3A_96, %add3A_139 : i32
        %mul3A_141 = arith.constant 104 : i32
        %mul3A_142 = arith.muli %add3A_140, %mul3A_141 : i32
        %add3A_143 = arith.constant 16 : i32
        %add3A_144 = arith.addi %add3A_143, %mul3A_142 : i32
        %add3A_145 = arith.addi %mul3A_34, %add3A_144 : i32
        %dma_start3A_146 = tpu.memref_slice %arg4[%add3A_145] : memref<320000xi32, #tpu.memory_space<hbm>> -> memref<104xi32, #tpu.memory_space<hbm>>
        %dma_start3A_147 = tpu.memref_slice %arg4[%add3A_145] : memref<320000xi32, #tpu.memory_space<hbm>> -> memref<104xi32, #tpu.memory_space<hbm>>
        tpu.enqueue_dma source(%dma_start3A_147 : memref<104xi32, #tpu.memory_space<hbm>>) target(%arg7 : memref<104xi32, #tpu.memory_space<vmem>>) target_semaphore(%arg16 : memref<!tpu.dma_semaphore, #tpu.memory_space<semaphore_mem>>)
        %dma_start3A_148 = tpu.memref_slice %arg6[%add3A_144] : memref<10000xi32, #tpu.memory_space<vmem>> -> memref<104xi32, #tpu.memory_space<vmem>>
        %dma_start3A_149 = arith.constant 0 : i32
        %dma_start3A_150 = arith.constant 0 : i32
        %dma_start3A_151 = tpu.memref_slice %arg2[%dma_start3A_149, %dma_start3A_150] : memref<80000x128xf32, #tpu.memory_space<hbm>> -> memref<80000x128xf32, #tpu.memory_space<hbm>>
        tpu.enqueue_indirect_dma source(%dma_start3A_151 : memref<80000x128xf32, #tpu.memory_space<hbm>>) target(%arg10 : memref<104x128xf32, #tpu.memory_space<vmem>>) offsets(%dma_start3A_148 : memref<104xi32, #tpu.memory_space<vmem>>) semaphore(%arg13 : memref<!tpu.dma_semaphore, #tpu.memory_space<semaphore_mem>>)
      } else {
      }
      %add3A_108 = arith.constant 1 : i32
      %add3A_109 = arith.addi %mul3A_94, %add3A_108 : i32
      %lt3A_110 = arith.constant 96 : i32
      %lt3A_111 = arith.cmpi slt, %add3A_109, %lt3A_110 : i32
      %convert_element_type3A_112 = arith.extui %lt3A_111 : i1 to i32
      %cond3A_113 = arith.constant 0 : i32
      %cond3A_114 = arith.cmpi ne, %convert_element_type3A_112, %cond3A_113 : i32
      scf.if %cond3A_114 {
        %dma_wait3A_136 = arith.constant 0 : i32
        %dma_wait3A_137 = tpu.memref_slice %arg6[%dma_wait3A_136] : memref<10000xi32, #tpu.memory_space<vmem>> -> memref<104xi32, #tpu.memory_space<vmem>>
        %dma_wait3A_138 = arith.constant 0 : i32
        %dma_wait3A_139 = arith.constant 0 : i32
        %dma_wait3A_140 = tpu.memref_slice %arg2[%dma_wait3A_138, %dma_wait3A_139] : memref<80000x128xf32, #tpu.memory_space<hbm>> -> memref<80000x128xf32, #tpu.memory_space<hbm>>
        tpu.wait_indirect_dma semaphore(%arg14 : memref<!tpu.dma_semaphore, #tpu.memory_space<semaphore_mem>>) src(%dma_wait3A_140 : memref<80000x128xf32, #tpu.memory_space<hbm>>) dst(%arg11 : memref<104x128xf32, #tpu.memory_space<vmem>>)
        %dma_wait3A_141 = tpu.memref_slice %arg4[%mul3A_34] : memref<320000xi32, #tpu.memory_space<hbm>> -> memref<104xi32, #tpu.memory_space<hbm>>
        %dma_wait3A_142 = tpu.memref_slice %arg4[%mul3A_34] : memref<320000xi32, #tpu.memory_space<hbm>> -> memref<104xi32, #tpu.memory_space<hbm>>
        tpu.wait_dma2 semaphore(%arg17 : memref<!tpu.dma_semaphore, #tpu.memory_space<semaphore_mem>>) src(%dma_wait3A_142 : memref<104xi32, #tpu.memory_space<hbm>>) dst(%arg8 : memref<104xi32, #tpu.memory_space<vmem>>)
        %dma_start3A_143 = arith.constant 0 : i32
        %dma_start3A_144 = arith.constant 0 : i32
        %dma_start3A_145 = tpu.memref_slice %arg23[%dma_start3A_143, %dma_start3A_144] : memref<10000x128xf32, #tpu.memory_space<vmem_shared>> -> memref<10000x128xf32, #tpu.memory_space<vmem_shared>>
        tpu.enqueue_indirect_dma source(%arg11 : memref<104x128xf32, #tpu.memory_space<vmem>>) target(%dma_start3A_145 : memref<10000x128xf32, #tpu.memory_space<vmem_shared>>) offsets(%arg8 : memref<104xi32, #tpu.memory_space<vmem>>) semaphore(%arg20 : memref<!tpu.dma_semaphore, #tpu.memory_space<semaphore_mem>>) {add = true}
      } else {
      }
      %add3A_115 = arith.constant 3 : i32
      %add3A_116 = arith.addi %add3A_109, %add3A_115 : i32
      %lt3A_117 = arith.constant 96 : i32
      %lt3A_118 = arith.cmpi slt, %add3A_116, %lt3A_117 : i32
      %convert_element_type3A_119 = arith.extui %lt3A_118 : i1 to i32
      %cond3A_120 = arith.constant 0 : i32
      %cond3A_121 = arith.cmpi ne, %convert_element_type3A_119, %cond3A_120 : i32
      scf.if %cond3A_121 {
        %dma_wait3A_136 = arith.constant 0 : i32
        %dma_wait3A_137 = arith.constant 0 : i32
        %dma_wait3A_138 = tpu.memref_slice %arg23[%dma_wait3A_136, %dma_wait3A_137] : memref<10000x128xf32, #tpu.memory_space<vmem_shared>> -> memref<10000x128xf32, #tpu.memory_space<vmem_shared>>
        tpu.wait_indirect_dma semaphore(%arg20 : memref<!tpu.dma_semaphore, #tpu.memory_space<semaphore_mem>>) src(%arg11 : memref<104x128xf32, #tpu.memory_space<vmem>>) dst(%dma_wait3A_138 : memref<10000x128xf32, #tpu.memory_space<vmem_shared>>)
        %add3A_139 = arith.constant 3 : i32
        %add3A_140 = arith.addi %add3A_109, %add3A_139 : i32
        %mul3A_141 = arith.constant 104 : i32
        %mul3A_142 = arith.muli %add3A_140, %mul3A_141 : i32
        %add3A_143 = arith.constant 16 : i32
        %add3A_144 = arith.addi %add3A_143, %mul3A_142 : i32
        %add3A_145 = arith.addi %mul3A_34, %add3A_144 : i32
        %dma_start3A_146 = tpu.memref_slice %arg4[%add3A_145] : memref<320000xi32, #tpu.memory_space<hbm>> -> memref<104xi32, #tpu.memory_space<hbm>>
        %dma_start3A_147 = tpu.memref_slice %arg4[%add3A_145] : memref<320000xi32, #tpu.memory_space<hbm>> -> memref<104xi32, #tpu.memory_space<hbm>>
        tpu.enqueue_dma source(%dma_start3A_147 : memref<104xi32, #tpu.memory_space<hbm>>) target(%arg8 : memref<104xi32, #tpu.memory_space<vmem>>) target_semaphore(%arg17 : memref<!tpu.dma_semaphore, #tpu.memory_space<semaphore_mem>>)
        %dma_start3A_148 = tpu.memref_slice %arg6[%add3A_144] : memref<10000xi32, #tpu.memory_space<vmem>> -> memref<104xi32, #tpu.memory_space<vmem>>
        %dma_start3A_149 = arith.constant 0 : i32
        %dma_start3A_150 = arith.constant 0 : i32
        %dma_start3A_151 = tpu.memref_slice %arg2[%dma_start3A_149, %dma_start3A_150] : memref<80000x128xf32, #tpu.memory_space<hbm>> -> memref<80000x128xf32, #tpu.memory_space<hbm>>
        tpu.enqueue_indirect_dma source(%dma_start3A_151 : memref<80000x128xf32, #tpu.memory_space<hbm>>) target(%arg11 : memref<104x128xf32, #tpu.memory_space<vmem>>) offsets(%dma_start3A_148 : memref<104xi32, #tpu.memory_space<vmem>>) semaphore(%arg14 : memref<!tpu.dma_semaphore, #tpu.memory_space<semaphore_mem>>)
      } else {
      }
      %add3A_122 = arith.constant 2 : i32
      %add3A_123 = arith.addi %mul3A_94, %add3A_122 : i32
      %lt3A_124 = arith.constant 96 : i32
      %lt3A_125 = arith.cmpi slt, %add3A_123, %lt3A_124 : i32
      %convert_element_type3A_126 = arith.extui %lt3A_125 : i1 to i32
      %cond3A_127 = arith.constant 0 : i32
      %cond3A_128 = arith.cmpi ne, %convert_element_type3A_126, %cond3A_127 : i32
      scf.if %cond3A_128 {
        %dma_wait3A_136 = arith.constant 0 : i32
        %dma_wait3A_137 = tpu.memref_slice %arg6[%dma_wait3A_136] : memref<10000xi32, #tpu.memory_space<vmem>> -> memref<104xi32, #tpu.memory_space<vmem>>
        %dma_wait3A_138 = arith.constant 0 : i32
        %dma_wait3A_139 = arith.constant 0 : i32
        %dma_wait3A_140 = tpu.memref_slice %arg2[%dma_wait3A_138, %dma_wait3A_139] : memref<80000x128xf32, #tpu.memory_space<hbm>> -> memref<80000x128xf32, #tpu.memory_space<hbm>>
        tpu.wait_indirect_dma semaphore(%arg15 : memref<!tpu.dma_semaphore, #tpu.memory_space<semaphore_mem>>) src(%dma_wait3A_140 : memref<80000x128xf32, #tpu.memory_space<hbm>>) dst(%arg12 : memref<104x128xf32, #tpu.memory_space<vmem>>)
        %dma_wait3A_141 = tpu.memref_slice %arg4[%mul3A_34] : memref<320000xi32, #tpu.memory_space<hbm>> -> memref<104xi32, #tpu.memory_space<hbm>>
        %dma_wait3A_142 = tpu.memref_slice %arg4[%mul3A_34] : memref<320000xi32, #tpu.memory_space<hbm>> -> memref<104xi32, #tpu.memory_space<hbm>>
        tpu.wait_dma2 semaphore(%arg18 : memref<!tpu.dma_semaphore, #tpu.memory_space<semaphore_mem>>) src(%dma_wait3A_142 : memref<104xi32, #tpu.memory_space<hbm>>) dst(%arg9 : memref<104xi32, #tpu.memory_space<vmem>>)
        %dma_start3A_143 = arith.constant 0 : i32
        %dma_start3A_144 = arith.constant 0 : i32
        %dma_start3A_145 = tpu.memref_slice %arg23[%dma_start3A_143, %dma_start3A_144] : memref<10000x128xf32, #tpu.memory_space<vmem_shared>> -> memref<10000x128xf32, #tpu.memory_space<vmem_shared>>
        tpu.enqueue_indirect_dma source(%arg12 : memref<104x128xf32, #tpu.memory_space<vmem>>) target(%dma_start3A_145 : memref<10000x128xf32, #tpu.memory_space<vmem_shared>>) offsets(%arg9 : memref<104xi32, #tpu.memory_space<vmem>>) semaphore(%arg21 : memref<!tpu.dma_semaphore, #tpu.memory_space<semaphore_mem>>) {add = true}
      } else {
      }
      %add3A_129 = arith.constant 3 : i32
      %add3A_130 = arith.addi %add3A_123, %add3A_129 : i32
      %lt3A_131 = arith.constant 96 : i32
      %lt3A_132 = arith.cmpi slt, %add3A_130, %lt3A_131 : i32
      %convert_element_type3A_133 = arith.extui %lt3A_132 : i1 to i32
      %cond3A_134 = arith.constant 0 : i32
      %cond3A_135 = arith.cmpi ne, %convert_element_type3A_133, %cond3A_134 : i32
      scf.if %cond3A_135 {
        %dma_wait3A_136 = arith.constant 0 : i32
        %dma_wait3A_137 = arith.constant 0 : i32
        %dma_wait3A_138 = tpu.memref_slice %arg23[%dma_wait3A_136, %dma_wait3A_137] : memref<10000x128xf32, #tpu.memory_space<vmem_shared>> -> memref<10000x128xf32, #tpu.memory_space<vmem_shared>>
        tpu.wait_indirect_dma semaphore(%arg21 : memref<!tpu.dma_semaphore, #tpu.memory_space<semaphore_mem>>) src(%arg12 : memref<104x128xf32, #tpu.memory_space<vmem>>) dst(%dma_wait3A_138 : memref<10000x128xf32, #tpu.memory_space<vmem_shared>>)
        %add3A_139 = arith.constant 3 : i32
        %add3A_140 = arith.addi %add3A_123, %add3A_139 : i32
        %mul3A_141 = arith.constant 104 : i32
        %mul3A_142 = arith.muli %add3A_140, %mul3A_141 : i32
        %add3A_143 = arith.constant 16 : i32
        %add3A_144 = arith.addi %add3A_143, %mul3A_142 : i32
        %add3A_145 = arith.addi %mul3A_34, %add3A_144 : i32
        %dma_start3A_146 = tpu.memref_slice %arg4[%add3A_145] : memref<320000xi32, #tpu.memory_space<hbm>> -> memref<104xi32, #tpu.memory_space<hbm>>
        %dma_start3A_147 = tpu.memref_slice %arg4[%add3A_145] : memref<320000xi32, #tpu.memory_space<hbm>> -> memref<104xi32, #tpu.memory_space<hbm>>
        tpu.enqueue_dma source(%dma_start3A_147 : memref<104xi32, #tpu.memory_space<hbm>>) target(%arg9 : memref<104xi32, #tpu.memory_space<vmem>>) target_semaphore(%arg18 : memref<!tpu.dma_semaphore, #tpu.memory_space<semaphore_mem>>)
        %dma_start3A_148 = tpu.memref_slice %arg6[%add3A_144] : memref<10000xi32, #tpu.memory_space<vmem>> -> memref<104xi32, #tpu.memory_space<vmem>>
        %dma_start3A_149 = arith.constant 0 : i32
        %dma_start3A_150 = arith.constant 0 : i32
        %dma_start3A_151 = tpu.memref_slice %arg2[%dma_start3A_149, %dma_start3A_150] : memref<80000x128xf32, #tpu.memory_space<hbm>> -> memref<80000x128xf32, #tpu.memory_space<hbm>>
        tpu.enqueue_indirect_dma source(%dma_start3A_151 : memref<80000x128xf32, #tpu.memory_space<hbm>>) target(%arg12 : memref<104x128xf32, #tpu.memory_space<vmem>>) offsets(%dma_start3A_148 : memref<104xi32, #tpu.memory_space<vmem>>) semaphore(%arg15 : memref<!tpu.dma_semaphore, #tpu.memory_space<semaphore_mem>>)
      } else {
      }
    }
    %scan3A_75 = arith.constant 32 : i32
    %dma_wait3A = arith.constant 0 : i32
    %dma_wait3A_76 = arith.constant 0 : i32
    %dma_wait3A_77 = tpu.memref_slice %arg23[%dma_wait3A, %dma_wait3A_76] : memref<10000x128xf32, #tpu.memory_space<vmem_shared>> -> memref<10000x128xf32, #tpu.memory_space<vmem_shared>>
    tpu.wait_indirect_dma semaphore(%arg19 : memref<!tpu.dma_semaphore, #tpu.memory_space<semaphore_mem>>) src(%arg10 : memref<104x128xf32, #tpu.memory_space<vmem>>) dst(%dma_wait3A_77 : memref<10000x128xf32, #tpu.memory_space<vmem_shared>>)
    %dma_wait3A_78 = arith.constant 0 : i32
    %dma_wait3A_79 = arith.constant 0 : i32
    %dma_wait3A_80 = tpu.memref_slice %arg23[%dma_wait3A_78, %dma_wait3A_79] : memref<10000x128xf32, #tpu.memory_space<vmem_shared>> -> memref<10000x128xf32, #tpu.memory_space<vmem_shared>>
    tpu.wait_indirect_dma semaphore(%arg20 : memref<!tpu.dma_semaphore, #tpu.memory_space<semaphore_mem>>) src(%arg11 : memref<104x128xf32, #tpu.memory_space<vmem>>) dst(%dma_wait3A_80 : memref<10000x128xf32, #tpu.memory_space<vmem_shared>>)
    %dma_wait3A_81 = arith.constant 0 : i32
    %dma_wait3A_82 = arith.constant 0 : i32
    %dma_wait3A_83 = tpu.memref_slice %arg23[%dma_wait3A_81, %dma_wait3A_82] : memref<10000x128xf32, #tpu.memory_space<vmem_shared>> -> memref<10000x128xf32, #tpu.memory_space<vmem_shared>>
    tpu.wait_indirect_dma semaphore(%arg21 : memref<!tpu.dma_semaphore, #tpu.memory_space<semaphore_mem>>) src(%arg12 : memref<104x128xf32, #tpu.memory_space<vmem>>) dst(%dma_wait3A_83 : memref<10000x128xf32, #tpu.memory_space<vmem_shared>>)
    %barrier3A_84 = arith.constant 0 : index
    tpu.barrier barrier_id(%barrier3A_84)
    %mul3A_85 = arith.constant 624 : i32
    %mul3A_86 = arith.muli %arg1, %mul3A_85 : i32
    "tpu.region"() ({
      %run_scoped3A = tpu.sem_alloc : memref<!tpu.dma_semaphore, #tpu.memory_space<semaphore_mem>>
      %dma_start3A_92 = arith.constant 0 : i32
      %dma_start3A_93 = tpu.memref_slice %arg5[%arg0, %mul3A_86, %dma_start3A_92] : memref<2x10000x128xf32, #tpu.memory_space<hbm>> -> memref<1x624x128xf32, #tpu.memory_space<hbm>>
      %dma_start3A_94 = tpu.memref_squeeze %dma_start3A_93 : memref<1x624x128xf32, #tpu.memory_space<hbm>> -> memref<624x128xf32, #tpu.memory_space<hbm>>
      %dma_start3A_95 = arith.constant 0 : i32
      %dma_start3A_96 = tpu.memref_slice %arg23[%mul3A_86, %dma_start3A_95] : memref<10000x128xf32, #tpu.memory_space<vmem_shared>> -> memref<624x128xf32, #tpu.memory_space<vmem_shared>>
      tpu.enqueue_dma source(%dma_start3A_96 : memref<624x128xf32, #tpu.memory_space<vmem_shared>>) target(%dma_start3A_94 : memref<624x128xf32, #tpu.memory_space<hbm>>) target_semaphore(%run_scoped3A : memref<!tpu.dma_semaphore, #tpu.memory_space<semaphore_mem>>)
      %dma_wait3A_97 = arith.constant 0 : i32
      %dma_wait3A_98 = tpu.memref_slice %arg5[%arg0, %mul3A_86, %dma_wait3A_97] : memref<2x10000x128xf32, #tpu.memory_space<hbm>> -> memref<1x624x128xf32, #tpu.memory_space<hbm>>
      %dma_wait3A_99 = tpu.memref_squeeze %dma_wait3A_98 : memref<1x624x128xf32, #tpu.memory_space<hbm>> -> memref<624x128xf32, #tpu.memory_space<hbm>>
      %dma_wait3A_100 = arith.constant 0 : i32
      %dma_wait3A_101 = tpu.memref_slice %arg23[%mul3A_86, %dma_wait3A_100] : memref<10000x128xf32, #tpu.memory_space<vmem_shared>> -> memref<624x128xf32, #tpu.memory_space<vmem_shared>>
      tpu.wait_dma2 semaphore(%run_scoped3A : memref<!tpu.dma_semaphore, #tpu.memory_space<semaphore_mem>>) src(%dma_wait3A_101 : memref<624x128xf32, #tpu.memory_space<vmem_shared>>) dst(%dma_wait3A_99 : memref<624x128xf32, #tpu.memory_space<hbm>>)
      tpu.yield
    }) : () -> ()
    %eq3A_87 = arith.constant 15 : i32
    %eq3A_88 = arith.cmpi eq, %arg1, %eq3A_87 : i32
    %convert_element_type3A_89 = arith.extui %eq3A_88 : i1 to i32
    %cond3A_90 = arith.constant 0 : i32
    %cond3A_91 = arith.cmpi ne, %convert_element_type3A_89, %cond3A_90 : i32
    scf.if %cond3A_91 {
      "tpu.region"() ({
        %run_scoped3A = tpu.sem_alloc : memref<!tpu.dma_semaphore, #tpu.memory_space<semaphore_mem>>
        %dma_start3A_92 = arith.constant 9984 : i32
        %dma_start3A_93 = arith.constant 0 : i32
        %dma_start3A_94 = tpu.memref_slice %arg5[%arg0, %dma_start3A_92, %dma_start3A_93] : memref<2x10000x128xf32, #tpu.memory_space<hbm>> -> memref<1x16x128xf32, #tpu.memory_space<hbm>>
        %dma_start3A_95 = tpu.memref_squeeze %dma_start3A_94 : memref<1x16x128xf32, #tpu.memory_space<hbm>> -> memref<16x128xf32, #tpu.memory_space<hbm>>
        %dma_start3A_96 = arith.constant 9984 : i32
        %dma_start3A_97 = arith.constant 0 : i32
        %dma_start3A_98 = tpu.memref_slice %arg23[%dma_start3A_96, %dma_start3A_97] : memref<10000x128xf32, #tpu.memory_space<vmem_shared>> -> memref<16x128xf32, #tpu.memory_space<vmem_shared>>
        tpu.enqueue_dma source(%dma_start3A_98 : memref<16x128xf32, #tpu.memory_space<vmem_shared>>) target(%dma_start3A_95 : memref<16x128xf32, #tpu.memory_space<hbm>>) target_semaphore(%run_scoped3A : memref<!tpu.dma_semaphore, #tpu.memory_space<semaphore_mem>>)
        %dma_wait3A_99 = arith.constant 9984 : i32
        %dma_wait3A_100 = arith.constant 0 : i32
        %dma_wait3A_101 = tpu.memref_slice %arg5[%arg0, %dma_wait3A_99, %dma_wait3A_100] : memref<2x10000x128xf32, #tpu.memory_space<hbm>> -> memref<1x16x128xf32, #tpu.memory_space<hbm>>
        %dma_wait3A_102 = tpu.memref_squeeze %dma_wait3A_101 : memref<1x16x128xf32, #tpu.memory_space<hbm>> -> memref<16x128xf32, #tpu.memory_space<hbm>>
        %dma_wait3A_103 = arith.constant 9984 : i32
        %dma_wait3A_104 = arith.constant 0 : i32
        %dma_wait3A_105 = tpu.memref_slice %arg23[%dma_wait3A_103, %dma_wait3A_104] : memref<10000x128xf32, #tpu.memory_space<vmem_shared>> -> memref<16x128xf32, #tpu.memory_space<vmem_shared>>
        tpu.wait_dma2 semaphore(%run_scoped3A : memref<!tpu.dma_semaphore, #tpu.memory_space<semaphore_mem>>) src(%dma_wait3A_105 : memref<16x128xf32, #tpu.memory_space<vmem_shared>>) dst(%dma_wait3A_102 : memref<16x128xf32, #tpu.memory_space<hbm>>)
        tpu.yield
      }) : () -> ()
    } else {
    }
    return
  }
}

#map = affine_map<(d0, d1) -> (0, 0)>
#map1 = affine_map<(d0, d1) -> (0)>
#map2 = affine_map<(d0, d1) -> (0, 0, 0)>
module attributes {stable_mosaic.version = 14 : i64} {
  func.func @sc_scatter(%arg0: i32, %arg1: i32, %arg2: memref<80000x128xf32, #tpu.memory_space<hbm>>, %arg3: memref<320000xi32, #tpu.memory_space<hbm>>, %arg4: memref<320000xi32, #tpu.memory_space<hbm>>, %arg5: memref<2x10000x128xf32, #tpu.memory_space<hbm>>, %arg6: memref<10000xi32, #tpu.memory_space<vmem>>, %arg7: memref<104xi32, #tpu.memory_space<vmem>>, %arg8: memref<104xi32, #tpu.memory_space<vmem>>, %arg9: memref<104xi32, #tpu.memory_space<vmem>>, %arg10: memref<104x128xf32, #tpu.memory_space<vmem>>, %arg11: memref<104x128xf32, #tpu.memory_space<vmem>>, %arg12: memref<104x128xf32, #tpu.memory_space<vmem>>, %arg13: memref<!tpu.dma_semaphore, #tpu.memory_space<semaphore_mem>>, %arg14: memref<!tpu.dma_semaphore, #tpu.memory_space<semaphore_mem>>, %arg15: memref<!tpu.dma_semaphore, #tpu.memory_space<semaphore_mem>>, %arg16: memref<!tpu.dma_semaphore, #tpu.memory_space<semaphore_mem>>, %arg17: memref<!tpu.dma_semaphore, #tpu.memory_space<semaphore_mem>>, %arg18: memref<!tpu.dma_semaphore, #tpu.memory_space<semaphore_mem>>, %arg19: memref<!tpu.dma_semaphore, #tpu.memory_space<semaphore_mem>>, %arg20: memref<!tpu.dma_semaphore, #tpu.memory_space<semaphore_mem>>, %arg21: memref<!tpu.dma_semaphore, #tpu.memory_space<semaphore_mem>>, %arg22: memref<16xi32, #tpu.memory_space<vmem>>, %arg23: memref<10000x128xf32, #tpu.memory_space<vmem_shared>>) attributes {dimension_semantics = [#tpu.dimension_semantics<core_parallel>, #tpu.dimension_semantics<subcore_parallel>], iteration_bounds = array<i64: 2, 16>, scalar_prefetch = 0 : i64, scratch_operands = 18 : i64, tpu.core_type = #tpu.core_type<sc_vector_subcore>, window_params = [{transform_indices = #map}, {transform_indices = #map1}, {transform_indices = #map1}, {transform_indices = #map2}]} {
    %broadcast_in_dim3A = arith.constant 0.000000e+00 : f32
    %broadcast_in_dim3A_0 = vector.broadcast %broadcast_in_dim3A : f32 to vector<16xf32>
    %scan3A = arith.constant 0 : i32
    %scan3A_1 = arith.constant 0 : i32
    %scan3A_2 = arith.constant 104 : i32
    %scan3A_3 = arith.addi %scan3A_1, %scan3A_2 : i32
    %scan3A_4 = arith.constant 1 : i32
    scf.for %scan3A_92 = %scan3A_1 to %scan3A_3 step %scan3A_4  : i32 {
      %swap3A = arith.index_cast %scan3A_92 : i32 to index
      %swap3A_93 = arith.constant 0 : index
      %swap3A_94 = tpu.vector_load %arg10[%swap3A, %swap3A_93] {strides = array<i32>} : memref<104x128xf32, #tpu.memory_space<vmem>>, vector<1x16xf32>,
      %swap3A_95 = vector.shape_cast %swap3A_94 : vector<1x16xf32> to vector<16xf32>
      %swap3A_96 = vector.shape_cast %broadcast_in_dim3A_0 : vector<16xf32> to vector<1x16xf32>
      tpu.vector_store %arg10[%swap3A, %swap3A_93], %swap3A_96 {strides = array<i32>} : memref<104x128xf32, #tpu.memory_space<vmem>>, vector<1x16xf32>,
      %swap3A_97 = arith.index_cast %scan3A_92 : i32 to index
      %swap3A_98 = arith.constant 16 : index
      %swap3A_99 = tpu.vector_load %arg10[%swap3A_97, %swap3A_98] {strides = array<i32>} : memref<104x128xf32, #tpu.memory_space<vmem>>, vector<1x16xf32>,
      %swap3A_100 = vector.shape_cast %swap3A_99 : vector<1x16xf32> to vector<16xf32>
      %swap3A_101 = vector.shape_cast %broadcast_in_dim3A_0 : vector<16xf32> to vector<1x16xf32>
      tpu.vector_store %arg10[%swap3A_97, %swap3A_98], %swap3A_101 {strides = array<i32>} : memref<104x128xf32, #tpu.memory_space<vmem>>, vector<1x16xf32>,
      %swap3A_102 = arith.index_cast %scan3A_92 : i32 to index
      %swap3A_103 = arith.constant 32 : index
      %swap3A_104 = tpu.vector_load %arg10[%swap3A_102, %swap3A_103] {strides = array<i32>} : memref<104x128xf32, #tpu.memory_space<vmem>>, vector<1x16xf32>,
      %swap3A_105 = vector.shape_cast %swap3A_104 : vector<1x16xf32> to vector<16xf32>
      %swap3A_106 = vector.shape_cast %broadcast_in_dim3A_0 : vector<16xf32> to vector<1x16xf32>
      tpu.vector_store %arg10[%swap3A_102, %swap3A_103], %swap3A_106 {strides = array<i32>} : memref<104x128xf32, #tpu.memory_space<vmem>>, vector<1x16xf32>,
      %swap3A_107 = arith.index_cast %scan3A_92 : i32 to index
      %swap3A_108 = arith.constant 48 : index
      %swap3A_109 = tpu.vector_load %arg10[%swap3A_107, %swap3A_108] {strides = array<i32>} : memref<104x128xf32, #tpu.memory_space<vmem>>, vector<1x16xf32>,
      %swap3A_110 = vector.shape_cast %swap3A_109 : vector<1x16xf32> to vector<16xf32>
      %swap3A_111 = vector.shape_cast %broadcast_in_dim3A_0 : vector<16xf32> to vector<1x16xf32>
      tpu.vector_store %arg10[%swap3A_107, %swap3A_108], %swap3A_111 {strides = array<i32>} : memref<104x128xf32, #tpu.memory_space<vmem>>, vector<1x16xf32>,
      %swap3A_112 = arith.index_cast %scan3A_92 : i32 to index
      %swap3A_113 = arith.constant 64 : index
      %swap3A_114 = tpu.vector_load %arg10[%swap3A_112, %swap3A_113] {strides = array<i32>} : memref<104x128xf32, #tpu.memory_space<vmem>>, vector<1x16xf32>,
      %swap3A_115 = vector.shape_cast %swap3A_114 : vector<1x16xf32> to vector<16xf32>
      %swap3A_116 = vector.shape_cast %broadcast_in_dim3A_0 : vector<16xf32> to vector<1x16xf32>
      tpu.vector_store %arg10[%swap3A_112, %swap3A_113], %swap3A_116 {strides = array<i32>} : memref<104x128xf32, #tpu.memory_space<vmem>>, vector<1x16xf32>,
      %swap3A_117 = arith.index_cast %scan3A_92 : i32 to index
      %swap3A_118 = arith.constant 80 : index
      %swap3A_119 = tpu.vector_load %arg10[%swap3A_117, %swap3A_118] {strides = array<i32>} : memref<104x128xf32, #tpu.memory_space<vmem>>, vector<1x16xf32>,
      %swap3A_120 = vector.shape_cast %swap3A_119 : vector<1x16xf32> to vector<16xf32>
      %swap3A_121 = vector.shape_cast %broadcast_in_dim3A_0 : vector<16xf32> to vector<1x16xf32>
      tpu.vector_store %arg10[%swap3A_117, %swap3A_118], %swap3A_121 {strides = array<i32>} : memref<104x128xf32, #tpu.memory_space<vmem>>, vector<1x16xf32>,
      %swap3A_122 = arith.index_cast %scan3A_92 : i32 to index
      %swap3A_123 = arith.constant 96 : index
      %swap3A_124 = tpu.vector_load %arg10[%swap3A_122, %swap3A_123] {strides = array<i32>} : memref<104x128xf32, #tpu.memory_space<vmem>>, vector<1x16xf32>,
      %swap3A_125 = vector.shape_cast %swap3A_124 : vector<1x16xf32> to vector<16xf32>
      %swap3A_126 = vector.shape_cast %broadcast_in_dim3A_0 : vector<16xf32> to vector<1x16xf32>
      tpu.vector_store %arg10[%swap3A_122, %swap3A_123], %swap3A_126 {strides = array<i32>} : memref<104x128xf32, #tpu.memory_space<vmem>>, vector<1x16xf32>,
      %swap3A_127 = arith.index_cast %scan3A_92 : i32 to index
      %swap3A_128 = arith.constant 112 : index
      %swap3A_129 = tpu.vector_load %arg10[%swap3A_127, %swap3A_128] {strides = array<i32>} : memref<104x128xf32, #tpu.memory_space<vmem>>, vector<1x16xf32>,
      %swap3A_130 = vector.shape_cast %swap3A_129 : vector<1x16xf32> to vector<16xf32>
      %swap3A_131 = vector.shape_cast %broadcast_in_dim3A_0 : vector<16xf32> to vector<1x16xf32>
      tpu.vector_store %arg10[%swap3A_127, %swap3A_128], %swap3A_131 {strides = array<i32>} : memref<104x128xf32, #tpu.memory_space<vmem>>, vector<1x16xf32>,
    }
    %scan3A_5 = arith.constant 104 : i32
    %mul3A = arith.constant 624 : i32
    %mul3A_6 = arith.muli %arg1, %mul3A : i32
    %add3A = arith.constant 0 : i32
    %add3A_7 = arith.addi %mul3A_6, %add3A : i32
    "tpu.region"() ({
      %run_scoped3A = tpu.sem_alloc : memref<!tpu.dma_semaphore, #tpu.memory_space<semaphore_mem>>
      %dma_start3A_92 = arith.constant 0 : i32
      %dma_start3A_93 = tpu.memref_slice %arg23[%add3A_7, %dma_start3A_92] : memref<10000x128xf32, #tpu.memory_space<vmem_shared>> -> memref<104x128xf32, #tpu.memory_space<vmem_shared>>
      %dma_start3A_94 = arith.constant 0 : i32
      %dma_start3A_95 = tpu.memref_slice %arg23[%add3A_7, %dma_start3A_94] : memref<10000x128xf32, #tpu.memory_space<vmem_shared>> -> memref<104x128xf32, #tpu.memory_space<vmem_shared>>
      tpu.enqueue_dma source(%arg10 : memref<104x128xf32, #tpu.memory_space<vmem>>) target(%dma_start3A_95 : memref<104x128xf32, #tpu.memory_space<vmem_shared>>) target_semaphore(%run_scoped3A : memref<!tpu.dma_semaphore, #tpu.memory_space<semaphore_mem>>)
      %dma_wait3A_96 = arith.constant 0 : i32
      %dma_wait3A_97 = tpu.memref_slice %arg23[%add3A_7, %dma_wait3A_96] : memref<10000x128xf32, #tpu.memory_space<vmem_shared>> -> memref<104x128xf32, #tpu.memory_space<vmem_shared>>
      %dma_wait3A_98 = arith.constant 0 : i32
      %dma_wait3A_99 = tpu.memref_slice %arg23[%add3A_7, %dma_wait3A_98] : memref<10000x128xf32, #tpu.memory_space<vmem_shared>> -> memref<104x128xf32, #tpu.memory_space<vmem_shared>>
      tpu.wait_dma2 semaphore(%run_scoped3A : memref<!tpu.dma_semaphore, #tpu.memory_space<semaphore_mem>>) src(%arg10 : memref<104x128xf32, #tpu.memory_space<vmem>>) dst(%dma_wait3A_99 : memref<104x128xf32, #tpu.memory_space<vmem_shared>>)
      tpu.yield
    }) : () -> ()
    %mul3A_8 = arith.constant 624 : i32
    %mul3A_9 = arith.muli %arg1, %mul3A_8 : i32
    %add3A_10 = arith.constant 104 : i32
    %add3A_11 = arith.addi %mul3A_9, %add3A_10 : i32
    "tpu.region"() ({
      %run_scoped3A = tpu.sem_alloc : memref<!tpu.dma_semaphore, #tpu.memory_space<semaphore_mem>>
      %dma_start3A_92 = arith.constant 0 : i32
      %dma_start3A_93 = tpu.memref_slice %arg23[%add3A_11, %dma_start3A_92] : memref<10000x128xf32, #tpu.memory_space<vmem_shared>> -> memref<104x128xf32, #tpu.memory_space<vmem_shared>>
      %dma_start3A_94 = arith.constant 0 : i32
      %dma_start3A_95 = tpu.memref_slice %arg23[%add3A_11, %dma_start3A_94] : memref<10000x128xf32, #tpu.memory_space<vmem_shared>> -> memref<104x128xf32, #tpu.memory_space<vmem_shared>>
      tpu.enqueue_dma source(%arg10 : memref<104x128xf32, #tpu.memory_space<vmem>>) target(%dma_start3A_95 : memref<104x128xf32, #tpu.memory_space<vmem_shared>>) target_semaphore(%run_scoped3A : memref<!tpu.dma_semaphore, #tpu.memory_space<semaphore_mem>>)
      %dma_wait3A_96 = arith.constant 0 : i32
      %dma_wait3A_97 = tpu.memref_slice %arg23[%add3A_11, %dma_wait3A_96] : memref<10000x128xf32, #tpu.memory_space<vmem_shared>> -> memref<104x128xf32, #tpu.memory_space<vmem_shared>>
      %dma_wait3A_98 = arith.constant 0 : i32
      %dma_wait3A_99 = tpu.memref_slice %arg23[%add3A_11, %dma_wait3A_98] : memref<10000x128xf32, #tpu.memory_space<vmem_shared>> -> memref<104x128xf32, #tpu.memory_space<vmem_shared>>
      tpu.wait_dma2 semaphore(%run_scoped3A : memref<!tpu.dma_semaphore, #tpu.memory_space<semaphore_mem>>) src(%arg10 : memref<104x128xf32, #tpu.memory_space<vmem>>) dst(%dma_wait3A_99 : memref<104x128xf32, #tpu.memory_space<vmem_shared>>)
      tpu.yield
    }) : () -> ()
    %mul3A_12 = arith.constant 624 : i32
    %mul3A_13 = arith.muli %arg1, %mul3A_12 : i32
    %add3A_14 = arith.constant 208 : i32
    %add3A_15 = arith.addi %mul3A_13, %add3A_14 : i32
    "tpu.region"() ({
      %run_scoped3A = tpu.sem_alloc : memref<!tpu.dma_semaphore, #tpu.memory_space<semaphore_mem>>
      %dma_start3A_92 = arith.constant 0 : i32
      %dma_start3A_93 = tpu.memref_slice %arg23[%add3A_15, %dma_start3A_92] : memref<10000x128xf32, #tpu.memory_space<vmem_shared>> -> memref<104x128xf32, #tpu.memory_space<vmem_shared>>
      %dma_start3A_94 = arith.constant 0 : i32
      %dma_start3A_95 = tpu.memref_slice %arg23[%add3A_15, %dma_start3A_94] : memref<10000x128xf32, #tpu.memory_space<vmem_shared>> -> memref<104x128xf32, #tpu.memory_space<vmem_shared>>
      tpu.enqueue_dma source(%arg10 : memref<104x128xf32, #tpu.memory_space<vmem>>) target(%dma_start3A_95 : memref<104x128xf32, #tpu.memory_space<vmem_shared>>) target_semaphore(%run_scoped3A : memref<!tpu.dma_semaphore, #tpu.memory_space<semaphore_mem>>)
      %dma_wait3A_96 = arith.constant 0 : i32
      %dma_wait3A_97 = tpu.memref_slice %arg23[%add3A_15, %dma_wait3A_96] : memref<10000x128xf32, #tpu.memory_space<vmem_shared>> -> memref<104x128xf32, #tpu.memory_space<vmem_shared>>
      %dma_wait3A_98 = arith.constant 0 : i32
      %dma_wait3A_99 = tpu.memref_slice %arg23[%add3A_15, %dma_wait3A_98] : memref<10000x128xf32, #tpu.memory_space<vmem_shared>> -> memref<104x128xf32, #tpu.memory_space<vmem_shared>>
      tpu.wait_dma2 semaphore(%run_scoped3A : memref<!tpu.dma_semaphore, #tpu.memory_space<semaphore_mem>>) src(%arg10 : memref<104x128xf32, #tpu.memory_space<vmem>>) dst(%dma_wait3A_99 : memref<104x128xf32, #tpu.memory_space<vmem_shared>>)
      tpu.yield
    }) : () -> ()
    %mul3A_16 = arith.constant 624 : i32
    %mul3A_17 = arith.muli %arg1, %mul3A_16 : i32
    %add3A_18 = arith.constant 312 : i32
    %add3A_19 = arith.addi %mul3A_17, %add3A_18 : i32
    "tpu.region"() ({
      %run_scoped3A = tpu.sem_alloc : memref<!tpu.dma_semaphore, #tpu.memory_space<semaphore_mem>>
      %dma_start3A_92 = arith.constant 0 : i32
      %dma_start3A_93 = tpu.memref_slice %arg23[%add3A_19, %dma_start3A_92] : memref<10000x128xf32, #tpu.memory_space<vmem_shared>> -> memref<104x128xf32, #tpu.memory_space<vmem_shared>>
      %dma_start3A_94 = arith.constant 0 : i32
      %dma_start3A_95 = tpu.memref_slice %arg23[%add3A_19, %dma_start3A_94] : memref<10000x128xf32, #tpu.memory_space<vmem_shared>> -> memref<104x128xf32, #tpu.memory_space<vmem_shared>>
      tpu.enqueue_dma source(%arg10 : memref<104x128xf32, #tpu.memory_space<vmem>>) target(%dma_start3A_95 : memref<104x128xf32, #tpu.memory_space<vmem_shared>>) target_semaphore(%run_scoped3A : memref<!tpu.dma_semaphore, #tpu.memory_space<semaphore_mem>>)
      %dma_wait3A_96 = arith.constant 0 : i32
      %dma_wait3A_97 = tpu.memref_slice %arg23[%add3A_19, %dma_wait3A_96] : memref<10000x128xf32, #tpu.memory_space<vmem_shared>> -> memref<104x128xf32, #tpu.memory_space<vmem_shared>>
      %dma_wait3A_98 = arith.constant 0 : i32
      %dma_wait3A_99 = tpu.memref_slice %arg23[%add3A_19, %dma_wait3A_98] : memref<10000x128xf32, #tpu.memory_space<vmem_shared>> -> memref<104x128xf32, #tpu.memory_space<vmem_shared>>
      tpu.wait_dma2 semaphore(%run_scoped3A : memref<!tpu.dma_semaphore, #tpu.memory_space<semaphore_mem>>) src(%arg10 : memref<104x128xf32, #tpu.memory_space<vmem>>) dst(%dma_wait3A_99 : memref<104x128xf32, #tpu.memory_space<vmem_shared>>)
      tpu.yield
    }) : () -> ()
    %mul3A_20 = arith.constant 624 : i32
    %mul3A_21 = arith.muli %arg1, %mul3A_20 : i32
    %add3A_22 = arith.constant 416 : i32
    %add3A_23 = arith.addi %mul3A_21, %add3A_22 : i32
    "tpu.region"() ({
      %run_scoped3A = tpu.sem_alloc : memref<!tpu.dma_semaphore, #tpu.memory_space<semaphore_mem>>
      %dma_start3A_92 = arith.constant 0 : i32
      %dma_start3A_93 = tpu.memref_slice %arg23[%add3A_23, %dma_start3A_92] : memref<10000x128xf32, #tpu.memory_space<vmem_shared>> -> memref<104x128xf32, #tpu.memory_space<vmem_shared>>
      %dma_start3A_94 = arith.constant 0 : i32
      %dma_start3A_95 = tpu.memref_slice %arg23[%add3A_23, %dma_start3A_94] : memref<10000x128xf32, #tpu.memory_space<vmem_shared>> -> memref<104x128xf32, #tpu.memory_space<vmem_shared>>
      tpu.enqueue_dma source(%arg10 : memref<104x128xf32, #tpu.memory_space<vmem>>) target(%dma_start3A_95 : memref<104x128xf32, #tpu.memory_space<vmem_shared>>) target_semaphore(%run_scoped3A : memref<!tpu.dma_semaphore, #tpu.memory_space<semaphore_mem>>)
      %dma_wait3A_96 = arith.constant 0 : i32
      %dma_wait3A_97 = tpu.memref_slice %arg23[%add3A_23, %dma_wait3A_96] : memref<10000x128xf32, #tpu.memory_space<vmem_shared>> -> memref<104x128xf32, #tpu.memory_space<vmem_shared>>
      %dma_wait3A_98 = arith.constant 0 : i32
      %dma_wait3A_99 = tpu.memref_slice %arg23[%add3A_23, %dma_wait3A_98] : memref<10000x128xf32, #tpu.memory_space<vmem_shared>> -> memref<104x128xf32, #tpu.memory_space<vmem_shared>>
      tpu.wait_dma2 semaphore(%run_scoped3A : memref<!tpu.dma_semaphore, #tpu.memory_space<semaphore_mem>>) src(%arg10 : memref<104x128xf32, #tpu.memory_space<vmem>>) dst(%dma_wait3A_99 : memref<104x128xf32, #tpu.memory_space<vmem_shared>>)
      tpu.yield
    }) : () -> ()
    %mul3A_24 = arith.constant 624 : i32
    %mul3A_25 = arith.muli %arg1, %mul3A_24 : i32
    %add3A_26 = arith.constant 520 : i32
    %add3A_27 = arith.addi %mul3A_25, %add3A_26 : i32
    "tpu.region"() ({
      %run_scoped3A = tpu.sem_alloc : memref<!tpu.dma_semaphore, #tpu.memory_space<semaphore_mem>>
      %dma_start3A_92 = arith.constant 0 : i32
      %dma_start3A_93 = tpu.memref_slice %arg23[%add3A_27, %dma_start3A_92] : memref<10000x128xf32, #tpu.memory_space<vmem_shared>> -> memref<104x128xf32, #tpu.memory_space<vmem_shared>>
      %dma_start3A_94 = arith.constant 0 : i32
      %dma_start3A_95 = tpu.memref_slice %arg23[%add3A_27, %dma_start3A_94] : memref<10000x128xf32, #tpu.memory_space<vmem_shared>> -> memref<104x128xf32, #tpu.memory_space<vmem_shared>>
      tpu.enqueue_dma source(%arg10 : memref<104x128xf32, #tpu.memory_space<vmem>>) target(%dma_start3A_95 : memref<104x128xf32, #tpu.memory_space<vmem_shared>>) target_semaphore(%run_scoped3A : memref<!tpu.dma_semaphore, #tpu.memory_space<semaphore_mem>>)
      %dma_wait3A_96 = arith.constant 0 : i32
      %dma_wait3A_97 = tpu.memref_slice %arg23[%add3A_27, %dma_wait3A_96] : memref<10000x128xf32, #tpu.memory_space<vmem_shared>> -> memref<104x128xf32, #tpu.memory_space<vmem_shared>>
      %dma_wait3A_98 = arith.constant 0 : i32
      %dma_wait3A_99 = tpu.memref_slice %arg23[%add3A_27, %dma_wait3A_98] : memref<10000x128xf32, #tpu.memory_space<vmem_shared>> -> memref<104x128xf32, #tpu.memory_space<vmem_shared>>
      tpu.wait_dma2 semaphore(%run_scoped3A : memref<!tpu.dma_semaphore, #tpu.memory_space<semaphore_mem>>) src(%arg10 : memref<104x128xf32, #tpu.memory_space<vmem>>) dst(%dma_wait3A_99 : memref<104x128xf32, #tpu.memory_space<vmem_shared>>)
      tpu.yield
    }) : () -> ()
    %eq3A = arith.constant 15 : i32
    %eq3A_28 = arith.cmpi eq, %arg1, %eq3A : i32
    %convert_element_type3A = arith.extui %eq3A_28 : i1 to i32
    %cond3A = arith.constant 0 : i32
    %cond3A_29 = arith.cmpi ne, %convert_element_type3A, %cond3A : i32
    scf.if %cond3A_29 {
      "tpu.region"() ({
        %run_scoped3A = tpu.sem_alloc : memref<!tpu.dma_semaphore, #tpu.memory_space<semaphore_mem>>
        %dma_start3A_92 = arith.constant 0 : i32
        %dma_start3A_93 = arith.constant 0 : i32
        %dma_start3A_94 = tpu.memref_slice %arg10[%dma_start3A_92, %dma_start3A_93] : memref<104x128xf32, #tpu.memory_space<vmem>> -> memref<16x128xf32, #tpu.memory_space<vmem>>
        %dma_start3A_95 = arith.constant 9984 : i32
        %dma_start3A_96 = arith.constant 0 : i32
        %dma_start3A_97 = tpu.memref_slice %arg23[%dma_start3A_95, %dma_start3A_96] : memref<10000x128xf32, #tpu.memory_space<vmem_shared>> -> memref<16x128xf32, #tpu.memory_space<vmem_shared>>
        %dma_start3A_98 = arith.constant 9984 : i32
        %dma_start3A_99 = arith.constant 0 : i32
        %dma_start3A_100 = tpu.memref_slice %arg23[%dma_start3A_98, %dma_start3A_99] : memref<10000x128xf32, #tpu.memory_space<vmem_shared>> -> memref<16x128xf32, #tpu.memory_space<vmem_shared>>
        %dma_start3A_101 = arith.constant 0 : i32
        %dma_start3A_102 = arith.constant 0 : i32
        %dma_start3A_103 = tpu.memref_slice %arg10[%dma_start3A_101, %dma_start3A_102] : memref<104x128xf32, #tpu.memory_space<vmem>> -> memref<16x128xf32, #tpu.memory_space<vmem>>
        tpu.enqueue_dma source(%dma_start3A_103 : memref<16x128xf32, #tpu.memory_space<vmem>>) target(%dma_start3A_100 : memref<16x128xf32, #tpu.memory_space<vmem_shared>>) target_semaphore(%run_scoped3A : memref<!tpu.dma_semaphore, #tpu.memory_space<semaphore_mem>>)
        %dma_wait3A_104 = arith.constant 0 : i32
        %dma_wait3A_105 = arith.constant 0 : i32
        %dma_wait3A_106 = tpu.memref_slice %arg10[%dma_wait3A_104, %dma_wait3A_105] : memref<104x128xf32, #tpu.memory_space<vmem>> -> memref<16x128xf32, #tpu.memory_space<vmem>>
        %dma_wait3A_107 = arith.constant 9984 : i32
        %dma_wait3A_108 = arith.constant 0 : i32
        %dma_wait3A_109 = tpu.memref_slice %arg23[%dma_wait3A_107, %dma_wait3A_108] : memref<10000x128xf32, #tpu.memory_space<vmem_shared>> -> memref<16x128xf32, #tpu.memory_space<vmem_shared>>
        %dma_wait3A_110 = arith.constant 9984 : i32
        %dma_wait3A_111 = arith.constant 0 : i32
        %dma_wait3A_112 = tpu.memref_slice %arg23[%dma_wait3A_110, %dma_wait3A_111] : memref<10000x128xf32, #tpu.memory_space<vmem_shared>> -> memref<16x128xf32, #tpu.memory_space<vmem_shared>>
        %dma_wait3A_113 = arith.constant 0 : i32
        %dma_wait3A_114 = arith.constant 0 : i32
        %dma_wait3A_115 = tpu.memref_slice %arg10[%dma_wait3A_113, %dma_wait3A_114] : memref<104x128xf32, #tpu.memory_space<vmem>> -> memref<16x128xf32, #tpu.memory_space<vmem>>
        tpu.wait_dma2 semaphore(%run_scoped3A : memref<!tpu.dma_semaphore, #tpu.memory_space<semaphore_mem>>) src(%dma_wait3A_115 : memref<16x128xf32, #tpu.memory_space<vmem>>) dst(%dma_wait3A_112 : memref<16x128xf32, #tpu.memory_space<vmem_shared>>)
        tpu.yield
      }) : () -> ()
    } else {
    }
    %barrier3A = arith.constant 0 : index
    tpu.barrier barrier_id(%barrier3A)
    %mul3A_30 = arith.constant 16 : i32
    %mul3A_31 = arith.muli %arg0, %mul3A_30 : i32
    %add3A_32 = arith.addi %mul3A_31, %arg1 : i32
    %mul3A_33 = arith.constant 10000 : i32
    %mul3A_34 = arith.muli %add3A_32, %mul3A_33 : i32
    "tpu.region"() ({
      %run_scoped3A = tpu.sem_alloc : memref<!tpu.dma_semaphore, #tpu.memory_space<semaphore_mem>>
      %dma_start3A_92 = tpu.memref_slice %arg3[%mul3A_34] : memref<320000xi32, #tpu.memory_space<hbm>> -> memref<10000xi32, #tpu.memory_space<hbm>>
      %dma_start3A_93 = tpu.memref_slice %arg3[%mul3A_34] : memref<320000xi32, #tpu.memory_space<hbm>> -> memref<10000xi32, #tpu.memory_space<hbm>>
      tpu.enqueue_dma source(%dma_start3A_93 : memref<10000xi32, #tpu.memory_space<hbm>>) target(%arg6 : memref<10000xi32, #tpu.memory_space<vmem>>) target_semaphore(%run_scoped3A : memref<!tpu.dma_semaphore, #tpu.memory_space<semaphore_mem>>)
      %dma_wait3A_94 = tpu.memref_slice %arg3[%mul3A_34] : memref<320000xi32, #tpu.memory_space<hbm>> -> memref<10000xi32, #tpu.memory_space<hbm>>
      %dma_wait3A_95 = tpu.memref_slice %arg3[%mul3A_34] : memref<320000xi32, #tpu.memory_space<hbm>> -> memref<10000xi32, #tpu.memory_space<hbm>>
      tpu.wait_dma2 semaphore(%run_scoped3A : memref<!tpu.dma_semaphore, #tpu.memory_space<semaphore_mem>>) src(%dma_wait3A_95 : memref<10000xi32, #tpu.memory_space<hbm>>) dst(%arg6 : memref<10000xi32, #tpu.memory_space<vmem>>)
      tpu.yield
    }) : () -> ()
    "tpu.region"() ({
      %run_scoped3A = tpu.sem_alloc : memref<!tpu.dma_semaphore, #tpu.memory_space<semaphore_mem>>
      %dma_start3A_92 = tpu.memref_slice %arg4[%mul3A_34] : memref<320000xi32, #tpu.memory_space<hbm>> -> memref<16xi32, #tpu.memory_space<hbm>>
      %dma_start3A_93 = tpu.memref_slice %arg4[%mul3A_34] : memref<320000xi32, #tpu.memory_space<hbm>> -> memref<16xi32, #tpu.memory_space<hbm>>
      tpu.enqueue_dma source(%dma_start3A_93 : memref<16xi32, #tpu.memory_space<hbm>>) target(%arg22 : memref<16xi32, #tpu.memory_space<vmem>>) target_semaphore(%run_scoped3A : memref<!tpu.dma_semaphore, #tpu.memory_space<semaphore_mem>>)
      %dma_wait3A_94 = tpu.memref_slice %arg4[%mul3A_34] : memref<320000xi32, #tpu.memory_space<hbm>> -> memref<16xi32, #tpu.memory_space<hbm>>
      %dma_wait3A_95 = tpu.memref_slice %arg4[%mul3A_34] : memref<320000xi32, #tpu.memory_space<hbm>> -> memref<16xi32, #tpu.memory_space<hbm>>
      tpu.wait_dma2 semaphore(%run_scoped3A : memref<!tpu.dma_semaphore, #tpu.memory_space<semaphore_mem>>) src(%dma_wait3A_95 : memref<16xi32, #tpu.memory_space<hbm>>) dst(%arg22 : memref<16xi32, #tpu.memory_space<vmem>>)
      tpu.yield
    }) : () -> ()
    "tpu.region"() ({
      %run_scoped3A = tpu.sem_alloc : memref<!tpu.dma_semaphore, #tpu.memory_space<semaphore_mem>>
      %dma_start3A_92 = arith.constant 0 : i32
      %dma_start3A_93 = arith.constant 0 : i32
      %dma_start3A_94 = tpu.memref_slice %arg10[%dma_start3A_92, %dma_start3A_93] : memref<104x128xf32, #tpu.memory_space<vmem>> -> memref<16x128xf32, #tpu.memory_space<vmem>>
      %dma_start3A_95 = arith.constant 0 : i32
      %dma_start3A_96 = tpu.memref_slice %arg6[%dma_start3A_95] : memref<10000xi32, #tpu.memory_space<vmem>> -> memref<16xi32, #tpu.memory_space<vmem>>
      %dma_start3A_97 = arith.constant 0 : i32
      %dma_start3A_98 = arith.constant 0 : i32
      %dma_start3A_99 = tpu.memref_slice %arg2[%dma_start3A_97, %dma_start3A_98] : memref<80000x128xf32, #tpu.memory_space<hbm>> -> memref<80000x128xf32, #tpu.memory_space<hbm>>
      tpu.enqueue_indirect_dma source(%dma_start3A_99 : memref<80000x128xf32, #tpu.memory_space<hbm>>) target(%dma_start3A_94 : memref<16x128xf32, #tpu.memory_space<vmem>>) offsets(%dma_start3A_96 : memref<16xi32, #tpu.memory_space<vmem>>) semaphore(%run_scoped3A : memref<!tpu.dma_semaphore, #tpu.memory_space<semaphore_mem>>)
      %dma_wait3A_100 = arith.constant 0 : i32
      %dma_wait3A_101 = arith.constant 0 : i32
      %dma_wait3A_102 = tpu.memref_slice %arg10[%dma_wait3A_100, %dma_wait3A_101] : memref<104x128xf32, #tpu.memory_space<vmem>> -> memref<16x128xf32, #tpu.memory_space<vmem>>
      %dma_wait3A_103 = arith.constant 0 : i32
      %dma_wait3A_104 = tpu.memref_slice %arg6[%dma_wait3A_103] : memref<10000xi32, #tpu.memory_space<vmem>> -> memref<16xi32, #tpu.memory_space<vmem>>
      %dma_wait3A_105 = arith.constant 0 : i32
      %dma_wait3A_106 = arith.constant 0 : i32
      %dma_wait3A_107 = tpu.memref_slice %arg2[%dma_wait3A_105, %dma_wait3A_106] : memref<80000x128xf32, #tpu.memory_space<hbm>> -> memref<80000x128xf32, #tpu.memory_space<hbm>>
      tpu.wait_indirect_dma semaphore(%run_scoped3A : memref<!tpu.dma_semaphore, #tpu.memory_space<semaphore_mem>>) src(%dma_wait3A_107 : memref<80000x128xf32, #tpu.memory_space<hbm>>) dst(%dma_wait3A_102 : memref<16x128xf32, #tpu.memory_space<vmem>>)
      tpu.yield
    }) : () -> ()
    "tpu.region"() ({
      %run_scoped3A = tpu.sem_alloc : memref<!tpu.dma_semaphore, #tpu.memory_space<semaphore_mem>>
      %dma_start3A_92 = arith.constant 0 : i32
      %dma_start3A_93 = arith.constant 0 : i32
      %dma_start3A_94 = tpu.memref_slice %arg10[%dma_start3A_92, %dma_start3A_93] : memref<104x128xf32, #tpu.memory_space<vmem>> -> memref<16x128xf32, #tpu.memory_space<vmem>>
      %dma_start3A_95 = arith.constant 0 : i32
      %dma_start3A_96 = arith.constant 0 : i32
      %dma_start3A_97 = tpu.memref_slice %arg23[%dma_start3A_95, %dma_start3A_96] : memref<10000x128xf32, #tpu.memory_space<vmem_shared>> -> memref<10000x128xf32, #tpu.memory_space<vmem_shared>>
      tpu.enqueue_indirect_dma source(%dma_start3A_94 : memref<16x128xf32, #tpu.memory_space<vmem>>) target(%dma_start3A_97 : memref<10000x128xf32, #tpu.memory_space<vmem_shared>>) offsets(%arg22 : memref<16xi32, #tpu.memory_space<vmem>>) semaphore(%run_scoped3A : memref<!tpu.dma_semaphore, #tpu.memory_space<semaphore_mem>>) {add = true}
      %dma_wait3A_98 = arith.constant 0 : i32
      %dma_wait3A_99 = arith.constant 0 : i32
      %dma_wait3A_100 = tpu.memref_slice %arg10[%dma_wait3A_98, %dma_wait3A_99] : memref<104x128xf32, #tpu.memory_space<vmem>> -> memref<16x128xf32, #tpu.memory_space<vmem>>
      %dma_wait3A_101 = arith.constant 0 : i32
      %dma_wait3A_102 = arith.constant 0 : i32
      %dma_wait3A_103 = tpu.memref_slice %arg23[%dma_wait3A_101, %dma_wait3A_102] : memref<10000x128xf32, #tpu.memory_space<vmem_shared>> -> memref<10000x128xf32, #tpu.memory_space<vmem_shared>>
      tpu.wait_indirect_dma semaphore(%run_scoped3A : memref<!tpu.dma_semaphore, #tpu.memory_space<semaphore_mem>>) src(%dma_wait3A_100 : memref<16x128xf32, #tpu.memory_space<vmem>>) dst(%dma_wait3A_103 : memref<10000x128xf32, #tpu.memory_space<vmem_shared>>)
      tpu.yield
    }) : () -> ()
    %mul3A_35 = arith.constant 0 : i32
    %mul3A_36 = arith.constant 104 : i32
    %mul3A_37 = arith.muli %mul3A_35, %mul3A_36 : i32
    %add3A_38 = arith.constant 16 : i32
    %add3A_39 = arith.addi %add3A_38, %mul3A_37 : i32
    %add3A_40 = arith.addi %mul3A_34, %add3A_39 : i32
    %dma_start3A = tpu.memref_slice %arg4[%add3A_40] : memref<320000xi32, #tpu.memory_space<hbm>> -> memref<104xi32, #tpu.memory_space<hbm>>
    %dma_start3A_41 = tpu.memref_slice %arg4[%add3A_40] : memref<320000xi32, #tpu.memory_space<hbm>> -> memref<104xi32, #tpu.memory_space<hbm>>
    tpu.enqueue_dma source(%dma_start3A_41 : memref<104xi32, #tpu.memory_space<hbm>>) target(%arg7 : memref<104xi32, #tpu.memory_space<vmem>>) target_semaphore(%arg16 : memref<!tpu.dma_semaphore, #tpu.memory_space<semaphore_mem>>)
    %dma_start3A_42 = tpu.memref_slice %arg6[%add3A_39] : memref<10000xi32, #tpu.memory_space<vmem>> -> memref<104xi32, #tpu.memory_space<vmem>>
    %dma_start3A_43 = arith.constant 0 : i32
    %dma_start3A_44 = arith.constant 0 : i32
    %dma_start3A_45 = tpu.memref_slice %arg2[%dma_start3A_43, %dma_start3A_44] : memref<80000x128xf32, #tpu.memory_space<hbm>> -> memref<80000x128xf32, #tpu.memory_space<hbm>>
    tpu.enqueue_indirect_dma source(%dma_start3A_45 : memref<80000x128xf32, #tpu.memory_space<hbm>>) target(%arg10 : memref<104x128xf32, #tpu.memory_space<vmem>>) offsets(%dma_start3A_42 : memref<104xi32, #tpu.memory_space<vmem>>) semaphore(%arg13 : memref<!tpu.dma_semaphore, #tpu.memory_space<semaphore_mem>>)
    %mul3A_46 = arith.constant 1 : i32
    %mul3A_47 = arith.constant 104 : i32
    %mul3A_48 = arith.muli %mul3A_46, %mul3A_47 : i32
    %add3A_49 = arith.constant 16 : i32
    %add3A_50 = arith.addi %add3A_49, %mul3A_48 : i32
    %add3A_51 = arith.addi %mul3A_34, %add3A_50 : i32
    %dma_start3A_52 = tpu.memref_slice %arg4[%add3A_51] : memref<320000xi32, #tpu.memory_space<hbm>> -> memref<104xi32, #tpu.memory_space<hbm>>
    %dma_start3A_53 = tpu.memref_slice %arg4[%add3A_51] : memref<320000xi32, #tpu.memory_space<hbm>> -> memref<104xi32, #tpu.memory_space<hbm>>
    tpu.enqueue_dma source(%dma_start3A_53 : memref<104xi32, #tpu.memory_space<hbm>>) target(%arg8 : memref<104xi32, #tpu.memory_space<vmem>>) target_semaphore(%arg17 : memref<!tpu.dma_semaphore, #tpu.memory_space<semaphore_mem>>)
    %dma_start3A_54 = tpu.memref_slice %arg6[%add3A_50] : memref<10000xi32, #tpu.memory_space<vmem>> -> memref<104xi32, #tpu.memory_space<vmem>>
    %dma_start3A_55 = arith.constant 0 : i32
    %dma_start3A_56 = arith.constant 0 : i32
    %dma_start3A_57 = tpu.memref_slice %arg2[%dma_start3A_55, %dma_start3A_56] : memref<80000x128xf32, #tpu.memory_space<hbm>> -> memref<80000x128xf32, #tpu.memory_space<hbm>>
    tpu.enqueue_indirect_dma source(%dma_start3A_57 : memref<80000x128xf32, #tpu.memory_space<hbm>>) target(%arg11 : memref<104x128xf32, #tpu.memory_space<vmem>>) offsets(%dma_start3A_54 : memref<104xi32, #tpu.memory_space<vmem>>) semaphore(%arg14 : memref<!tpu.dma_semaphore, #tpu.memory_space<semaphore_mem>>)
    %mul3A_58 = arith.constant 2 : i32
    %mul3A_59 = arith.constant 104 : i32
    %mul3A_60 = arith.muli %mul3A_58, %mul3A_59 : i32
    %add3A_61 = arith.constant 16 : i32
    %add3A_62 = arith.addi %add3A_61, %mul3A_60 : i32
    %add3A_63 = arith.addi %mul3A_34, %add3A_62 : i32
    %dma_start3A_64 = tpu.memref_slice %arg4[%add3A_63] : memref<320000xi32, #tpu.memory_space<hbm>> -> memref<104xi32, #tpu.memory_space<hbm>>
    %dma_start3A_65 = tpu.memref_slice %arg4[%add3A_63] : memref<320000xi32, #tpu.memory_space<hbm>> -> memref<104xi32, #tpu.memory_space<hbm>>
    tpu.enqueue_dma source(%dma_start3A_65 : memref<104xi32, #tpu.memory_space<hbm>>) target(%arg9 : memref<104xi32, #tpu.memory_space<vmem>>) target_semaphore(%arg18 : memref<!tpu.dma_semaphore, #tpu.memory_space<semaphore_mem>>)
    %dma_start3A_66 = tpu.memref_slice %arg6[%add3A_62] : memref<10000xi32, #tpu.memory_space<vmem>> -> memref<104xi32, #tpu.memory_space<vmem>>
    %dma_start3A_67 = arith.constant 0 : i32
    %dma_start3A_68 = arith.constant 0 : i32
    %dma_start3A_69 = tpu.memref_slice %arg2[%dma_start3A_67, %dma_start3A_68] : memref<80000x128xf32, #tpu.memory_space<hbm>> -> memref<80000x128xf32, #tpu.memory_space<hbm>>
    tpu.enqueue_indirect_dma source(%dma_start3A_69 : memref<80000x128xf32, #tpu.memory_space<hbm>>) target(%arg12 : memref<104x128xf32, #tpu.memory_space<vmem>>) offsets(%dma_start3A_66 : memref<104xi32, #tpu.memory_space<vmem>>) semaphore(%arg15 : memref<!tpu.dma_semaphore, #tpu.memory_space<semaphore_mem>>)
    %scan3A_70 = arith.constant 0 : i32
    %scan3A_71 = arith.constant 0 : i32
    %scan3A_72 = arith.constant 32 : i32
    %scan3A_73 = arith.addi %scan3A_71, %scan3A_72 : i32
    %scan3A_74 = arith.constant 1 : i32
    scf.for %scan3A_92 = %scan3A_71 to %scan3A_73 step %scan3A_74  : i32 {
      %mul3A_93 = arith.constant 3 : i32
      %mul3A_94 = arith.muli %scan3A_92, %mul3A_93 : i32
      %add3A_95 = arith.constant 0 : i32
      %add3A_96 = arith.addi %mul3A_94, %add3A_95 : i32
      %lt3A = arith.constant 96 : i32
      %lt3A_97 = arith.cmpi slt, %add3A_96, %lt3A : i32
      %convert_element_type3A_98 = arith.extui %lt3A_97 : i1 to i32
      %cond3A_99 = arith.constant 0 : i32
      %cond3A_100 = arith.cmpi ne, %convert_element_type3A_98, %cond3A_99 : i32
      scf.if %cond3A_100 {
        %dma_wait3A_136 = arith.constant 0 : i32
        %dma_wait3A_137 = tpu.memref_slice %arg6[%dma_wait3A_136] : memref<10000xi32, #tpu.memory_space<vmem>> -> memref<104xi32, #tpu.memory_space<vmem>>
        %dma_wait3A_138 = arith.constant 0 : i32
        %dma_wait3A_139 = arith.constant 0 : i32
        %dma_wait3A_140 = tpu.memref_slice %arg2[%dma_wait3A_138, %dma_wait3A_139] : memref<80000x128xf32, #tpu.memory_space<hbm>> -> memref<80000x128xf32, #tpu.memory_space<hbm>>
        tpu.wait_indirect_dma semaphore(%arg13 : memref<!tpu.dma_semaphore, #tpu.memory_space<semaphore_mem>>) src(%dma_wait3A_140 : memref<80000x128xf32, #tpu.memory_space<hbm>>) dst(%arg10 : memref<104x128xf32, #tpu.memory_space<vmem>>)
        %dma_wait3A_141 = tpu.memref_slice %arg4[%mul3A_34] : memref<320000xi32, #tpu.memory_space<hbm>> -> memref<104xi32, #tpu.memory_space<hbm>>
        %dma_wait3A_142 = tpu.memref_slice %arg4[%mul3A_34] : memref<320000xi32, #tpu.memory_space<hbm>> -> memref<104xi32, #tpu.memory_space<hbm>>
        tpu.wait_dma2 semaphore(%arg16 : memref<!tpu.dma_semaphore, #tpu.memory_space<semaphore_mem>>) src(%dma_wait3A_142 : memref<104xi32, #tpu.memory_space<hbm>>) dst(%arg7 : memref<104xi32, #tpu.memory_space<vmem>>)
        %dma_start3A_143 = arith.constant 0 : i32
        %dma_start3A_144 = arith.constant 0 : i32
        %dma_start3A_145 = tpu.memref_slice %arg23[%dma_start3A_143, %dma_start3A_144] : memref<10000x128xf32, #tpu.memory_space<vmem_shared>> -> memref<10000x128xf32, #tpu.memory_space<vmem_shared>>
        tpu.enqueue_indirect_dma source(%arg10 : memref<104x128xf32, #tpu.memory_space<vmem>>) target(%dma_start3A_145 : memref<10000x128xf32, #tpu.memory_space<vmem_shared>>) offsets(%arg7 : memref<104xi32, #tpu.memory_space<vmem>>) semaphore(%arg19 : memref<!tpu.dma_semaphore, #tpu.memory_space<semaphore_mem>>) {add = true}
      } else {
      }
      %add3A_101 = arith.constant 3 : i32
      %add3A_102 = arith.addi %add3A_96, %add3A_101 : i32
      %lt3A_103 = arith.constant 96 : i32
      %lt3A_104 = arith.cmpi slt, %add3A_102, %lt3A_103 : i32
      %convert_element_type3A_105 = arith.extui %lt3A_104 : i1 to i32
      %cond3A_106 = arith.constant 0 : i32
      %cond3A_107 = arith.cmpi ne, %convert_element_type3A_105, %cond3A_106 : i32
      scf.if %cond3A_107 {
        %dma_wait3A_136 = arith.constant 0 : i32
        %dma_wait3A_137 = arith.constant 0 : i32
        %dma_wait3A_138 = tpu.memref_slice %arg23[%dma_wait3A_136, %dma_wait3A_137] : memref<10000x128xf32, #tpu.memory_space<vmem_shared>> -> memref<10000x128xf32, #tpu.memory_space<vmem_shared>>
        tpu.wait_indirect_dma semaphore(%arg19 : memref<!tpu.dma_semaphore, #tpu.memory_space<semaphore_mem>>) src(%arg10 : memref<104x128xf32, #tpu.memory_space<vmem>>) dst(%dma_wait3A_138 : memref<10000x128xf32, #tpu.memory_space<vmem_shared>>)
        %add3A_139 = arith.constant 3 : i32
        %add3A_140 = arith.addi %add3A_96, %add3A_139 : i32
        %mul3A_141 = arith.constant 104 : i32
        %mul3A_142 = arith.muli %add3A_140, %mul3A_141 : i32
        %add3A_143 = arith.constant 16 : i32
        %add3A_144 = arith.addi %add3A_143, %mul3A_142 : i32
        %add3A_145 = arith.addi %mul3A_34, %add3A_144 : i32
        %dma_start3A_146 = tpu.memref_slice %arg4[%add3A_145] : memref<320000xi32, #tpu.memory_space<hbm>> -> memref<104xi32, #tpu.memory_space<hbm>>
        %dma_start3A_147 = tpu.memref_slice %arg4[%add3A_145] : memref<320000xi32, #tpu.memory_space<hbm>> -> memref<104xi32, #tpu.memory_space<hbm>>
        tpu.enqueue_dma source(%dma_start3A_147 : memref<104xi32, #tpu.memory_space<hbm>>) target(%arg7 : memref<104xi32, #tpu.memory_space<vmem>>) target_semaphore(%arg16 : memref<!tpu.dma_semaphore, #tpu.memory_space<semaphore_mem>>)
        %dma_start3A_148 = tpu.memref_slice %arg6[%add3A_144] : memref<10000xi32, #tpu.memory_space<vmem>> -> memref<104xi32, #tpu.memory_space<vmem>>
        %dma_start3A_149 = arith.constant 0 : i32
        %dma_start3A_150 = arith.constant 0 : i32
        %dma_start3A_151 = tpu.memref_slice %arg2[%dma_start3A_149, %dma_start3A_150] : memref<80000x128xf32, #tpu.memory_space<hbm>> -> memref<80000x128xf32, #tpu.memory_space<hbm>>
        tpu.enqueue_indirect_dma source(%dma_start3A_151 : memref<80000x128xf32, #tpu.memory_space<hbm>>) target(%arg10 : memref<104x128xf32, #tpu.memory_space<vmem>>) offsets(%dma_start3A_148 : memref<104xi32, #tpu.memory_space<vmem>>) semaphore(%arg13 : memref<!tpu.dma_semaphore, #tpu.memory_space<semaphore_mem>>)
      } else {
      }
      %add3A_108 = arith.constant 1 : i32
      %add3A_109 = arith.addi %mul3A_94, %add3A_108 : i32
      %lt3A_110 = arith.constant 96 : i32
      %lt3A_111 = arith.cmpi slt, %add3A_109, %lt3A_110 : i32
      %convert_element_type3A_112 = arith.extui %lt3A_111 : i1 to i32
      %cond3A_113 = arith.constant 0 : i32
      %cond3A_114 = arith.cmpi ne, %convert_element_type3A_112, %cond3A_113 : i32
      scf.if %cond3A_114 {
        %dma_wait3A_136 = arith.constant 0 : i32
        %dma_wait3A_137 = tpu.memref_slice %arg6[%dma_wait3A_136] : memref<10000xi32, #tpu.memory_space<vmem>> -> memref<104xi32, #tpu.memory_space<vmem>>
        %dma_wait3A_138 = arith.constant 0 : i32
        %dma_wait3A_139 = arith.constant 0 : i32
        %dma_wait3A_140 = tpu.memref_slice %arg2[%dma_wait3A_138, %dma_wait3A_139] : memref<80000x128xf32, #tpu.memory_space<hbm>> -> memref<80000x128xf32, #tpu.memory_space<hbm>>
        tpu.wait_indirect_dma semaphore(%arg14 : memref<!tpu.dma_semaphore, #tpu.memory_space<semaphore_mem>>) src(%dma_wait3A_140 : memref<80000x128xf32, #tpu.memory_space<hbm>>) dst(%arg11 : memref<104x128xf32, #tpu.memory_space<vmem>>)
        %dma_wait3A_141 = tpu.memref_slice %arg4[%mul3A_34] : memref<320000xi32, #tpu.memory_space<hbm>> -> memref<104xi32, #tpu.memory_space<hbm>>
        %dma_wait3A_142 = tpu.memref_slice %arg4[%mul3A_34] : memref<320000xi32, #tpu.memory_space<hbm>> -> memref<104xi32, #tpu.memory_space<hbm>>
        tpu.wait_dma2 semaphore(%arg17 : memref<!tpu.dma_semaphore, #tpu.memory_space<semaphore_mem>>) src(%dma_wait3A_142 : memref<104xi32, #tpu.memory_space<hbm>>) dst(%arg8 : memref<104xi32, #tpu.memory_space<vmem>>)
        %dma_start3A_143 = arith.constant 0 : i32
        %dma_start3A_144 = arith.constant 0 : i32
        %dma_start3A_145 = tpu.memref_slice %arg23[%dma_start3A_143, %dma_start3A_144] : memref<10000x128xf32, #tpu.memory_space<vmem_shared>> -> memref<10000x128xf32, #tpu.memory_space<vmem_shared>>
        tpu.enqueue_indirect_dma source(%arg11 : memref<104x128xf32, #tpu.memory_space<vmem>>) target(%dma_start3A_145 : memref<10000x128xf32, #tpu.memory_space<vmem_shared>>) offsets(%arg8 : memref<104xi32, #tpu.memory_space<vmem>>) semaphore(%arg20 : memref<!tpu.dma_semaphore, #tpu.memory_space<semaphore_mem>>) {add = true}
      } else {
      }
      %add3A_115 = arith.constant 3 : i32
      %add3A_116 = arith.addi %add3A_109, %add3A_115 : i32
      %lt3A_117 = arith.constant 96 : i32
      %lt3A_118 = arith.cmpi slt, %add3A_116, %lt3A_117 : i32
      %convert_element_type3A_119 = arith.extui %lt3A_118 : i1 to i32
      %cond3A_120 = arith.constant 0 : i32
      %cond3A_121 = arith.cmpi ne, %convert_element_type3A_119, %cond3A_120 : i32
      scf.if %cond3A_121 {
        %dma_wait3A_136 = arith.constant 0 : i32
        %dma_wait3A_137 = arith.constant 0 : i32
        %dma_wait3A_138 = tpu.memref_slice %arg23[%dma_wait3A_136, %dma_wait3A_137] : memref<10000x128xf32, #tpu.memory_space<vmem_shared>> -> memref<10000x128xf32, #tpu.memory_space<vmem_shared>>
        tpu.wait_indirect_dma semaphore(%arg20 : memref<!tpu.dma_semaphore, #tpu.memory_space<semaphore_mem>>) src(%arg11 : memref<104x128xf32, #tpu.memory_space<vmem>>) dst(%dma_wait3A_138 : memref<10000x128xf32, #tpu.memory_space<vmem_shared>>)
        %add3A_139 = arith.constant 3 : i32
        %add3A_140 = arith.addi %add3A_109, %add3A_139 : i32
        %mul3A_141 = arith.constant 104 : i32
        %mul3A_142 = arith.muli %add3A_140, %mul3A_141 : i32
        %add3A_143 = arith.constant 16 : i32
        %add3A_144 = arith.addi %add3A_143, %mul3A_142 : i32
        %add3A_145 = arith.addi %mul3A_34, %add3A_144 : i32
        %dma_start3A_146 = tpu.memref_slice %arg4[%add3A_145] : memref<320000xi32, #tpu.memory_space<hbm>> -> memref<104xi32, #tpu.memory_space<hbm>>
        %dma_start3A_147 = tpu.memref_slice %arg4[%add3A_145] : memref<320000xi32, #tpu.memory_space<hbm>> -> memref<104xi32, #tpu.memory_space<hbm>>
        tpu.enqueue_dma source(%dma_start3A_147 : memref<104xi32, #tpu.memory_space<hbm>>) target(%arg8 : memref<104xi32, #tpu.memory_space<vmem>>) target_semaphore(%arg17 : memref<!tpu.dma_semaphore, #tpu.memory_space<semaphore_mem>>)
        %dma_start3A_148 = tpu.memref_slice %arg6[%add3A_144] : memref<10000xi32, #tpu.memory_space<vmem>> -> memref<104xi32, #tpu.memory_space<vmem>>
        %dma_start3A_149 = arith.constant 0 : i32
        %dma_start3A_150 = arith.constant 0 : i32
        %dma_start3A_151 = tpu.memref_slice %arg2[%dma_start3A_149, %dma_start3A_150] : memref<80000x128xf32, #tpu.memory_space<hbm>> -> memref<80000x128xf32, #tpu.memory_space<hbm>>
        tpu.enqueue_indirect_dma source(%dma_start3A_151 : memref<80000x128xf32, #tpu.memory_space<hbm>>) target(%arg11 : memref<104x128xf32, #tpu.memory_space<vmem>>) offsets(%dma_start3A_148 : memref<104xi32, #tpu.memory_space<vmem>>) semaphore(%arg14 : memref<!tpu.dma_semaphore, #tpu.memory_space<semaphore_mem>>)
      } else {
      }
      %add3A_122 = arith.constant 2 : i32
      %add3A_123 = arith.addi %mul3A_94, %add3A_122 : i32
      %lt3A_124 = arith.constant 96 : i32
      %lt3A_125 = arith.cmpi slt, %add3A_123, %lt3A_124 : i32
      %convert_element_type3A_126 = arith.extui %lt3A_125 : i1 to i32
      %cond3A_127 = arith.constant 0 : i32
      %cond3A_128 = arith.cmpi ne, %convert_element_type3A_126, %cond3A_127 : i32
      scf.if %cond3A_128 {
        %dma_wait3A_136 = arith.constant 0 : i32
        %dma_wait3A_137 = tpu.memref_slice %arg6[%dma_wait3A_136] : memref<10000xi32, #tpu.memory_space<vmem>> -> memref<104xi32, #tpu.memory_space<vmem>>
        %dma_wait3A_138 = arith.constant 0 : i32
        %dma_wait3A_139 = arith.constant 0 : i32
        %dma_wait3A_140 = tpu.memref_slice %arg2[%dma_wait3A_138, %dma_wait3A_139] : memref<80000x128xf32, #tpu.memory_space<hbm>> -> memref<80000x128xf32, #tpu.memory_space<hbm>>
        tpu.wait_indirect_dma semaphore(%arg15 : memref<!tpu.dma_semaphore, #tpu.memory_space<semaphore_mem>>) src(%dma_wait3A_140 : memref<80000x128xf32, #tpu.memory_space<hbm>>) dst(%arg12 : memref<104x128xf32, #tpu.memory_space<vmem>>)
        %dma_wait3A_141 = tpu.memref_slice %arg4[%mul3A_34] : memref<320000xi32, #tpu.memory_space<hbm>> -> memref<104xi32, #tpu.memory_space<hbm>>
        %dma_wait3A_142 = tpu.memref_slice %arg4[%mul3A_34] : memref<320000xi32, #tpu.memory_space<hbm>> -> memref<104xi32, #tpu.memory_space<hbm>>
        tpu.wait_dma2 semaphore(%arg18 : memref<!tpu.dma_semaphore, #tpu.memory_space<semaphore_mem>>) src(%dma_wait3A_142 : memref<104xi32, #tpu.memory_space<hbm>>) dst(%arg9 : memref<104xi32, #tpu.memory_space<vmem>>)
        %dma_start3A_143 = arith.constant 0 : i32
        %dma_start3A_144 = arith.constant 0 : i32
        %dma_start3A_145 = tpu.memref_slice %arg23[%dma_start3A_143, %dma_start3A_144] : memref<10000x128xf32, #tpu.memory_space<vmem_shared>> -> memref<10000x128xf32, #tpu.memory_space<vmem_shared>>
        tpu.enqueue_indirect_dma source(%arg12 : memref<104x128xf32, #tpu.memory_space<vmem>>) target(%dma_start3A_145 : memref<10000x128xf32, #tpu.memory_space<vmem_shared>>) offsets(%arg9 : memref<104xi32, #tpu.memory_space<vmem>>) semaphore(%arg21 : memref<!tpu.dma_semaphore, #tpu.memory_space<semaphore_mem>>) {add = true}
      } else {
      }
      %add3A_129 = arith.constant 3 : i32
      %add3A_130 = arith.addi %add3A_123, %add3A_129 : i32
      %lt3A_131 = arith.constant 96 : i32
      %lt3A_132 = arith.cmpi slt, %add3A_130, %lt3A_131 : i32
      %convert_element_type3A_133 = arith.extui %lt3A_132 : i1 to i32
      %cond3A_134 = arith.constant 0 : i32
      %cond3A_135 = arith.cmpi ne, %convert_element_type3A_133, %cond3A_134 : i32
      scf.if %cond3A_135 {
        %dma_wait3A_136 = arith.constant 0 : i32
        %dma_wait3A_137 = arith.constant 0 : i32
        %dma_wait3A_138 = tpu.memref_slice %arg23[%dma_wait3A_136, %dma_wait3A_137] : memref<10000x128xf32, #tpu.memory_space<vmem_shared>> -> memref<10000x128xf32, #tpu.memory_space<vmem_shared>>
        tpu.wait_indirect_dma semaphore(%arg21 : memref<!tpu.dma_semaphore, #tpu.memory_space<semaphore_mem>>) src(%arg12 : memref<104x128xf32, #tpu.memory_space<vmem>>) dst(%dma_wait3A_138 : memref<10000x128xf32, #tpu.memory_space<vmem_shared>>)
        %add3A_139 = arith.constant 3 : i32
        %add3A_140 = arith.addi %add3A_123, %add3A_139 : i32
        %mul3A_141 = arith.constant 104 : i32
        %mul3A_142 = arith.muli %add3A_140, %mul3A_141 : i32
        %add3A_143 = arith.constant 16 : i32
        %add3A_144 = arith.addi %add3A_143, %mul3A_142 : i32
        %add3A_145 = arith.addi %mul3A_34, %add3A_144 : i32
        %dma_start3A_146 = tpu.memref_slice %arg4[%add3A_145] : memref<320000xi32, #tpu.memory_space<hbm>> -> memref<104xi32, #tpu.memory_space<hbm>>
        %dma_start3A_147 = tpu.memref_slice %arg4[%add3A_145] : memref<320000xi32, #tpu.memory_space<hbm>> -> memref<104xi32, #tpu.memory_space<hbm>>
        tpu.enqueue_dma source(%dma_start3A_147 : memref<104xi32, #tpu.memory_space<hbm>>) target(%arg9 : memref<104xi32, #tpu.memory_space<vmem>>) target_semaphore(%arg18 : memref<!tpu.dma_semaphore, #tpu.memory_space<semaphore_mem>>)
        %dma_start3A_148 = tpu.memref_slice %arg6[%add3A_144] : memref<10000xi32, #tpu.memory_space<vmem>> -> memref<104xi32, #tpu.memory_space<vmem>>
        %dma_start3A_149 = arith.constant 0 : i32
        %dma_start3A_150 = arith.constant 0 : i32
        %dma_start3A_151 = tpu.memref_slice %arg2[%dma_start3A_149, %dma_start3A_150] : memref<80000x128xf32, #tpu.memory_space<hbm>> -> memref<80000x128xf32, #tpu.memory_space<hbm>>
        tpu.enqueue_indirect_dma source(%dma_start3A_151 : memref<80000x128xf32, #tpu.memory_space<hbm>>) target(%arg12 : memref<104x128xf32, #tpu.memory_space<vmem>>) offsets(%dma_start3A_148 : memref<104xi32, #tpu.memory_space<vmem>>) semaphore(%arg15 : memref<!tpu.dma_semaphore, #tpu.memory_space<semaphore_mem>>)
      } else {
      }
    }
    %scan3A_75 = arith.constant 32 : i32
    %dma_wait3A = arith.constant 0 : i32
    %dma_wait3A_76 = arith.constant 0 : i32
    %dma_wait3A_77 = tpu.memref_slice %arg23[%dma_wait3A, %dma_wait3A_76] : memref<10000x128xf32, #tpu.memory_space<vmem_shared>> -> memref<10000x128xf32, #tpu.memory_space<vmem_shared>>
    tpu.wait_indirect_dma semaphore(%arg19 : memref<!tpu.dma_semaphore, #tpu.memory_space<semaphore_mem>>) src(%arg10 : memref<104x128xf32, #tpu.memory_space<vmem>>) dst(%dma_wait3A_77 : memref<10000x128xf32, #tpu.memory_space<vmem_shared>>)
    %dma_wait3A_78 = arith.constant 0 : i32
    %dma_wait3A_79 = arith.constant 0 : i32
    %dma_wait3A_80 = tpu.memref_slice %arg23[%dma_wait3A_78, %dma_wait3A_79] : memref<10000x128xf32, #tpu.memory_space<vmem_shared>> -> memref<10000x128xf32, #tpu.memory_space<vmem_shared>>
    tpu.wait_indirect_dma semaphore(%arg20 : memref<!tpu.dma_semaphore, #tpu.memory_space<semaphore_mem>>) src(%arg11 : memref<104x128xf32, #tpu.memory_space<vmem>>) dst(%dma_wait3A_80 : memref<10000x128xf32, #tpu.memory_space<vmem_shared>>)
    %dma_wait3A_81 = arith.constant 0 : i32
    %dma_wait3A_82 = arith.constant 0 : i32
    %dma_wait3A_83 = tpu.memref_slice %arg23[%dma_wait3A_81, %dma_wait3A_82] : memref<10000x128xf32, #tpu.memory_space<vmem_shared>> -> memref<10000x128xf32, #tpu.memory_space<vmem_shared>>
    tpu.wait_indirect_dma semaphore(%arg21 : memref<!tpu.dma_semaphore, #tpu.memory_space<semaphore_mem>>) src(%arg12 : memref<104x128xf32, #tpu.memory_space<vmem>>) dst(%dma_wait3A_83 : memref<10000x128xf32, #tpu.memory_space<vmem_shared>>)
    %barrier3A_84 = arith.constant 0 : index
    tpu.barrier barrier_id(%barrier3A_84)
    %mul3A_85 = arith.constant 624 : i32
    %mul3A_86 = arith.muli %arg1, %mul3A_85 : i32
    "tpu.region"() ({
      %run_scoped3A = tpu.sem_alloc : memref<!tpu.dma_semaphore, #tpu.memory_space<semaphore_mem>>
      %dma_start3A_92 = arith.constant 0 : i32
      %dma_start3A_93 = tpu.memref_slice %arg5[%arg0, %mul3A_86, %dma_start3A_92] : memref<2x10000x128xf32, #tpu.memory_space<hbm>> -> memref<1x624x128xf32, #tpu.memory_space<hbm>>
      %dma_start3A_94 = tpu.memref_squeeze %dma_start3A_93 : memref<1x624x128xf32, #tpu.memory_space<hbm>> -> memref<624x128xf32, #tpu.memory_space<hbm>>
      %dma_start3A_95 = arith.constant 0 : i32
      %dma_start3A_96 = tpu.memref_slice %arg23[%mul3A_86, %dma_start3A_95] : memref<10000x128xf32, #tpu.memory_space<vmem_shared>> -> memref<624x128xf32, #tpu.memory_space<vmem_shared>>
      tpu.enqueue_dma source(%dma_start3A_96 : memref<624x128xf32, #tpu.memory_space<vmem_shared>>) target(%dma_start3A_94 : memref<624x128xf32, #tpu.memory_space<hbm>>) target_semaphore(%run_scoped3A : memref<!tpu.dma_semaphore, #tpu.memory_space<semaphore_mem>>)
      %dma_wait3A_97 = arith.constant 0 : i32
      %dma_wait3A_98 = tpu.memref_slice %arg5[%arg0, %mul3A_86, %dma_wait3A_97] : memref<2x10000x128xf32, #tpu.memory_space<hbm>> -> memref<1x624x128xf32, #tpu.memory_space<hbm>>
      %dma_wait3A_99 = tpu.memref_squeeze %dma_wait3A_98 : memref<1x624x128xf32, #tpu.memory_space<hbm>> -> memref<624x128xf32, #tpu.memory_space<hbm>>
      %dma_wait3A_100 = arith.constant 0 : i32
      %dma_wait3A_101 = tpu.memref_slice %arg23[%mul3A_86, %dma_wait3A_100] : memref<10000x128xf32, #tpu.memory_space<vmem_shared>> -> memref<624x128xf32, #tpu.memory_space<vmem_shared>>
      tpu.wait_dma2 semaphore(%run_scoped3A : memref<!tpu.dma_semaphore, #tpu.memory_space<semaphore_mem>>) src(%dma_wait3A_101 : memref<624x128xf32, #tpu.memory_space<vmem_shared>>) dst(%dma_wait3A_99 : memref<624x128xf32, #tpu.memory_space<hbm>>)
      tpu.yield
    }) : () -> ()
    %eq3A_87 = arith.constant 15 : i32
    %eq3A_88 = arith.cmpi eq, %arg1, %eq3A_87 : i32
    %convert_element_type3A_89 = arith.extui %eq3A_88 : i1 to i32
    %cond3A_90 = arith.constant 0 : i32
    %cond3A_91 = arith.cmpi ne, %convert_element_type3A_89, %cond3A_90 : i32
    scf.if %cond3A_91 {
      "tpu.region"() ({
        %run_scoped3A = tpu.sem_alloc : memref<!tpu.dma_semaphore, #tpu.memory_space<semaphore_mem>>
        %dma_start3A_92 = arith.constant 9984 : i32
        %dma_start3A_93 = arith.constant 0 : i32
        %dma_start3A_94 = tpu.memref_slice %arg5[%arg0, %dma_start3A_92, %dma_start3A_93] : memref<2x10000x128xf32, #tpu.memory_space<hbm>> -> memref<1x16x128xf32, #tpu.memory_space<hbm>>
        %dma_start3A_95 = tpu.memref_squeeze %dma_start3A_94 : memref<1x16x128xf32, #tpu.memory_space<hbm>> -> memref<16x128xf32, #tpu.memory_space<hbm>>
        %dma_start3A_96 = arith.constant 9984 : i32
        %dma_start3A_97 = arith.constant 0 : i32
        %dma_start3A_98 = tpu.memref_slice %arg23[%dma_start3A_96, %dma_start3A_97] : memref<10000x128xf32, #tpu.memory_space<vmem_shared>> -> memref<16x128xf32, #tpu.memory_space<vmem_shared>>
        tpu.enqueue_dma source(%dma_start3A_98 : memref<16x128xf32, #tpu.memory_space<vmem_shared>>) target(%dma_start3A_95 : memref<16x128xf32, #tpu.memory_space<hbm>>) target_semaphore(%run_scoped3A : memref<!tpu.dma_semaphore, #tpu.memory_space<semaphore_mem>>)
        %dma_wait3A_99 = arith.constant 9984 : i32
        %dma_wait3A_100 = arith.constant 0 : i32
        %dma_wait3A_101 = tpu.memref_slice %arg5[%arg0, %dma_wait3A_99, %dma_wait3A_100] : memref<2x10000x128xf32, #tpu.memory_space<hbm>> -> memref<1x16x128xf32, #tpu.memory_space<hbm>>
        %dma_wait3A_102 = tpu.memref_squeeze %dma_wait3A_101 : memref<1x16x128xf32, #tpu.memory_space<hbm>> -> memref<16x128xf32, #tpu.memory_space<hbm>>
        %dma_wait3A_103 = arith.constant 9984 : i32
        %dma_wait3A_104 = arith.constant 0 : i32
        %dma_wait3A_105 = tpu.memref_slice %arg23[%dma_wait3A_103, %dma_wait3A_104] : memref<10000x128xf32, #tpu.memory_space<vmem_shared>> -> memref<16x128xf32, #tpu.memory_space<vmem_shared>>
        tpu.wait_dma2 semaphore(%run_scoped3A : memref<!tpu.dma_semaphore, #tpu.memory_space<semaphore_mem>>) src(%dma_wait3A_105 : memref<16x128xf32, #tpu.memory_space<vmem_shared>>) dst(%dma_wait3A_102 : memref<16x128xf32, #tpu.memory_space<hbm>>)
        tpu.yield
      }) : () -> ()
    } else {
    }
    return
  }
}

module attributes {stable_mosaic.version = 14 : i64} {
  func.func @_fin_body(%arg0: i32, %arg1: memref<2x10000x128xf32, #tpu.memory_space<vmem>>, %arg2: memref<10000x128xf32, #tpu.memory_space<vmem>>, %arg3: memref<10000x128xf32, #tpu.memory_space<vmem>>) attributes {dimension_semantics = [#tpu.dimension_semantics<arbitrary>], iteration_bounds = array<i64: 1>, scalar_prefetch = 0 : i64, scratch_operands = 0 : i64, tpu.core_type = #tpu.core_type<tc>, window_params = [{transform_indices = @transform_0, window_bounds = array<i64: 2, 10000, 128>}, {transform_indices = @transform_1, window_bounds = array<i64: 10000, 128>}, {transform_indices = @transform_2, window_bounds = array<i64: 10000, 128>}]} {
    %get3A = arith.constant 0 : index
    %get3A_0 = arith.constant 0 : index
    %get3A_1 = arith.constant 0 : index
    %get3A_2 = vector.load %arg1[%get3A, %get3A_0, %get3A_1] : memref<2x10000x128xf32, #tpu.memory_space<vmem>>, vector<1x10000x128xf32>
    %get3A_3 = vector.shape_cast %get3A_2 : vector<1x10000x128xf32> to vector<10000x128xf32>
    %get3A_4 = arith.constant 1 : index
    %get3A_5 = arith.constant 0 : index
    %get3A_6 = arith.constant 0 : index
    %get3A_7 = vector.load %arg1[%get3A_4, %get3A_5, %get3A_6] : memref<2x10000x128xf32, #tpu.memory_space<vmem>>, vector<1x10000x128xf32>
    %get3A_8 = vector.shape_cast %get3A_7 : vector<1x10000x128xf32> to vector<10000x128xf32>
    %add3A = arith.addf %get3A_3, %get3A_8 : vector<10000x128xf32>
    %get3A_9 = arith.constant 0 : index
    %get3A_10 = arith.constant 0 : index
    %get3A_11 = vector.load %arg2[%get3A_9, %get3A_10] : memref<10000x128xf32, #tpu.memory_space<vmem>>, vector<10000x128xf32>
    %add3A_12 = arith.addf %add3A, %get3A_11 : vector<10000x128xf32>
    %max3A = arith.constant 0.000000e+00 : f32
    %max3A_13 = vector.broadcast %max3A : f32 to vector<10000x128xf32>
    %max3A_14 = arith.maximumf %add3A_12, %max3A_13 : vector<10000x128xf32>
    %swap3A = arith.constant 0 : index
    %swap3A_15 = arith.constant 0 : index
    %swap3A_16 = vector.load %arg3[%swap3A, %swap3A_15] : memref<10000x128xf32, #tpu.memory_space<vmem>>, vector<10000x128xf32>
    tpu.vector_store %arg3[%swap3A, %swap3A_15], %max3A_14 {strides = array<i32>} : memref<10000x128xf32, #tpu.memory_space<vmem>>, vector<10000x128xf32>,
    return
  }
  func.func @transform_0(%arg0: i32) -> (i32, i32, i32) {
    %c0_i32 = arith.constant 0 : i32
    %c0_i32_0 = arith.constant 0 : i32
    %c0_i32_1 = arith.constant 0 : i32
    return %c0_i32, %arg0, %c0_i32_0 : i32, i32, i32
  }
  func.func @transform_1(%arg0: i32) -> (i32, i32) {
    %c0_i32 = arith.constant 0 : i32
    %c0_i32_0 = arith.constant 0 : i32
    return %arg0, %c0_i32 : i32, i32
  }
  func.func @transform_2(%arg0: i32) -> (i32, i32) {
    %c0_i32 = arith.constant 0 : i32
    %c0_i32_0 = arith.constant 0 : i32
    return %arg0, %c0_i32 : i32, i32
  }
}

module attributes {stable_mosaic.version = 14 : i64} {
  func.func @_hp_body(%arg0: i32, %arg1: i32, %arg2: memref<10000x128xf32, #tpu.memory_space<vmem>>, %arg3: memref<1x128x128xf32, #tpu.memory_space<vmem>>, %arg4: memref<128x128xf32, #tpu.memory_space<vmem>>, %arg5: memref<1x128xf32, #tpu.memory_space<vmem>>, %arg6: memref<2500x128xi32, #tpu.memory_space<vmem>>, %arg7: memref<2500x128xi32, #tpu.memory_space<vmem>>, %arg8: memref<10000x128xf32, #tpu.memory_space<vmem>>, %arg9: memref<10000x128xf32, #tpu.memory_space<vmem>>, %arg10: memref<2500x128xi32, #tpu.memory_space<vmem>>, %arg11: memref<10000x128xf32, #tpu.memory_space<vmem>>) attributes {dimension_semantics = [#tpu.dimension_semantics<arbitrary>, #tpu.dimension_semantics<arbitrary>], iteration_bounds = array<i64: 1, 8>, scalar_prefetch = 0 : i64, scratch_operands = 1 : i64, tpu.core_type = #tpu.core_type<tc>, window_params = [{transform_indices = @transform_0, window_bounds = array<i64: 10000, 128>}, {transform_indices = @transform_1, window_bounds = array<i64: 1, 128, 128>}, {pipeline_mode = #tpu.pipeline_mode<synchronous>, transform_indices = @transform_2, window_bounds = array<i64: 128, 128>}, {pipeline_mode = #tpu.pipeline_mode<synchronous>, transform_indices = @transform_3, window_bounds = array<i64: 1, 128>}, {pipeline_mode = #tpu.pipeline_mode<synchronous>, transform_indices = @transform_4, window_bounds = array<i64: 2500, 128>}, {pipeline_mode = #tpu.pipeline_mode<synchronous>, transform_indices = @transform_5, window_bounds = array<i64: 2500, 128>}, {transform_indices = @transform_6, window_bounds = array<i64: 10000, 128>}, {transform_indices = @transform_7, window_bounds = array<i64: 10000, 128>}, {pipeline_mode = #tpu.pipeline_mode<synchronous>, transform_indices = @transform_8, window_bounds = array<i64: 2500, 128>}]} {
    %eq3A = arith.constant 0 : i32
    %eq3A_0 = arith.cmpi eq, %arg1, %eq3A : i32
    %convert_element_type3A = arith.extui %eq3A_0 : i1 to i32
    %cond3A = arith.constant 0 : i32
    %cond3A_1 = arith.cmpi ne, %convert_element_type3A, %cond3A : i32
    scf.if %cond3A_1 {
      %get3A_19 = arith.constant 0 : index
      %get3A_20 = arith.constant 0 : index
      %get3A_21 = vector.load %arg2[%get3A_19, %get3A_20] : memref<10000x128xf32, #tpu.memory_space<vmem>>, vector<10000x128xf32>
      %swap3A_22 = arith.constant 0 : index
      %swap3A_23 = arith.constant 0 : index
      %swap3A_24 = vector.load %arg11[%swap3A_22, %swap3A_23] : memref<10000x128xf32, #tpu.memory_space<vmem>>, vector<10000x128xf32>
      tpu.vector_store %arg11[%swap3A_22, %swap3A_23], %get3A_21 {strides = array<i32>} : memref<10000x128xf32, #tpu.memory_space<vmem>>, vector<10000x128xf32>,
      %get3A_25 = arith.constant 0 : index
      %get3A_26 = arith.constant 0 : index
      %get3A_27 = vector.load %arg4[%get3A_25, %get3A_26] : memref<128x128xf32, #tpu.memory_space<vmem>>, vector<128x128xf32>
      %dot_general3A_28 = arith.constant dense<0.000000e+00> : vector<10000x128xf32>
      %dot_general3A_29 = tpu.matmul %get3A_21, %get3A_27, %dot_general3A_28 {dimension_numbers = #tpu.dot_dimension_numbers<[1], [0], [0], [1], [0, 0, 1, 1], [], []>, transpose_lhs_hint = false} : vector<10000x128xf32>, vector<128x128xf32>, vector<10000x128xf32> -> vector<10000x128xf32>
      %get3A_30 = arith.constant 0 : index
      %get3A_31 = arith.constant 0 : index
      %get3A_32 = vector.load %arg5[%get3A_30, %get3A_31] : memref<1x128xf32, #tpu.memory_space<vmem>>, vector<1x128xf32>
      %add3A = vector.broadcast %get3A_32 : vector<1x128xf32> to vector<10000x128xf32>
      %add3A_33 = arith.addf %dot_general3A_29, %add3A : vector<10000x128xf32>
      %swap3A_34 = arith.constant 0 : index
      %swap3A_35 = arith.constant 0 : index
      %swap3A_36 = vector.load %arg9[%swap3A_34, %swap3A_35] : memref<10000x128xf32, #tpu.memory_space<vmem>>, vector<10000x128xf32>
      tpu.vector_store %arg9[%swap3A_34, %swap3A_35], %add3A_33 {strides = array<i32>} : memref<10000x128xf32, #tpu.memory_space<vmem>>, vector<10000x128xf32>,
    } else {
    }
    %get3A = arith.constant 0 : index
    %get3A_2 = arith.constant 0 : index
    %get3A_3 = vector.load %arg11[%get3A, %get3A_2] : memref<10000x128xf32, #tpu.memory_space<vmem>>, vector<10000x128xf32>
    %get3A_4 = arith.constant 0 : index
    %get3A_5 = arith.constant 0 : index
    %get3A_6 = arith.constant 0 : index
    %get3A_7 = vector.load %arg3[%get3A_4, %get3A_5, %get3A_6] : memref<1x128x128xf32, #tpu.memory_space<vmem>>, vector<1x128x128xf32>
    %get3A_8 = vector.shape_cast %get3A_7 : vector<1x128x128xf32> to vector<128x128xf32>
    %dot_general3A = arith.constant dense<0.000000e+00> : vector<10000x128xf32>
    %dot_general3A_9 = tpu.matmul %get3A_3, %get3A_8, %dot_general3A {dimension_numbers = #tpu.dot_dimension_numbers<[1], [0], [0], [1], [0, 0, 1, 1], [], []>, transpose_lhs_hint = false} : vector<10000x128xf32>, vector<128x128xf32>, vector<10000x128xf32> -> vector<10000x128xf32>
    %swap3A = arith.constant 0 : index
    %swap3A_10 = arith.constant 0 : index
    %swap3A_11 = vector.load %arg8[%swap3A, %swap3A_10] : memref<10000x128xf32, #tpu.memory_space<vmem>>, vector<10000x128xf32>
    tpu.vector_store %arg8[%swap3A, %swap3A_10], %dot_general3A_9 {strides = array<i32>} : memref<10000x128xf32, #tpu.memory_space<vmem>>, vector<10000x128xf32>,
    %eq3A_12 = arith.constant 0 : i32
    %eq3A_13 = arith.cmpi eq, %arg0, %eq3A_12 : i32
    %eq3A_14 = arith.constant 0 : i32
    %eq3A_15 = arith.cmpi eq, %arg1, %eq3A_14 : i32
    %and3A = arith.andi %eq3A_13, %eq3A_15 : i1
    %convert_element_type3A_16 = arith.extui %and3A : i1 to i32
    %cond3A_17 = arith.constant 0 : i32
    %cond3A_18 = arith.cmpi ne, %convert_element_type3A_16, %cond3A_17 : i32
    scf.if %cond3A_18 {
      %get3A_19 = arith.constant 0 : index
      %get3A_20 = arith.constant 0 : index
      %get3A_21 = vector.load %arg6[%get3A_19, %get3A_20] : memref<2500x128xi32, #tpu.memory_space<vmem>>, vector<2500x128xi32>
      %mul3A = arith.constant 10000 : i32
      %mul3A_22 = vector.broadcast %mul3A : i32 to vector<2500x128xi32>
      %mul3A_23 = arith.muli %get3A_21, %mul3A_22 : vector<2500x128xi32>
      %get3A_24 = arith.constant 0 : index
      %get3A_25 = arith.constant 0 : index
      %get3A_26 = vector.load %arg7[%get3A_24, %get3A_25] : memref<2500x128xi32, #tpu.memory_space<vmem>>, vector<2500x128xi32>
      %add3A = arith.addi %mul3A_23, %get3A_26 : vector<2500x128xi32>
      %swap3A_27 = arith.constant 0 : index
      %swap3A_28 = arith.constant 0 : index
      %swap3A_29 = vector.load %arg10[%swap3A_27, %swap3A_28] : memref<2500x128xi32, #tpu.memory_space<vmem>>, vector<2500x128xi32>
      tpu.vector_store %arg10[%swap3A_27, %swap3A_28], %add3A {strides = array<i32>} : memref<2500x128xi32, #tpu.memory_space<vmem>>, vector<2500x128xi32>,
    } else {
    }
    return
  }
  func.func @transform_0(%arg0: i32, %arg1: i32) -> (i32, i32) {
    %c0_i32 = arith.constant 0 : i32
    %c0_i32_0 = arith.constant 0 : i32
    return %arg0, %c0_i32 : i32, i32
  }
  func.func @transform_1(%arg0: i32, %arg1: i32) -> (i32, i32, i32) {
    %c0_i32 = arith.constant 0 : i32
    %c0_i32_0 = arith.constant 0 : i32
    %c0_i32_1 = arith.constant 0 : i32
    return %arg1, %c0_i32, %c0_i32_0 : i32, i32, i32
  }
  func.func @transform_2(%arg0: i32, %arg1: i32) -> (i32, i32) {
    %c0_i32 = arith.constant 0 : i32
    %c0_i32_0 = arith.constant 0 : i32
    %c0_i32_1 = arith.constant 0 : i32
    return %c0_i32, %c0_i32_0 : i32, i32
  }
  func.func @transform_3(%arg0: i32, %arg1: i32) -> (i32, i32) {
    %c0_i32 = arith.constant 0 : i32
    %c0_i32_0 = arith.constant 0 : i32
    %c0_i32_1 = arith.constant 0 : i32
    return %c0_i32, %c0_i32_0 : i32, i32
  }
  func.func @transform_4(%arg0: i32, %arg1: i32) -> (i32, i32) {
    %c0_i32 = arith.constant 0 : i32
    %c0_i32_0 = arith.constant 0 : i32
    %c0_i32_1 = arith.constant 0 : i32
    return %c0_i32, %c0_i32_0 : i32, i32
  }
  func.func @transform_5(%arg0: i32, %arg1: i32) -> (i32, i32) {
    %c0_i32 = arith.constant 0 : i32
    %c0_i32_0 = arith.constant 0 : i32
    %c0_i32_1 = arith.constant 0 : i32
    return %c0_i32, %c0_i32_0 : i32, i32
  }
  func.func @transform_6(%arg0: i32, %arg1: i32) -> (i32, i32) {
    %mul3A = arith.constant 1 : i32
    %mul3A_0 = arith.muli %arg1, %mul3A : i32
    %add3A = arith.addi %mul3A_0, %arg0 : i32
    %c0_i32 = arith.constant 0 : i32
    %c0_i32_1 = arith.constant 0 : i32
    return %add3A, %c0_i32 : i32, i32
  }
  func.func @transform_7(%arg0: i32, %arg1: i32) -> (i32, i32) {
    %c0_i32 = arith.constant 0 : i32
    %c0_i32_0 = arith.constant 0 : i32
    return %arg0, %c0_i32 : i32, i32
  }
  func.func @transform_8(%arg0: i32, %arg1: i32) -> (i32, i32) {
    %c0_i32 = arith.constant 0 : i32
    %c0_i32_0 = arith.constant 0 : i32
    %c0_i32_1 = arith.constant 0 : i32
    return %c0_i32, %c0_i32_0 : i32, i32
  }
}

module attributes {stable_mosaic.version = 14 : i64} {
  func.func @_hpf_body(%arg0: i32, %arg1: i32, %arg2: memref<2x10000x128xf32, #tpu.memory_space<vmem>>, %arg3: memref<10000x128xf32, #tpu.memory_space<vmem>>, %arg4: memref<1x128x128xf32, #tpu.memory_space<vmem>>, %arg5: memref<128x128xf32, #tpu.memory_space<vmem>>, %arg6: memref<1x128xf32, #tpu.memory_space<vmem>>, %arg7: memref<10000x128xf32, #tpu.memory_space<vmem>>, %arg8: memref<10000x128xf32, #tpu.memory_space<vmem>>, %arg9: memref<10000x128xf32, #tpu.memory_space<vmem>>) attributes {dimension_semantics = [#tpu.dimension_semantics<arbitrary>, #tpu.dimension_semantics<arbitrary>], iteration_bounds = array<i64: 1, 8>, scalar_prefetch = 0 : i64, scratch_operands = 1 : i64, tpu.core_type = #tpu.core_type<tc>, window_params = [{transform_indices = @transform_0, window_bounds = array<i64: 2, 10000, 128>}, {transform_indices = @transform_1, window_bounds = array<i64: 10000, 128>}, {transform_indices = @transform_2, window_bounds = array<i64: 1, 128, 128>}, {pipeline_mode = #tpu.pipeline_mode<synchronous>, transform_indices = @transform_3, window_bounds = array<i64: 128, 128>}, {pipeline_mode = #tpu.pipeline_mode<synchronous>, transform_indices = @transform_4, window_bounds = array<i64: 1, 128>}, {transform_indices = @transform_5, window_bounds = array<i64: 10000, 128>}, {transform_indices = @transform_6, window_bounds = array<i64: 10000, 128>}]} {
    %eq3A = arith.constant 0 : i32
    %eq3A_0 = arith.cmpi eq, %arg1, %eq3A : i32
    %convert_element_type3A = arith.extui %eq3A_0 : i1 to i32
    %cond3A = arith.constant 0 : i32
    %cond3A_1 = arith.cmpi ne, %convert_element_type3A, %cond3A : i32
    scf.if %cond3A_1 {
      %get3A_12 = arith.constant 0 : index
      %get3A_13 = arith.constant 0 : index
      %get3A_14 = arith.constant 0 : index
      %get3A_15 = vector.load %arg2[%get3A_12, %get3A_13, %get3A_14] : memref<2x10000x128xf32, #tpu.memory_space<vmem>>, vector<1x10000x128xf32>
      %get3A_16 = vector.shape_cast %get3A_15 : vector<1x10000x128xf32> to vector<10000x128xf32>
      %get3A_17 = arith.constant 1 : index
      %get3A_18 = arith.constant 0 : index
      %get3A_19 = arith.constant 0 : index
      %get3A_20 = vector.load %arg2[%get3A_17, %get3A_18, %get3A_19] : memref<2x10000x128xf32, #tpu.memory_space<vmem>>, vector<1x10000x128xf32>
      %get3A_21 = vector.shape_cast %get3A_20 : vector<1x10000x128xf32> to vector<10000x128xf32>
      %add3A = arith.addf %get3A_16, %get3A_21 : vector<10000x128xf32>
      %get3A_22 = arith.constant 0 : index
      %get3A_23 = arith.constant 0 : index
      %get3A_24 = vector.load %arg3[%get3A_22, %get3A_23] : memref<10000x128xf32, #tpu.memory_space<vmem>>, vector<10000x128xf32>
      %add3A_25 = arith.addf %add3A, %get3A_24 : vector<10000x128xf32>
      %max3A = arith.constant 0.000000e+00 : f32
      %max3A_26 = vector.broadcast %max3A : f32 to vector<10000x128xf32>
      %max3A_27 = arith.maximumf %add3A_25, %max3A_26 : vector<10000x128xf32>
      %swap3A_28 = arith.constant 0 : index
      %swap3A_29 = arith.constant 0 : index
      %swap3A_30 = vector.load %arg9[%swap3A_28, %swap3A_29] : memref<10000x128xf32, #tpu.memory_space<vmem>>, vector<10000x128xf32>
      tpu.vector_store %arg9[%swap3A_28, %swap3A_29], %max3A_27 {strides = array<i32>} : memref<10000x128xf32, #tpu.memory_space<vmem>>, vector<10000x128xf32>,
      %get3A_31 = arith.constant 0 : index
      %get3A_32 = arith.constant 0 : index
      %get3A_33 = vector.load %arg5[%get3A_31, %get3A_32] : memref<128x128xf32, #tpu.memory_space<vmem>>, vector<128x128xf32>
      %dot_general3A_34 = arith.constant dense<0.000000e+00> : vector<10000x128xf32>
      %dot_general3A_35 = tpu.matmul %max3A_27, %get3A_33, %dot_general3A_34 {dimension_numbers = #tpu.dot_dimension_numbers<[1], [0], [0], [1], [0, 0, 1, 1], [], []>, transpose_lhs_hint = false} : vector<10000x128xf32>, vector<128x128xf32>, vector<10000x128xf32> -> vector<10000x128xf32>
      %get3A_36 = arith.constant 0 : index
      %get3A_37 = arith.constant 0 : index
      %get3A_38 = vector.load %arg6[%get3A_36, %get3A_37] : memref<1x128xf32, #tpu.memory_space<vmem>>, vector<1x128xf32>
      %add3A_39 = vector.broadcast %get3A_38 : vector<1x128xf32> to vector<10000x128xf32>
      %add3A_40 = arith.addf %dot_general3A_35, %add3A_39 : vector<10000x128xf32>
      %swap3A_41 = arith.constant 0 : index
      %swap3A_42 = arith.constant 0 : index
      %swap3A_43 = vector.load %arg8[%swap3A_41, %swap3A_42] : memref<10000x128xf32, #tpu.memory_space<vmem>>, vector<10000x128xf32>
      tpu.vector_store %arg8[%swap3A_41, %swap3A_42], %add3A_40 {strides = array<i32>} : memref<10000x128xf32, #tpu.memory_space<vmem>>, vector<10000x128xf32>,
    } else {
    }
    %get3A = arith.constant 0 : index
    %get3A_2 = arith.constant 0 : index
    %get3A_3 = vector.load %arg9[%get3A, %get3A_2] : memref<10000x128xf32, #tpu.memory_space<vmem>>, vector<10000x128xf32>
    %get3A_4 = arith.constant 0 : index
    %get3A_5 = arith.constant 0 : index
    %get3A_6 = arith.constant 0 : index
    %get3A_7 = vector.load %arg4[%get3A_4, %get3A_5, %get3A_6] : memref<1x128x128xf32, #tpu.memory_space<vmem>>, vector<1x128x128xf32>
    %get3A_8 = vector.shape_cast %get3A_7 : vector<1x128x128xf32> to vector<128x128xf32>
    %dot_general3A = arith.constant dense<0.000000e+00> : vector<10000x128xf32>
    %dot_general3A_9 = tpu.matmul %get3A_3, %get3A_8, %dot_general3A {dimension_numbers = #tpu.dot_dimension_numbers<[1], [0], [0], [1], [0, 0, 1, 1], [], []>, transpose_lhs_hint = false} : vector<10000x128xf32>, vector<128x128xf32>, vector<10000x128xf32> -> vector<10000x128xf32>
    %swap3A = arith.constant 0 : index
    %swap3A_10 = arith.constant 0 : index
    %swap3A_11 = vector.load %arg7[%swap3A, %swap3A_10] : memref<10000x128xf32, #tpu.memory_space<vmem>>, vector<10000x128xf32>
    tpu.vector_store %arg7[%swap3A, %swap3A_10], %dot_general3A_9 {strides = array<i32>} : memref<10000x128xf32, #tpu.memory_space<vmem>>, vector<10000x128xf32>,
    return
  }
  func.func @transform_0(%arg0: i32, %arg1: i32) -> (i32, i32, i32) {
    %c0_i32 = arith.constant 0 : i32
    %c0_i32_0 = arith.constant 0 : i32
    %c0_i32_1 = arith.constant 0 : i32
    return %c0_i32, %arg0, %c0_i32_0 : i32, i32, i32
  }
  func.func @transform_1(%arg0: i32, %arg1: i32) -> (i32, i32) {
    %c0_i32 = arith.constant 0 : i32
    %c0_i32_0 = arith.constant 0 : i32
    return %arg0, %c0_i32 : i32, i32
  }
  func.func @transform_2(%arg0: i32, %arg1: i32) -> (i32, i32, i32) {
    %c0_i32 = arith.constant 0 : i32
    %c0_i32_0 = arith.constant 0 : i32
    %c0_i32_1 = arith.constant 0 : i32
    return %arg1, %c0_i32, %c0_i32_0 : i32, i32, i32
  }
  func.func @transform_3(%arg0: i32, %arg1: i32) -> (i32, i32) {
    %c0_i32 = arith.constant 0 : i32
    %c0_i32_0 = arith.constant 0 : i32
    %c0_i32_1 = arith.constant 0 : i32
    return %c0_i32, %c0_i32_0 : i32, i32
  }
  func.func @transform_4(%arg0: i32, %arg1: i32) -> (i32, i32) {
    %c0_i32 = arith.constant 0 : i32
    %c0_i32_0 = arith.constant 0 : i32
    %c0_i32_1 = arith.constant 0 : i32
    return %c0_i32, %c0_i32_0 : i32, i32
  }
  func.func @transform_5(%arg0: i32, %arg1: i32) -> (i32, i32) {
    %mul3A = arith.constant 1 : i32
    %mul3A_0 = arith.muli %arg1, %mul3A : i32
    %add3A = arith.addi %mul3A_0, %arg0 : i32
    %c0_i32 = arith.constant 0 : i32
    %c0_i32_1 = arith.constant 0 : i32
    return %add3A, %c0_i32 : i32, i32
  }
  func.func @transform_6(%arg0: i32, %arg1: i32) -> (i32, i32) {
    %c0_i32 = arith.constant 0 : i32
    %c0_i32_0 = arith.constant 0 : i32
    return %arg0, %c0_i32 : i32, i32
  }
}

</mosaic_0001>

<sc_bundles>
// kernel: kernel.12.cloned.1.call-start
scs
__scs_entry_jumppad:
0x0: {  	(pc) =	sbr.rel $0x88, $3  }
0x1: {  	(tag) =	ssettag $0x0;
	lr =	simm.s32 $0x1  }
0x2: {  	[smem:$0x3F95] =	sst lr;
	_ =	strace $0xD0000000  }
0x3: {  	_ = 	snop  }
0x4: {  	_ = 	snop  }
0x5: {  	_ = 	snop  }
0x6: {  	_ = 	snop  }
0x7: {  	_ = 	snop  }
__scs_overlays_trampoline_lowered:
0x8: {  	[smem:$0x3FA4] =	sst s0  }
0x9: {  	[smem:$0x3FA5] =	sst s1  }
0xa: {  	[smem:$0x3FA6] =	sst s2  }
0xb: {  	[smem:$0x3FA7] =	sst s3  }
0xc: {  	[smem:$0x3FA8] =	sst s4  }
0xd: {  	[smem:$0x3FA9] =	sst s5  }
0xe: {  	[smem:$0x3FAA] =	sst s6  }
0xf: {  	[smem:$0x3FAB] =	sst s7  }
0x10: {  	[smem:$0x3FAC] =	sst s8  }
0x11: {  	[smem:$0x3FAD] =	sst s9;
	s0 =	simm.s32 @!p0 $0x0  }
0x12: {  	s1 =	sld [smem:$0x3F93];
	s0 =	simm.s32 @p0 $0x1  }
0x13: {  	[smem:$0x3FAE] =	sst s0;
	s0 =	simm.s32 @!p1 $0x0  }
0x14: {  	s2 =	sld [smem:$0x3F92];
	s0 =	simm.s32 @p1 $0x1  }
0x15: {  	[smem:$0x3FAF] =	sst s0;
	s0 =	simm.s32 @!p2 $0x0  }
0x16: {  	s3 =	sld [smem:$0x3FDB];
	s0 =	simm.s32 @p2 $0x1  }
0x17: {  	s4 =	simm.s32 $0x1BF5;
	[smem:$0x3FB1] =	sst s0  }
0x18: {  	s0 =	sld [smem:$0x3F94];
	_ =	swait.ge [sflag:s4], $0x0  }
0x19: {  	s7 =	sld [smem:$0x3F95]  }
0x1a: {  	s8 =	sadd.s32 $0xFFFFE003, lr  }
0x1b: {  	s9 =	sadd.s32 $0xFFFFFEF7, lr;
	s5 =	simm.s32 $0xFFFFFFFF;
	p2 =	slt.u32 s8, $0xFFFFF086  }
0x1c: {  	p1 =	slt.u32 s9, $0xF7A;
	s5 =	simm.s32 @!p2 $0x0  }
0x1d: {  	s5 =	simm.s32 @p1 $0x1;
	p0 =	seq.s32 s7, s2  }
0x1e: {  	s7 =	smul.u32 @!p0 $0xF7A, s2;
	p2 =	seq.s32 @!p0 s5, $0x0  }
0x1f: {  	s9 =	smul.u32 $0xF7A, s1;
	s8 =	simm.s32 @!p0 $0x1BF5;
	p2 =	por !p2, p0  }
0x20: {  	[sflag:s8] =	ssyncset.s32 @!p0 $0xFFFFF086;
	s6 =	sadd.s32 @!p0 s3, s7;
	s7 =	simm.s32 @!p0 $0x108  }
0x21: {  	s3 =	sadd.s32 s3, s9;
	s6 =	sadd.s32 @!p0 $0x88, s6;
	s7 =	simm.s32 @p2 $0x1082  }
0x22: {  	[simem:s7], [sflag:s8] =	dma.local @!p0 [hbm:s6], $0xF7A  }
0x23: {  	s9 =	sor.u32 $0xD0000000, s2;
	s6 =	simm.s32 $0x108;
	_ =	swait.ge @!p0 [sflag:s8], $0x0  }
0x24: {  	s3 =	sadd.s32 $0x88, s3;
	s6 =	simm.s32 @!p1 $0x1082;
	[sflag:s4] =	ssyncset.s32 $0xFFFFF086  }
0x25: {  	[simem:s6], [sflag:s4] =	dma.local [hbm:s3], $0xF7A  }
0x26: {  	[smem:$0x3F95] =	sst s1;
	(tag) =	ssettag s2;
	_ =	strace s9  }
0x27: {  	s1 =	sld [smem:$0x3FA5]  }
0x28: {  	s2 =	sld [smem:$0x3FA6]  }
0x29: {  	s4 =	sld [smem:$0x3FA8]  }
0x2a: {  	p0 =	seq.s32 s5, $0x0;
	s5 =	sld [smem:$0x3FA9]  }
0x2b: {  	s6 =	sld [smem:$0x3FAA]  }
0x2c: {  	s7 =	sld [smem:$0x3FAB]  }
0x2d: {  	s3 =	simm.s32 $0x108;
	s8 =	sld [smem:$0x3FAC]  }
0x2e: {  	s3 =	simm.s32 @!p0 $0x1082;
	s9 =	sld [smem:$0x3FAD]  }
0x2f: {  	lr =	sadd.s32 s0, s3;
	s0 =	sld [smem:$0x3FA4]  }
0x30: {  	s3 =	sld [smem:$0x3FA7]  }
0x31: {  	[smem:$0x3FB0] =	sst s10  }
0x32: {  	s10 =	sld [smem:$0x3FAE];
	_ =	sdelay $0x3  }
0x33: {  	p0 =	seq.s32 s10, $0x1;
	s10 =	sld [smem:$0x3FB0];
	_ =	sdelay $0x3  }
0x34: {  	[smem:$0x3FB0] =	sst s10  }
0x35: {  	s10 =	sld [smem:$0x3FAF];
	_ =	sdelay $0x3  }
0x36: {  	p1 =	seq.s32 s10, $0x1;
	s10 =	sld [smem:$0x3FB0];
	_ =	sdelay $0x3  }
0x37: {  	[smem:$0x3FB0] =	sst s10  }
0x38: {  	s10 =	sld [smem:$0x3FB1]  }
0x39: {  	_ = 	snop;
	(pc) =	sbr.ind lr, $3  }
0x3a: {  	_ = 	snop  }
0x3b: {  	_ = 	snop  }
0x3c: {  	p2 =	seq.s32 s10, $0x1;
	s10 =	sld [smem:$0x3FB0]  }
0x3d: {  	_ =	shalt  }
0x3e: {  	_ =	shalt  }
0x3f: {  	_ =	shalt  }
0x40: {  	_ =	shalt  }
0x41: {  	_ =	shalt  }
0x42: {  	_ =	shalt  }
0x43: {  	_ =	shalt  }
0x44: {  	_ =	shalt  }
0x45: {  	_ =	shalt  }
0x46: {  	_ =	shalt  }
0x47: {  	_ =	shalt  }
0x48: {  	_ =	shalt  }
0x49: {  	_ =	shalt  }
0x4a: {  	_ =	shalt  }
0x4b: {  	_ =	shalt  }
0x4c: {  	_ =	shalt  }
0x4d: {  	_ =	shalt  }
0x4e: {  	_ =	shalt  }
0x4f: {  	_ =	shalt  }
0x50: {  	_ =	shalt  }
0x51: {  	_ =	shalt  }
0x52: {  	_ =	shalt  }
0x53: {  	_ =	shalt  }
0x54: {  	_ =	shalt  }
0x55: {  	_ =	shalt  }
0x56: {  	_ =	shalt  }
0x57: {  	_ =	shalt  }
0x58: {  	_ =	shalt  }
0x59: {  	_ =	shalt  }
0x5a: {  	_ =	shalt  }
0x5b: {  	_ =	shalt  }
0x5c: {  	_ =	shalt  }
0x5d: {  	_ =	shalt  }
0x5e: {  	_ =	shalt  }
0x5f: {  	_ =	shalt  }
0x60: {  	_ =	shalt  }
0x61: {  	_ =	shalt  }
0x62: {  	_ =	shalt  }
0x63: {  	_ =	shalt  }
0x64: {  	_ =	shalt  }
0x65: {  	_ =	shalt  }
0x66: {  	_ =	shalt  }
0x67: {  	_ =	shalt  }
0x68: {  	_ =	shalt  }
0x69: {  	_ =	shalt  }
0x6a: {  	_ =	shalt  }
0x6b: {  	_ =	shalt  }
0x6c: {  	_ =	shalt  }
0x6d: {  	_ =	shalt  }
0x6e: {  	_ =	shalt  }
0x6f: {  	_ =	shalt  }
0x70: {  	_ =	shalt  }
0x71: {  	_ =	shalt  }
0x72: {  	_ =	shalt  }
0x73: {  	_ =	shalt  }
0x74: {  	_ =	shalt  }
0x75: {  	_ =	shalt  }
0x76: {  	_ =	shalt  }
0x77: {  	_ =	shalt  }
0x78: {  	_ =	shalt  }
0x79: {  	_ =	shalt  }
0x7a: {  	_ =	shalt  }
0x7b: {  	_ =	shalt  }
0x7c: {  	_ =	shalt  }
0x7d: {  	_ =	shalt  }
0x7e: {  	_ =	shalt  }
0x7f: {  	_ =	shalt  }
0x80: {  	_ =	shalt  }
0x81: {  	_ =	shalt  }
0x82: {  	_ =	shalt  }
0x83: {  	_ =	shalt  }
0x84: {  	_ =	shalt  }
0x85: {  	_ =	shalt  }
0x86: {  	_ =	shalt  }
0x87: {  	_ =	shalt  }
.Lfunc_end0:
.L_simem_size_0:
called_computation.1_lowered:
.L_overlay_start_0:
0x88: {  	s2 =	sld [smem:$0x3FD9]  }
0x89: {  	s3 =	sld [smem:$0x3FFE];
	_ =	sdelay $0x1  }
0x8a: {  	s1 =	srdreg.scid  }
0x8b: {  	s0 =	sand.u32 $0x1, s1  }
0x8c: {  	s17 =	sshll.u32 s0, $0xA;
	s2 =	sadd.s32 s3, s2  }
0x8d: {  	s2 =	sadd.s32 s2, s17  }
0x8e: {  	[smem:$0x3FBC] =	sst s2  }
0x8f: {  	_ = 	snop  }
0x90: {  	s2 =	sld [smem:$0x3FD0];
	(tm) =	ssettm $0x1  }
0x91: {  	s18 =	sld [smem:$0x3FFB];
	_ =	sdelay $0x3  }
0x92: {  	_ =	strace s18  }
0x93: {  	s3 =	sld [smem:$0x3FFC];
	_ =	sdelay $0x3  }
0x94: {  	_ =	strace s3  }
0x95: {  	s3 =	sld [smem:$0x3FFD];
	_ =	sdelay $0x3  }
0x96: {  	_ =	strace s3  }
0x97: {  	_ =	strace $0x8FFFFFFF  }
0x98: {  	s19 =	sld [smem:$0x3FDB];
	_ =	sdelay $0x1  }
0x99: {  	s4 =	simm.s32 $_scs_section_size  }
0x9a: {  	s5 =	simm.s32 $_size__tile_overlayer_lowered;
	s6 =	simm.s32 $_tile_overlayer_lowered  }
0x9b: {  	s22 =	simm.s32 $0x1BFF;
	s21 =	sshll.u32 s6, $0x1;
	s3 =	sadd.s32 s4, s19  }
0x9c: {  	s7 =	simm.s32 $0x0;
	s20 =	sshll.u32 s5, $0x1;
	s5 =	sadd.s32 s21, s3  }
0x9d: {  	[timem:s7], [sflag:s22] =	dma.local [hbm:s5], s20  }
0x9e: {  	_ =	swait.ge [sflag:s22], s20  }
0x9f: {  	s4 =	ssub.s32 $0x0, s20;
	[sflag:s22] =	ssyncset.done $0x0  }
0xa0: {  	[sflag:s22] =	ssyncadd.s32 s4;
	_ =	sdelay $0x1  }
0xa1: {  	s23 =	simm.s32 $0x1B8B  }
0xa2: {  	_ =	swait.ge [sflag:s23], $0x1  }
0xa3: {  	[sflag:s23] =	ssyncset.done $0x0  }
0xa4: {  	s25 =	simm.s32 $0x1B8E;
	s24 =	sld [smem:$0x3FFE];
	[sflag:s23] =	ssyncadd.s32 $0xFFFFFFFF  }
0xa5: {  	s26 =	simm.s32 $execute0_lowered;
	[smem:$0x3FD2] =	sst s25  }
0xa6: {  	s5 =	sshll.u32 s26, $0x1;
	_ =	strace $0x80000049;
	[dreg:$0x1] =	wrdreg $0xFFFFFFFF  }
0xa7: {  	s28 =	simm.s32 $_size_execute0_lowered;
	s3 =	sadd.s32 s3, s5;
	[dreg:$0x0] =	wrdreg $0x0  }
0xa8: {  	s5 =	sshll.u32 s28, $0x1;
	[dreg:$0x2] =	wrdreg s3  }
0xa9: {  	[dreg:$0x3] =	wrdreg s5  }
0xaa: {  	[dreg:$0x4] =	wrdreg $0xC0  }
0xab: {  	_ =	task [dreg:s7], $0x5FFFF  }
0xac: {  	[dreg:$0x1] =	wrdreg $0xFFFFFFFF  }
0xad: {  	[dreg:$0x0] =	wrdreg $0x60  }
0xae: {  	[dreg:$0x2] =	wrdreg s24  }
0xaf: {  	[dreg:$0x3] =	wrdreg s2  }
0xb0: {  	[dreg:$0x4] =	wrdreg $0xC5800  }
0xb1: {  	[dreg:$0x5] =	wrdreg $0x9  }
0xb2: {  	_ =	task.clear_ibuf [dreg:s7], $0x6FFFF;
	_ =	strace $0x90000049  }
0xb3: {  	s29 =	simm.s32 $0x9;
	_ =	strace $0x8000004B  }
0xb4: {  	_ =	swait.ge [sflag:s29], $0x1  }
0xb5: {  	[sflag:s29] =	ssyncadd.s32 $0xFFFFFFFF  }
0xb6: {  	_ =	strace $0x9000004B  }
0xb7: {  	_ =	sfence  }
0xb8: {  	s30 =	sld [smem:$0x0];
	_ =	sdelay $0x2  }
0xb9: {  	s31 =	sshll.u32 s1, $0xD;
	s1 =	sshrl.u32 s1, $0x2  }
0xba: {  	s3 =	sand.u32 $0x4000, s31;
	s1 =	sadd.s32 s1, s30  }
0xbb: {  	s0 =	sor.u32 s3, s0;
	s1 =	sshll.u32 s1, $0x11  }
0xbc: {  	s0 =	sor.u32 s1, s0  }
0xbd: {  	s0 =	sadd.s32 $0x8F2B, s0  }
0xbe: {  	[sflag:s0] =	ssyncadd.remote.s32 $0x1  }
0xbf: {  	_ =	sfence.sel $0xFFFF  }
0xc0: {  	[dreg:$0x0] =	wrdreg $0xFFFFFFFF;
	(pc) =	sbr.abs _section_cstart, $3  }
0xc1: {  	[dreg:$0x1] =	wrdreg $0xFFFFFFFF  }
0xc2: {  	_ =	task.clear_ibuf [dreg:s7], $0x2FFFF;
	_ =	strace $0x9FFFFFFF  }
0xc3: {  	(tm) =	ssettm $0x7FFFFFFF  }
tec
execute0_lowered:
.L_overlay_start_1:
0x0: {  	(tag) =	ssettag $0x1  }
0x1: {  	s0 =	srdreg.scid;
	s1 =	rddreg [dreg:$0x0]  }
0x2: {  	s6 =	rddreg [dreg:$0x1];
	s12 =	stileid.u32  }
0x3: {  	s2 =	rddreg [dreg:$0x2];
	s28 =	simm.s32 $0x2780;
	s5 =	smul.u32 $0x4E000, s12  }
0x4: {  	s29 =	simm.s32 $0x68;
	s31 =	simm.s32 $0x9100;
	s17 =	smul.u32 $0x13800, s12  }
0x5: {  	s30 =	simm.s32 $0x4;
	s0 =	sand.u32 $0x1, s0;
	s21 =	smul.u32 $0x2710, s12  }
0x6: {  	p0 =	sne.s32 s12, $0xF;
	s3 =	sshll.u32 s0, $0x4;
	s9 =	ssub.s32 $0x2, s0  }
0x7: {  	s4 =	sor.u32 s12, s3;
	s3 =	simm.s32 $0x0;
	s5 =	sshrl.u32 s5, $0x2  }
0x8: {  	s11 =	sshrl.u32 s9, $0x1;
	s7 =	smul.u32 $0x2710, s4;
	[smem:$0x7FF] =	sst s3  }
0x9: {  	s4 =	sadd.s32 $0x2800, s1;
	s5 =	sadd.s32 s5, s2;
	s9 =	ssub.s32 s9, s11  }
0xa: {  	s11 =	sadd.s32 $0x138000, s2;
	_ =	strace $0x8000004A;
	s26 =	sadd.s32 $0x3400, s5  }
0xb: {  	s13 =	sadd.s32 $0x6800, s5;
	s14 =	sadd.s32 $0x9C00, s5;
	[dreg:$0x4] =	wrdreg s26  }
0xc: {  	s15 =	sadd.s32 $0xD000, s5;
	s16 =	sadd.s32 $0x10400, s5;
	[dreg:$0x5] =	wrdreg s13  }
0xd: {  	s23 =	smax.u32 s9, $0x1;
	s9 =	simm.s32 $0x8;
	[dreg:$0x6] =	wrdreg s14  }
0xe: {  	s8 =	sshrl.u32 s7, $0x3;
	[dreg:$0x7] =	wrdreg s15;
	s13 =	smul.u32 $0x138800, s0  }
0xf: {  	[dreg:$0x8] =	wrdreg s16;
	s7 =	sadd.s32 $0x78, s7;
	s0 =	smul.u32 $0x27100, s0  }
0x10: {  	[dreg:$0x10] =	wrdreg s23;
	s23 =	simm.s32 $0x2900;
	s10 =	sadd.s32 s8, s1  }
0x11: {  	s1 =	sadd.s32 $0x144E00, s1;
	s14 =	sadd.s32 s6, s8;
	s7 =	sshrl.u32 s7, $0x3  }
0x12: {  	s8 =	simm.s32 $0x7;
	s10 =	sadd.s32 $0x13B000, s10;
	[dreg:$0x9] =	wrdreg s14  }
0x13: {  	s18 =	sadd.s32 $0x2, s14;
	s7 =	sadd.s32 s6, s7;
	[dreg:$0xa] =	wrdreg s10  }
0x14: {  	s19 =	sadd.s32 s17, s13;
	s20 =	sshrl.u32 s13, $0x3;
	[dreg:$0xb] =	wrdreg s18  }
0x15: {  	s22 =	sadd.s32 $0x1C, s14;
	s0 =	sadd.s32 s21, s0;
	[dreg:$0xc] =	wrdreg s7  }
0x16: {  	s13 =	simm.s32 $0x0;
	s7 =	sshrl.u32 s19, $0x3;
	[dreg:$0xd] =	wrdreg s22  }
0x17: {  	s24 =	sadd.s32 $0x218, s0;
	s25 =	sadd.s32 $0x1B0, s0;
	s0 =	sadd.s32 $0x148, s0  }
0x18: {  	s10 =	simm.s32 $0x9;
	s7 =	sadd.s32 s1, s7;
	s1 =	sadd.s32 s1, s20  }
0x19: {  	s0 =	sshrl.u32 s0, $0x3;
	[dreg:$0xe] =	wrdreg s7;
	s1 =	sadd.s32 $0x27000, s1  }
.Ltmp0:
0x1a: {  	s7 =	sshrl.u32 s25, $0x3;
	s15 =	sadd.s32 s0, s6;
	(pc) =	sbr.rel .LBB2_1-.Ltmp0, $4  }
0x1b: {  	s0 =	simm.s32 $0x2880;
	[dreg:$0xf] =	wrdreg s1;
	s1 =	sshrl.u32 s24, $0x3  }
0x1c: {  	s26 =	sadd.s32 s7, s6;
	s24 =	simm.s32 $0xA;
	s7 =	simm.s32 $0x6  }
0x1d: {  	s1 =	sadd.s32 s1, s6;
	[dreg:$0x12] =	wrdreg s26;
	s26 =	simm.s32 $0x10  }
0x1e: {  	v0 =	vimm.f32 $0.0e+00;
	s6 =	simm.s32 $0x3;
	[dreg:$0x11] =	wrdreg s1;
	s1 =	simm.s32 $0x1  }
.LBB2_6:
0x1f: {  	_ =	swait.ge [sflag:s8], $0x3400  }
0x20: {  	[sflag:s8] =	ssyncset.done $0x0  }
0x21: {  	[sflag:s8] =	ssyncadd.s32 $0xFFFFCC00  }
0x22: {  	_ =	swait.ge [sflag:s9], $0x3400  }
0x23: {  	[sflag:s9] =	ssyncset.done $0x0  }
0x24: {  	[sflag:s9] =	ssyncadd.s32 $0xFFFFCC00  }
0x25: {  	_ =	swait.ge [sflag:s10], $0x3400  }
0x26: {  	[sflag:s10] =	ssyncset.done $0x0  }
0x27: {  	s12 =	stileid.u32;
	[sflag:s10] =	ssyncadd.s32 $0xFFFFCC00  }
0x28: {  	s12 =	sshll.u32 s12, $0x6;
	[bflag:$0x0] =	sbarrier.arrive $0xFFFF  }
0x29: {  	s14 =	sshrl.u32 s5, $0x3;
	s12 =	sor.u32 $0x1C0A, s12;
	s16 =	rddreg [dreg:$0xe]  }
0x2a: {  	[hbm:s16], [sflag:s12] =	dma.local [spmem:s14], $0x2700  }
0x2b: {  	_ =	swait.ge [sflag:s24], $0x2700  }
0x2c: {  	[sflag:s24] =	ssyncset.done $0x0  }
0x2d: {  	s14 =	sshrl.u32 @!p0 s11, $0x3;
	s16 =	rddreg [dreg:$0xf];
	[sflag:s24] =	ssyncadd.s32 $0xFFFFD900  }
0x2e: {  	[hbm:s16], [sflag:s12] =	dma.local @!p0 [spmem:s14], $0x100  }
0x2f: {  	s12 =	simm.s32 @!p0 $0xA  }
0x30: {  	_ =	swait.ge @!p0 [sflag:s12], $0x100  }
0x31: {  	s13 =	sadd.s32 $0x1, s13;
	s25 =	rddreg [dreg:$0x10]  }
0x32: {  	p1 =	sne.s32 s13, s25  }
.Ltmp1:
0x33: {  	_ = 	snop;
	(pc) =	sbr.rel @!p1 .LBB2_7-.Ltmp1, $3  }
0x34: {  	_ =	sdelay $0x1  }
0x35: {  	[sflag:s12] =	ssyncset.done @!p0 $0x0  }
0x36: {  	[sflag:s12] =	ssyncadd.s32 @!p0 $0xFFFFFF00  }
.LBB2_1:
0x37: {  	s14 =	simm.s32 $0x0;
	s20 =	simm.s32 $0x200  }
.LBB2_2:
0x38: {  	p1 =	sne.s32 s20, $0xCE00;
	[tilespmem:s14+$0x2970] =	vst v0  }
0x39: {  	[tilespmem:s14+$0x2900] =	vst v0  }
0x3a: {  	[tilespmem:s14+$0x2910] =	vst v0  }
.Ltmp2:
0x3b: {  	[tilespmem:s14+$0x2920] =	vst v0;
	(pc) =	sbr.rel @p1 .LBB2_2-.Ltmp2, $4  }
0x3c: {  	[tilespmem:s14+$0x2930] =	vst v0  }
0x3d: {  	[tilespmem:s14+$0x2940] =	vst v0  }
0x3e: {  	[tilespmem:s14+$0x2950] =	vst v0  }
0x3f: {  	[tilespmem:s14+$0x2960] =	vst v0;
	s14 =	sshra.s32 s20, $0x2;
	s20 =	sadd.s32 $0x200, s20  }
0x40: {  	[tilespmem:s14+$0x2970] =	vst v0  }
0x41: {  	[tilespmem:s14+$0x2900] =	vst v0  }
0x42: {  	[tilespmem:s14+$0x2910] =	vst v0  }
0x43: {  	[tilespmem:s14+$0x2920] =	vst v0  }
0x44: {  	[tilespmem:s14+$0x2930] =	vst v0  }
0x45: {  	[tilespmem:s14+$0x2940] =	vst v0  }
0x46: {  	[tilespmem:s14+$0x2950] =	vst v0  }
0x47: {  	[tilespmem:s14+$0x2960] =	vst v0  }
0x48: {  	[spmem:s5] =	stream.linear.scatter [tilespmem:s23], [sflag:$0xA], $0x3400, $0x38;
	[tilespmem:$0x1FE00] =	vst v63  }
0x49: {  	_ =	swait.ge [sflag:s24], $0x3400  }
0x4a: {  	[sflag:s24] =	ssyncset.done $0x0  }
0x4b: {  	s12 =	rddreg [dreg:$0x4];
	[sflag:s24] =	ssyncadd.s32 $0xFFFFCC00  }
0x4c: {  	[spmem:s12] =	stream.linear.scatter [tilespmem:s23], [sflag:$0xA], $0x3400, $0x38;
	[tilespmem:$0x1FE00] =	vst v63  }
0x4d: {  	_ =	swait.ge [sflag:s24], $0x3400  }
0x4e: {  	[sflag:s24] =	ssyncset.done $0x0  }
0x4f: {  	s18 =	rddreg [dreg:$0x5];
	[sflag:s24] =	ssyncadd.s32 $0xFFFFCC00  }
0x50: {  	[spmem:s18] =	stream.linear.scatter [tilespmem:s23], [sflag:$0xA], $0x3400, $0x38;
	[tilespmem:$0x1FE00] =	vst v63  }
0x51: {  	_ =	swait.ge [sflag:s24], $0x3400  }
0x52: {  	[sflag:s24] =	ssyncset.done $0x0  }
0x53: {  	s19 =	rddreg [dreg:$0x6];
	[sflag:s24] =	ssyncadd.s32 $0xFFFFCC00  }
0x54: {  	[spmem:s19] =	stream.linear.scatter [tilespmem:s23], [sflag:$0xA], $0x3400, $0x38;
	[tilespmem:$0x1FE00] =	vst v63  }
0x55: {  	_ =	swait.ge [sflag:s24], $0x3400  }
0x56: {  	[sflag:s24] =	ssyncset.done $0x0  }
0x57: {  	s20 =	rddreg [dreg:$0x7];
	[sflag:s24] =	ssyncadd.s32 $0xFFFFCC00  }
0x58: {  	[spmem:s20] =	stream.linear.scatter [tilespmem:s23], [sflag:$0xA], $0x3400, $0x38;
	[tilespmem:$0x1FE00] =	vst v63  }
0x59: {  	_ =	swait.ge [sflag:s24], $0x3400  }
0x5a: {  	[sflag:s24] =	ssyncset.done $0x0  }
0x5b: {  	s21 =	rddreg [dreg:$0x8];
	[sflag:s24] =	ssyncadd.s32 $0xFFFFCC00  }
0x5c: {  	[spmem:s21] =	stream.linear.scatter [tilespmem:s23], [sflag:$0xA], $0x3400, $0x38;
	[tilespmem:$0x1FE00] =	vst v63  }
0x5d: {  	_ =	swait.ge [sflag:s24], $0x3400  }
0x5e: {  	[sflag:s24] =	ssyncset.done $0x0  }
0x5f: {  	s14 =	simm.s32 @!p0 $0x2900;
	[sflag:s24] =	ssyncadd.s32 $0xFFFFCC00  }
0x60: {  	[spmem:s11] =	stream.linear.scatter @!p0 [tilespmem:s14], [sflag:$0xA], $0x800, $0x38;
	[tilespmem:$0x1FE00] =	vst v63  }
0x61: {  	s14 =	simm.s32 @!p0 $0xA  }
0x62: {  	_ =	swait.ge @!p0 [sflag:s14], $0x800  }
0x63: {  	[sflag:s14] =	ssyncset.done @!p0 $0x0  }
0x64: {  	[sflag:s14] =	ssyncadd.s32 @!p0 $0xFFFFF800  }
0x65: {  	[bflag:$0x0] =	sbarrier.arrive $0xFFFF  }
0x66: {  	s14 =	simm.s32 $0x0;
	s22 =	rddreg [dreg:$0xa]  }
0x67: {  	[tilespmem:s14], [sflag:$0xA] =	stream.linear.gather [hbm4b:s22+s14], $0x2710, $0x38;
	[tilespmem:$0x1FE00] =	vst v63  }
0x68: {  	_ =	swait.ge [sflag:s24], $0x2710  }
0x69: {  	[sflag:s24] =	ssyncset.done $0x0  }
0x6a: {  	s16 =	simm.s32 $0xC500;
	s25 =	rddreg [dreg:$0x9];
	[sflag:s24] =	ssyncadd.s32 $0xFFFFD8F0  }
0x6b: {  	[tilespmem:s16], [sflag:$0xA] =	stream.linear.gather [hbm4b:s25+s14], $0x10, $0x38;
	[tilespmem:$0x1FE00] =	vst v63  }
0x6c: {  	_ =	swait.ge [sflag:s24], $0x10  }
0x6d: {  	[sflag:s24] =	ssyncset.done $0x0  }
0x6e: {  	[sflag:s24] =	ssyncadd.s32 $0xFFFFFFF0  }
0x6f: {  	[tilespmem:s23], [sflag:$0xA] =	stream.indirect.gather [hbm4b:s4+s26], $0x80, s14, s26, $0xb8;
	[tilespmem:$0x1FE00] =	vst v63  }
0x70: {  	_ =	swait.ge [sflag:s24], $0x800  }
0x71: {  	[sflag:s24] =	ssyncset.done $0x0  }
0x72: {  	[sflag:s24] =	ssyncadd.s32 $0xFFFFF800  }
0x73: {  	[spmem:s2] =	stream.indirect.scatter.add.f32 [tilespmem:s23], [sflag:$0xA], $0x80, s16, s26, $0xb8;
	[tilespmem:$0x1FE00] =	vst v63  }
0x74: {  	_ =	swait.ge [sflag:s24], $0x800  }
0x75: {  	[sflag:s24] =	ssyncset.done $0x0  }
0x76: {  	s17 =	rddreg [dreg:$0xb];
	[sflag:s24] =	ssyncadd.s32 $0xFFFFF800  }
0x77: {  	[tilespmem:s28], [sflag:$0x4] =	stream.linear.gather [hbm4b:s17+s14], $0x68, $0x38;
	[tilespmem:$0x1FE00] =	vst v63  }
0x78: {  	_ = 	snop  }
0x79: {  	[tilespmem:s23], [sflag:$0x1] =	stream.indirect.gather [hbm4b:s4+s29], $0x80, s26, s29, $0xb8;
	[tilespmem:$0x1FE00] =	vst v63  }
0x7a: {  	s19 =	simm.s32 $0x2800;
	s18 =	rddreg [dreg:$0xc]  }
0x7b: {  	[tilespmem:s19], [sflag:$0x5] =	stream.linear.gather [hbm4b:s18+s14], $0x68, $0x38;
	[tilespmem:$0x1FE00] =	vst v63  }
0x7c: {  	s20 =	simm.s32 $0x78;
	s21 =	simm.s32 $0x5D00;
	s22 =	rddreg [dreg:$0xd]  }
0x7d: {  	[tilespmem:s21], [sflag:$0x2] =	stream.indirect.gather [hbm4b:s4+s29], $0x80, s20, s29, $0xb8;
	[tilespmem:$0x1FE00] =	vst v63  }
0x7e: {  	s21 =	rddreg [dreg:$0x12]  }
0x7f: {  	[tilespmem:s0], [sflag:$0x6] =	stream.linear.gather [hbm4b:s22+s14], $0x68, $0x38;
	[tilespmem:$0x1FE00] =	vst v63  }
0x80: {  	s25 =	simm.s32 $0xE0;
	s20 =	rddreg [dreg:$0x11];
	s22 =	smov.u32 s15  }
0x81: {  	[tilespmem:s31], [sflag:$0x3] =	stream.indirect.gather [hbm4b:s4+s29], $0x80, s25, s29, $0xb8;
	[tilespmem:$0x1FE00] =	vst v63  }
.LBB2_4:
0x82: {  	_ =	swait.ge [sflag:s1], $0x3400  }
0x83: {  	[sflag:s1] =	ssyncset.done $0x0  }
0x84: {  	[sflag:s1] =	ssyncadd.s32 $0xFFFFCC00  }
0x85: {  	_ =	swait.ge [sflag:s30], $0x68  }
0x86: {  	p1 =	seq.s32 s14, $0x9720;
	[sflag:s30] =	ssyncset.done $0x0  }
0x87: {  	s18 =	simm.s32 @p1 $0x2;
	[sflag:s30] =	ssyncadd.s32 $0xFFFFFF98  }
0x88: {  	[spmem:s2] =	stream.indirect.scatter.add.f32 [tilespmem:s23], [sflag:$0x7], $0x80, s28, s29, $0xb8;
	[tilespmem:$0x1FE00] =	vst v63  }
0x89: {  	_ =	swait.ge @p1 [sflag:s18], $0x3400  }
0x8a: {  	[sflag:s18] =	ssyncset.done @p1 $0x0  }
0x8b: {  	[sflag:s18] =	ssyncadd.s32 @p1 $0xFFFFCC00;
	s18 =	simm.s32 @p1 $0x5  }
0x8c: {  	_ =	swait.ge @p1 [sflag:s18], $0x68  }
0x8d: {  	s12 =	simm.s32 @p1 $0x2800;
	[sflag:s18] =	ssyncset.done @p1 $0x0  }
0x8e: {  	s19 =	simm.s32 @p1 $0x5D00;
	[sflag:s18] =	ssyncadd.s32 @p1 $0xFFFFFF98;
	s18 =	simm.s32 @p1 $0x68  }
0x8f: {  	[spmem:s2] =	stream.indirect.scatter.add.f32 @p1 [tilespmem:s19], [sflag:$0x8], $0x80, s12, s18, $0xb8;
	[tilespmem:$0x1FE00] =	vst v63  }
0x90: {  	s12 =	simm.s32 @!p1 $0x7  }
0x91: {  	_ =	swait.ge @!p1 [sflag:s12], $0x3400  }
0x92: {  	[sflag:s12] =	ssyncset.done @!p1 $0x0  }
0x93: {  	s18 =	simm.s32 @!p1 $0x2780;
	[sflag:s12] =	ssyncadd.s32 @!p1 $0xFFFFCC00;
	s12 =	simm.s32 @!p1 $0x0  }
0x94: {  	[tilespmem:s18], [sflag:$0x4] =	stream.linear.gather @!p1 [hbm4b:s22+s12], $0x68, $0x38;
	[tilespmem:$0x1FE00] =	vst v63  }
0x95: {  	s18 =	sshra.s32 @!p1 s14, $0x2  }
0x96: {  	s25 =	simm.s32 @!p1 $0x68;
	s17 =	simm.s32 @!p1 $0x2900;
	s19 =	sadd.s32 @!p1 $0x148, s18  }
0x97: {  	[tilespmem:s17], [sflag:$0x1] =	stream.indirect.gather @!p1 [hbm4b:s4+s25], $0x80, s19, s25, $0xb8;
	[tilespmem:$0x1FE00] =	vst v63  }
0x98: {  	s17 =	simm.s32 @!p1 $0x2  }
0x99: {  	_ =	swait.ge @!p1 [sflag:s17], $0x3400  }
0x9a: {  	[sflag:s17] =	ssyncset.done @!p1 $0x0  }
0x9b: {  	[sflag:s17] =	ssyncadd.s32 @!p1 $0xFFFFCC00;
	s17 =	simm.s32 @!p1 $0x5  }
0x9c: {  	_ =	swait.ge @!p1 [sflag:s17], $0x68  }
0x9d: {  	s16 =	simm.s32 @!p1 $0x8;
	[sflag:s17] =	ssyncset.done @!p1 $0x0  }
0x9e: {  	s19 =	simm.s32 @!p1 $0x5D00;
	[sflag:s17] =	ssyncadd.s32 @!p1 $0xFFFFFF98;
	s17 =	simm.s32 @!p1 $0x2800  }
0x9f: {  	[spmem:s2] =	stream.indirect.scatter.add.f32 @!p1 [tilespmem:s19], [sflag:$0x8], $0x80, s17, s25, $0xb8;
	[tilespmem:$0x1FE00] =	vst v63  }
0xa0: {  	_ =	swait.ge @!p1 [sflag:s16], $0x3400  }
0xa1: {  	[sflag:s16] =	ssyncset.done @!p1 $0x0  }
0xa2: {  	[sflag:s16] =	ssyncadd.s32 @!p1 $0xFFFFCC00  }
0xa3: {  	[tilespmem:s17], [sflag:$0x5] =	stream.linear.gather @!p1 [hbm4b:s21+s12], $0x68, $0x38;
	[tilespmem:$0x1FE00] =	vst v63  }
0xa4: {  	s12 =	sadd.s32 @!p1 $0x1B0, s18  }
0xa5: {  	[tilespmem:s19], [sflag:$0x2] =	stream.indirect.gather @!p1 [hbm4b:s4+s25], $0x80, s12, s25, $0xb8;
	[tilespmem:$0x1FE00] =	vst v63  }
0xa6: {  	_ =	swait.ge [sflag:s6], $0x3400  }
0xa7: {  	[sflag:s6] =	ssyncset.done $0x0  }
.Ltmp3:
0xa8: {  	[sflag:s6] =	ssyncadd.s32 $0xFFFFCC00;
	(pc) =	sbr.rel @p1 .LBB2_6-.Ltmp3, $4  }
0xa9: {  	_ =	swait.ge [sflag:s7], $0x68  }
0xaa: {  	[sflag:s7] =	ssyncset.done $0x0  }
0xab: {  	[sflag:s7] =	ssyncadd.s32 $0xFFFFFF98  }
0xac: {  	[spmem:s2] =	stream.indirect.scatter.add.f32 [tilespmem:s31], [sflag:$0x9], $0x80, s0, s29, $0xb8;
	[tilespmem:$0x1FE00] =	vst v63  }
0xad: {  	_ =	swait.ge [sflag:s10], $0x3400  }
.Ltmp4:
0xae: {  	s12 =	sshra.s32 s14, $0x2;
	[sflag:s10] =	ssyncset.done $0x0;
	(pc) =	sbr.rel .LBB2_4-.Ltmp4, $4  }
0xaf: {  	s14 =	sadd.s32 $0x4E0, s14;
	s21 =	sadd.s32 $0x27, s21;
	[sflag:s10] =	ssyncadd.s32 $0xFFFFCC00  }
0xb0: {  	[tilespmem:s0], [sflag:$0x6] =	stream.linear.gather [hbm4b:s20+s3], $0x68, $0x38;
	[tilespmem:$0x1FE00] =	vst v63  }
0xb1: {  	s22 =	sadd.s32 $0x27, s22;
	s12 =	sadd.s32 $0x218, s12;
	s20 =	sadd.s32 $0x27, s20  }
0xb2: {  	[tilespmem:s31], [sflag:$0x3] =	stream.indirect.gather [hbm4b:s4+s29], $0x80, s12, s29, $0xb8;
	[tilespmem:$0x1FE00] =	vst v63  }
.LBB2_7:
0xb3: {  	_ =	sfence.sel $0x180000  }
0xb4: {  	[bflag:$0x0] =	sbarrier.arrive $0xFFFF  }
0xb5: {  	_ =	strace $0x9000004A  }
0xb6: {  	s0 =	stileid.u32;
	[bflag:$0x2] =	sbarrier.arrive $0xFFFF  }
0xb7: {  	p0 =	sne.s32 s0, $0x0;
	s0 =	rddreg [dreg:$0x3]  }
0xb8: {  	s0 =	sadd.s32 @!p0 $0x100000, s0  }
0xb9: {  	[sflag:s0] =	ssyncadd.tile.s32 @!p0 $0x1;
	_ =	shalt  }
.Lfunc_end2:
_tile_overlayer_lowered:
.L_overlay_start_2:
0xba: {  	(tag) =	ssettag $0x2  }
0xbb: {  	s0 =	rddreg [dreg:$0x0];
	s2 =	stileid.u32  }
0xbc: {  	s1 =	rddreg [dreg:$0x1];
	p0 =	sne.s32 s2, $0x0  }
0xbd: {  	s3 =	rddreg [dreg:$0x2];
	[bflag:$0x3] =	sbarrier.arrive $0xFFFF;
	s2 =	simm.s32 @!p0 $0x1C0A  }
0xbe: {  	[timem:s3], [sflag:s2] =	dma.local @!p0 [hbm:s0], s1  }
0xbf: {  	s0 =	simm.s32 @!p0 $0xA  }
0xc0: {  	_ =	swait.ge @!p0 [sflag:s0], s1  }
0xc1: {  	s1 =	ssub.s32 @!p0 $0x0, s1;
	[sflag:s0] =	ssyncset.done @!p0 $0x0  }
0xc2: {  	[sflag:s0] =	ssyncadd.s32 @!p0 s1  }
0xc3: {  	[bflag:$0x3] =	sbarrier.arrive $0xFFFF  }
0xc4: {  	_ =	shalt  }

// kernel: kernel.15.cloned.1.call-start
scs
__scs_entry_jumppad:
0x0: {  	(pc) =	sbr.rel $0x88, $3  }
0x1: {  	(tag) =	ssettag $0x0;
	lr =	simm.s32 $0x1  }
0x2: {  	[smem:$0x3F95] =	sst lr;
	_ =	strace $0xD0000000  }
0x3: {  	_ = 	snop  }
0x4: {  	_ = 	snop  }
0x5: {  	_ = 	snop  }
0x6: {  	_ = 	snop  }
0x7: {  	_ = 	snop  }
__scs_overlays_trampoline_lowered:
0x8: {  	[smem:$0x3FA4] =	sst s0  }
0x9: {  	[smem:$0x3FA5] =	sst s1  }
0xa: {  	[smem:$0x3FA6] =	sst s2  }
0xb: {  	[smem:$0x3FA7] =	sst s3  }
0xc: {  	[smem:$0x3FA8] =	sst s4  }
0xd: {  	[smem:$0x3FA9] =	sst s5  }
0xe: {  	[smem:$0x3FAA] =	sst s6  }
0xf: {  	[smem:$0x3FAB] =	sst s7  }
0x10: {  	[smem:$0x3FAC] =	sst s8  }
0x11: {  	[smem:$0x3FAD] =	sst s9;
	s0 =	simm.s32 @!p0 $0x0  }
0x12: {  	s1 =	sld [smem:$0x3F93];
	s0 =	simm.s32 @p0 $0x1  }
0x13: {  	[smem:$0x3FAE] =	sst s0;
	s0 =	simm.s32 @!p1 $0x0  }
0x14: {  	s2 =	sld [smem:$0x3F92];
	s0 =	simm.s32 @p1 $0x1  }
0x15: {  	[smem:$0x3FAF] =	sst s0;
	s0 =	simm.s32 @!p2 $0x0  }
0x16: {  	s3 =	sld [smem:$0x3FDB];
	s0 =	simm.s32 @p2 $0x1  }
0x17: {  	s4 =	simm.s32 $0x1BF5;
	[smem:$0x3FB1] =	sst s0  }
0x18: {  	s0 =	sld [smem:$0x3F94];
	_ =	swait.ge [sflag:s4], $0x0  }
0x19: {  	s7 =	sld [smem:$0x3F95]  }
0x1a: {  	s8 =	sadd.s32 $0xFFFFE003, lr  }
0x1b: {  	s9 =	sadd.s32 $0xFFFFFEF7, lr;
	s5 =	simm.s32 $0xFFFFFFFF;
	p2 =	slt.u32 s8, $0xFFFFF086  }
0x1c: {  	p1 =	slt.u32 s9, $0xF7A;
	s5 =	simm.s32 @!p2 $0x0  }
0x1d: {  	s5 =	simm.s32 @p1 $0x1;
	p0 =	seq.s32 s7, s2  }
0x1e: {  	s7 =	smul.u32 @!p0 $0xF7A, s2;
	p2 =	seq.s32 @!p0 s5, $0x0  }
0x1f: {  	s9 =	smul.u32 $0xF7A, s1;
	s8 =	simm.s32 @!p0 $0x1BF5;
	p2 =	por !p2, p0  }
0x20: {  	[sflag:s8] =	ssyncset.s32 @!p0 $0xFFFFF086;
	s6 =	sadd.s32 @!p0 s3, s7;
	s7 =	simm.s32 @!p0 $0x108  }
0x21: {  	s3 =	sadd.s32 s3, s9;
	s6 =	sadd.s32 @!p0 $0x88, s6;
	s7 =	simm.s32 @p2 $0x1082  }
0x22: {  	[simem:s7], [sflag:s8] =	dma.local @!p0 [hbm:s6], $0xF7A  }
0x23: {  	s9 =	sor.u32 $0xD0000000, s2;
	s6 =	simm.s32 $0x108;
	_ =	swait.ge @!p0 [sflag:s8], $0x0  }
0x24: {  	s3 =	sadd.s32 $0x88, s3;
	s6 =	simm.s32 @!p1 $0x1082;
	[sflag:s4] =	ssyncset.s32 $0xFFFFF086  }
0x25: {  	[simem:s6], [sflag:s4] =	dma.local [hbm:s3], $0xF7A  }
0x26: {  	[smem:$0x3F95] =	sst s1;
	(tag) =	ssettag s2;
	_ =	strace s9  }
0x27: {  	s1 =	sld [smem:$0x3FA5]  }
0x28: {  	s2 =	sld [smem:$0x3FA6]  }
0x29: {  	s4 =	sld [smem:$0x3FA8]  }
0x2a: {  	p0 =	seq.s32 s5, $0x0;
	s5 =	sld [smem:$0x3FA9]  }
0x2b: {  	s6 =	sld [smem:$0x3FAA]  }
0x2c: {  	s7 =	sld [smem:$0x3FAB]  }
0x2d: {  	s3 =	simm.s32 $0x108;
	s8 =	sld [smem:$0x3FAC]  }
0x2e: {  	s3 =	simm.s32 @!p0 $0x1082;
	s9 =	sld [smem:$0x3FAD]  }
0x2f: {  	lr =	sadd.s32 s0, s3;
	s0 =	sld [smem:$0x3FA4]  }
0x30: {  	s3 =	sld [smem:$0x3FA7]  }
0x31: {  	[smem:$0x3FB0] =	sst s10  }
0x32: {  	s10 =	sld [smem:$0x3FAE];
	_ =	sdelay $0x3  }
0x33: {  	p0 =	seq.s32 s10, $0x1;
	s10 =	sld [smem:$0x3FB0];
	_ =	sdelay $0x3  }
0x34: {  	[smem:$0x3FB0] =	sst s10  }
0x35: {  	s10 =	sld [smem:$0x3FAF];
	_ =	sdelay $0x3  }
0x36: {  	p1 =	seq.s32 s10, $0x1;
	s10 =	sld [smem:$0x3FB0];
	_ =	sdelay $0x3  }
0x37: {  	[smem:$0x3FB0] =	sst s10  }
0x38: {  	s10 =	sld [smem:$0x3FB1]  }
0x39: {  	_ = 	snop;
	(pc) =	sbr.ind lr, $3  }
0x3a: {  	_ = 	snop  }
0x3b: {  	_ = 	snop  }
0x3c: {  	p2 =	seq.s32 s10, $0x1;
	s10 =	sld [smem:$0x3FB0]  }
0x3d: {  	_ =	shalt  }
0x3e: {  	_ =	shalt  }
0x3f: {  	_ =	shalt  }
0x40: {  	_ =	shalt  }
0x41: {  	_ =	shalt  }
0x42: {  	_ =	shalt  }
0x43: {  	_ =	shalt  }
0x44: {  	_ =	shalt  }
0x45: {  	_ =	shalt  }
0x46: {  	_ =	shalt  }
0x47: {  	_ =	shalt  }
0x48: {  	_ =	shalt  }
0x49: {  	_ =	shalt  }
0x4a: {  	_ =	shalt  }
0x4b: {  	_ =	shalt  }
0x4c: {  	_ =	shalt  }
0x4d: {  	_ =	shalt  }
0x4e: {  	_ =	shalt  }
0x4f: {  	_ =	shalt  }
0x50: {  	_ =	shalt  }
0x51: {  	_ =	shalt  }
0x52: {  	_ =	shalt  }
0x53: {  	_ =	shalt  }
0x54: {  	_ =	shalt  }
0x55: {  	_ =	shalt  }
0x56: {  	_ =	shalt  }
0x57: {  	_ =	shalt  }
0x58: {  	_ =	shalt  }
0x59: {  	_ =	shalt  }
0x5a: {  	_ =	shalt  }
0x5b: {  	_ =	shalt  }
0x5c: {  	_ =	shalt  }
0x5d: {  	_ =	shalt  }
0x5e: {  	_ =	shalt  }
0x5f: {  	_ =	shalt  }
0x60: {  	_ =	shalt  }
0x61: {  	_ =	shalt  }
0x62: {  	_ =	shalt  }
0x63: {  	_ =	shalt  }
0x64: {  	_ =	shalt  }
0x65: {  	_ =	shalt  }
0x66: {  	_ =	shalt  }
0x67: {  	_ =	shalt  }
0x68: {  	_ =	shalt  }
0x69: {  	_ =	shalt  }
0x6a: {  	_ =	shalt  }
0x6b: {  	_ =	shalt  }
0x6c: {  	_ =	shalt  }
0x6d: {  	_ =	shalt  }
0x6e: {  	_ =	shalt  }
0x6f: {  	_ =	shalt  }
0x70: {  	_ =	shalt  }
0x71: {  	_ =	shalt  }
0x72: {  	_ =	shalt  }
0x73: {  	_ =	shalt  }
0x74: {  	_ =	shalt  }
0x75: {  	_ =	shalt  }
0x76: {  	_ =	shalt  }
0x77: {  	_ =	shalt  }
0x78: {  	_ =	shalt  }
0x79: {  	_ =	shalt  }
0x7a: {  	_ =	shalt  }
0x7b: {  	_ =	shalt  }
0x7c: {  	_ =	shalt  }
0x7d: {  	_ =	shalt  }
0x7e: {  	_ =	shalt  }
0x7f: {  	_ =	shalt  }
0x80: {  	_ =	shalt  }
0x81: {  	_ =	shalt  }
0x82: {  	_ =	shalt  }
0x83: {  	_ =	shalt  }
0x84: {  	_ =	shalt  }
0x85: {  	_ =	shalt  }
0x86: {  	_ =	shalt  }
0x87: {  	_ =	shalt  }
.Lfunc_end0:
.L_simem_size_0:
called_computation.2_lowered:
.L_overlay_start_0:
0x88: {  	s2 =	sld [smem:$0x3FD9]  }
0x89: {  	s3 =	sld [smem:$0x3FFE];
	_ =	sdelay $0x1  }
0x8a: {  	s1 =	srdreg.scid  }
0x8b: {  	s0 =	sand.u32 $0x1, s1  }
0x8c: {  	s17 =	sshll.u32 s0, $0xA;
	s2 =	sadd.s32 s3, s2  }
0x8d: {  	s2 =	sadd.s32 s2, s17  }
0x8e: {  	[smem:$0x3FBC] =	sst s2  }
0x8f: {  	_ = 	snop  }
0x90: {  	s2 =	sld [smem:$0x3FD0];
	(tm) =	ssettm $0x1  }
0x91: {  	s18 =	sld [smem:$0x3FFB];
	_ =	sdelay $0x3  }
0x92: {  	_ =	strace s18  }
0x93: {  	s3 =	sld [smem:$0x3FFC];
	_ =	sdelay $0x3  }
0x94: {  	_ =	strace s3  }
0x95: {  	s3 =	sld [smem:$0x3FFD];
	_ =	sdelay $0x3  }
0x96: {  	_ =	strace s3  }
0x97: {  	_ =	strace $0x8FFFFFFF  }
0x98: {  	s19 =	sld [smem:$0x3FDB];
	_ =	sdelay $0x1  }
0x99: {  	s4 =	simm.s32 $_scs_section_size  }
0x9a: {  	s5 =	simm.s32 $_size__tile_overlayer_lowered;
	s6 =	simm.s32 $_tile_overlayer_lowered  }
0x9b: {  	s22 =	simm.s32 $0x1BFF;
	s21 =	sshll.u32 s6, $0x1;
	s3 =	sadd.s32 s4, s19  }
0x9c: {  	s7 =	simm.s32 $0x0;
	s20 =	sshll.u32 s5, $0x1;
	s5 =	sadd.s32 s21, s3  }
0x9d: {  	[timem:s7], [sflag:s22] =	dma.local [hbm:s5], s20  }
0x9e: {  	_ =	swait.ge [sflag:s22], s20  }
0x9f: {  	s4 =	ssub.s32 $0x0, s20;
	[sflag:s22] =	ssyncset.done $0x0  }
0xa0: {  	[sflag:s22] =	ssyncadd.s32 s4;
	_ =	sdelay $0x1  }
0xa1: {  	s23 =	simm.s32 $0x1B8B  }
0xa2: {  	_ =	swait.ge [sflag:s23], $0x1  }
0xa3: {  	[sflag:s23] =	ssyncset.done $0x0  }
0xa4: {  	s25 =	simm.s32 $0x1B8E;
	s24 =	sld [smem:$0x3FFE];
	[sflag:s23] =	ssyncadd.s32 $0xFFFFFFFF  }
0xa5: {  	s26 =	simm.s32 $execute0_lowered;
	[smem:$0x3FD2] =	sst s25  }
0xa6: {  	s5 =	sshll.u32 s26, $0x1;
	_ =	strace $0x8000004C;
	[dreg:$0x1] =	wrdreg $0xFFFFFFFF  }
0xa7: {  	s28 =	simm.s32 $_size_execute0_lowered;
	s3 =	sadd.s32 s3, s5;
	[dreg:$0x0] =	wrdreg $0x0  }
0xa8: {  	s5 =	sshll.u32 s28, $0x1;
	[dreg:$0x2] =	wrdreg s3  }
0xa9: {  	[dreg:$0x3] =	wrdreg s5  }
0xaa: {  	[dreg:$0x4] =	wrdreg $0xC0  }
0xab: {  	_ =	task [dreg:s7], $0x5FFFF  }
0xac: {  	[dreg:$0x1] =	wrdreg $0xFFFFFFFF  }
0xad: {  	[dreg:$0x0] =	wrdreg $0x60  }
0xae: {  	[dreg:$0x2] =	wrdreg s24  }
0xaf: {  	[dreg:$0x3] =	wrdreg s2  }
0xb0: {  	[dreg:$0x4] =	wrdreg $0xC5800  }
0xb1: {  	[dreg:$0x5] =	wrdreg $0x9  }
0xb2: {  	_ =	task.clear_ibuf [dreg:s7], $0x6FFFF;
	_ =	strace $0x9000004C  }
0xb3: {  	s29 =	simm.s32 $0x9;
	_ =	strace $0x8000004E  }
0xb4: {  	_ =	swait.ge [sflag:s29], $0x1  }
0xb5: {  	[sflag:s29] =	ssyncadd.s32 $0xFFFFFFFF  }
0xb6: {  	_ =	strace $0x9000004E  }
0xb7: {  	_ =	sfence  }
0xb8: {  	s30 =	sld [smem:$0x0];
	_ =	sdelay $0x2  }
0xb9: {  	s31 =	sshll.u32 s1, $0xD;
	s1 =	sshrl.u32 s1, $0x2  }
0xba: {  	s3 =	sand.u32 $0x4000, s31;
	s1 =	sadd.s32 s1, s30  }
0xbb: {  	s0 =	sor.u32 s3, s0;
	s1 =	sshll.u32 s1, $0x11  }
0xbc: {  	s0 =	sor.u32 s1, s0  }
0xbd: {  	s0 =	sadd.s32 $0x8F2B, s0  }
0xbe: {  	[sflag:s0] =	ssyncadd.remote.s32 $0x1  }
0xbf: {  	_ =	sfence.sel $0xFFFF  }
0xc0: {  	[dreg:$0x0] =	wrdreg $0xFFFFFFFF;
	(pc) =	sbr.abs _section_cstart, $3  }
0xc1: {  	[dreg:$0x1] =	wrdreg $0xFFFFFFFF  }
0xc2: {  	_ =	task.clear_ibuf [dreg:s7], $0x2FFFF;
	_ =	strace $0x9FFFFFFF  }
0xc3: {  	(tm) =	ssettm $0x7FFFFFFF  }
tec
execute0_lowered:
.L_overlay_start_1:
0x0: {  	(tag) =	ssettag $0x1  }
0x1: {  	s0 =	srdreg.scid;
	s1 =	rddreg [dreg:$0x0]  }
0x2: {  	s6 =	rddreg [dreg:$0x1];
	s12 =	stileid.u32  }
0x3: {  	s2 =	rddreg [dreg:$0x2];
	s28 =	simm.s32 $0x2780;
	s5 =	smul.u32 $0x4E000, s12  }
0x4: {  	s29 =	simm.s32 $0x68;
	s31 =	simm.s32 $0x9100;
	s17 =	smul.u32 $0x13800, s12  }
0x5: {  	s30 =	simm.s32 $0x4;
	s0 =	sand.u32 $0x1, s0;
	s21 =	smul.u32 $0x2710, s12  }
0x6: {  	p0 =	sne.s32 s12, $0xF;
	s3 =	sshll.u32 s0, $0x4;
	s9 =	ssub.s32 $0x2, s0  }
0x7: {  	s4 =	sor.u32 s12, s3;
	s3 =	simm.s32 $0x0;
	s5 =	sshrl.u32 s5, $0x2  }
0x8: {  	s11 =	sshrl.u32 s9, $0x1;
	s7 =	smul.u32 $0x2710, s4;
	[smem:$0x7FF] =	sst s3  }
0x9: {  	s4 =	sadd.s32 $0x2800, s1;
	s5 =	sadd.s32 s5, s2;
	s9 =	ssub.s32 s9, s11  }
0xa: {  	s11 =	sadd.s32 $0x138000, s2;
	_ =	strace $0x8000004D;
	s26 =	sadd.s32 $0x3400, s5  }
0xb: {  	s13 =	sadd.s32 $0x6800, s5;
	s14 =	sadd.s32 $0x9C00, s5;
	[dreg:$0x4] =	wrdreg s26  }
0xc: {  	s15 =	sadd.s32 $0xD000, s5;
	s16 =	sadd.s32 $0x10400, s5;
	[dreg:$0x5] =	wrdreg s13  }
0xd: {  	s23 =	smax.u32 s9, $0x1;
	s9 =	simm.s32 $0x8;
	[dreg:$0x6] =	wrdreg s14  }
0xe: {  	s8 =	sshrl.u32 s7, $0x3;
	[dreg:$0x7] =	wrdreg s15;
	s13 =	smul.u32 $0x138800, s0  }
0xf: {  	[dreg:$0x8] =	wrdreg s16;
	s7 =	sadd.s32 $0x78, s7;
	s0 =	smul.u32 $0x27100, s0  }
0x10: {  	[dreg:$0x10] =	wrdreg s23;
	s23 =	simm.s32 $0x2900;
	s10 =	sadd.s32 s8, s1  }
0x11: {  	s1 =	sadd.s32 $0x144E00, s1;
	s14 =	sadd.s32 s6, s8;
	s7 =	sshrl.u32 s7, $0x3  }
0x12: {  	s8 =	simm.s32 $0x7;
	s10 =	sadd.s32 $0x13B000, s10;
	[dreg:$0x9] =	wrdreg s14  }
0x13: {  	s18 =	sadd.s32 $0x2, s14;
	s7 =	sadd.s32 s6, s7;
	[dreg:$0xa] =	wrdreg s10  }
0x14: {  	s19 =	sadd.s32 s17, s13;
	s20 =	sshrl.u32 s13, $0x3;
	[dreg:$0xb] =	wrdreg s18  }
0x15: {  	s22 =	sadd.s32 $0x1C, s14;
	s0 =	sadd.s32 s21, s0;
	[dreg:$0xc] =	wrdreg s7  }
0x16: {  	s13 =	simm.s32 $0x0;
	s7 =	sshrl.u32 s19, $0x3;
	[dreg:$0xd] =	wrdreg s22  }
0x17: {  	s24 =	sadd.s32 $0x218, s0;
	s25 =	sadd.s32 $0x1B0, s0;
	s0 =	sadd.s32 $0x148, s0  }
0x18: {  	s10 =	simm.s32 $0x9;
	s7 =	sadd.s32 s1, s7;
	s1 =	sadd.s32 s1, s20  }
0x19: {  	s0 =	sshrl.u32 s0, $0x3;
	[dreg:$0xe] =	wrdreg s7;
	s1 =	sadd.s32 $0x27000, s1  }
.Ltmp0:
0x1a: {  	s7 =	sshrl.u32 s25, $0x3;
	s15 =	sadd.s32 s0, s6;
	(pc) =	sbr.rel .LBB2_1-.Ltmp0, $4  }
0x1b: {  	s0 =	simm.s32 $0x2880;
	[dreg:$0xf] =	wrdreg s1;
	s1 =	sshrl.u32 s24, $0x3  }
0x1c: {  	s26 =	sadd.s32 s7, s6;
	s24 =	simm.s32 $0xA;
	s7 =	simm.s32 $0x6  }
0x1d: {  	s1 =	sadd.s32 s1, s6;
	[dreg:$0x12] =	wrdreg s26;
	s26 =	simm.s32 $0x10  }
0x1e: {  	v0 =	vimm.f32 $0.0e+00;
	s6 =	simm.s32 $0x3;
	[dreg:$0x11] =	wrdreg s1;
	s1 =	simm.s32 $0x1  }
.LBB2_6:
0x1f: {  	_ =	swait.ge [sflag:s8], $0x3400  }
0x20: {  	[sflag:s8] =	ssyncset.done $0x0  }
0x21: {  	[sflag:s8] =	ssyncadd.s32 $0xFFFFCC00  }
0x22: {  	_ =	swait.ge [sflag:s9], $0x3400  }
0x23: {  	[sflag:s9] =	ssyncset.done $0x0  }
0x24: {  	[sflag:s9] =	ssyncadd.s32 $0xFFFFCC00  }
0x25: {  	_ =	swait.ge [sflag:s10], $0x3400  }
0x26: {  	[sflag:s10] =	ssyncset.done $0x0  }
0x27: {  	s12 =	stileid.u32;
	[sflag:s10] =	ssyncadd.s32 $0xFFFFCC00  }
0x28: {  	s12 =	sshll.u32 s12, $0x6;
	[bflag:$0x0] =	sbarrier.arrive $0xFFFF  }
0x29: {  	s14 =	sshrl.u32 s5, $0x3;
	s12 =	sor.u32 $0x1C0A, s12;
	s16 =	rddreg [dreg:$0xe]  }
0x2a: {  	[hbm:s16], [sflag:s12] =	dma.local [spmem:s14], $0x2700  }
0x2b: {  	_ =	swait.ge [sflag:s24], $0x2700  }
0x2c: {  	[sflag:s24] =	ssyncset.done $0x0  }
0x2d: {  	s14 =	sshrl.u32 @!p0 s11, $0x3;
	s16 =	rddreg [dreg:$0xf];
	[sflag:s24] =	ssyncadd.s32 $0xFFFFD900  }
0x2e: {  	[hbm:s16], [sflag:s12] =	dma.local @!p0 [spmem:s14], $0x100  }
0x2f: {  	s12 =	simm.s32 @!p0 $0xA  }
0x30: {  	_ =	swait.ge @!p0 [sflag:s12], $0x100  }
0x31: {  	s13 =	sadd.s32 $0x1, s13;
	s25 =	rddreg [dreg:$0x10]  }
0x32: {  	p1 =	sne.s32 s13, s25  }
.Ltmp1:
0x33: {  	_ = 	snop;
	(pc) =	sbr.rel @!p1 .LBB2_7-.Ltmp1, $3  }
0x34: {  	_ =	sdelay $0x1  }
0x35: {  	[sflag:s12] =	ssyncset.done @!p0 $0x0  }
0x36: {  	[sflag:s12] =	ssyncadd.s32 @!p0 $0xFFFFFF00  }
.LBB2_1:
0x37: {  	s14 =	simm.s32 $0x0;
	s20 =	simm.s32 $0x200  }
.LBB2_2:
0x38: {  	p1 =	sne.s32 s20, $0xCE00;
	[tilespmem:s14+$0x2970] =	vst v0  }
0x39: {  	[tilespmem:s14+$0x2900] =	vst v0  }
0x3a: {  	[tilespmem:s14+$0x2910] =	vst v0  }
.Ltmp2:
0x3b: {  	[tilespmem:s14+$0x2920] =	vst v0;
	(pc) =	sbr.rel @p1 .LBB2_2-.Ltmp2, $4  }
0x3c: {  	[tilespmem:s14+$0x2930] =	vst v0  }
0x3d: {  	[tilespmem:s14+$0x2940] =	vst v0  }
0x3e: {  	[tilespmem:s14+$0x2950] =	vst v0  }
0x3f: {  	[tilespmem:s14+$0x2960] =	vst v0;
	s14 =	sshra.s32 s20, $0x2;
	s20 =	sadd.s32 $0x200, s20  }
0x40: {  	[tilespmem:s14+$0x2970] =	vst v0  }
0x41: {  	[tilespmem:s14+$0x2900] =	vst v0  }
0x42: {  	[tilespmem:s14+$0x2910] =	vst v0  }
0x43: {  	[tilespmem:s14+$0x2920] =	vst v0  }
0x44: {  	[tilespmem:s14+$0x2930] =	vst v0  }
0x45: {  	[tilespmem:s14+$0x2940] =	vst v0  }
0x46: {  	[tilespmem:s14+$0x2950] =	vst v0  }
0x47: {  	[tilespmem:s14+$0x2960] =	vst v0  }
0x48: {  	[spmem:s5] =	stream.linear.scatter [tilespmem:s23], [sflag:$0xA], $0x3400, $0x38;
	[tilespmem:$0x1FE00] =	vst v63  }
0x49: {  	_ =	swait.ge [sflag:s24], $0x3400  }
0x4a: {  	[sflag:s24] =	ssyncset.done $0x0  }
0x4b: {  	s12 =	rddreg [dreg:$0x4];
	[sflag:s24] =	ssyncadd.s32 $0xFFFFCC00  }
0x4c: {  	[spmem:s12] =	stream.linear.scatter [tilespmem:s23], [sflag:$0xA], $0x3400, $0x38;
	[tilespmem:$0x1FE00] =	vst v63  }
0x4d: {  	_ =	swait.ge [sflag:s24], $0x3400  }
0x4e: {  	[sflag:s24] =	ssyncset.done $0x0  }
0x4f: {  	s18 =	rddreg [dreg:$0x5];
	[sflag:s24] =	ssyncadd.s32 $0xFFFFCC00  }
0x50: {  	[spmem:s18] =	stream.linear.scatter [tilespmem:s23], [sflag:$0xA], $0x3400, $0x38;
	[tilespmem:$0x1FE00] =	vst v63  }
0x51: {  	_ =	swait.ge [sflag:s24], $0x3400  }
0x52: {  	[sflag:s24] =	ssyncset.done $0x0  }
0x53: {  	s19 =	rddreg [dreg:$0x6];
	[sflag:s24] =	ssyncadd.s32 $0xFFFFCC00  }
0x54: {  	[spmem:s19] =	stream.linear.scatter [tilespmem:s23], [sflag:$0xA], $0x3400, $0x38;
	[tilespmem:$0x1FE00] =	vst v63  }
0x55: {  	_ =	swait.ge [sflag:s24], $0x3400  }
0x56: {  	[sflag:s24] =	ssyncset.done $0x0  }
0x57: {  	s20 =	rddreg [dreg:$0x7];
	[sflag:s24] =	ssyncadd.s32 $0xFFFFCC00  }
0x58: {  	[spmem:s20] =	stream.linear.scatter [tilespmem:s23], [sflag:$0xA], $0x3400, $0x38;
	[tilespmem:$0x1FE00] =	vst v63  }
0x59: {  	_ =	swait.ge [sflag:s24], $0x3400  }
0x5a: {  	[sflag:s24] =	ssyncset.done $0x0  }
0x5b: {  	s21 =	rddreg [dreg:$0x8];
	[sflag:s24] =	ssyncadd.s32 $0xFFFFCC00  }
0x5c: {  	[spmem:s21] =	stream.linear.scatter [tilespmem:s23], [sflag:$0xA], $0x3400, $0x38;
	[tilespmem:$0x1FE00] =	vst v63  }
0x5d: {  	_ =	swait.ge [sflag:s24], $0x3400  }
0x5e: {  	[sflag:s24] =	ssyncset.done $0x0  }
0x5f: {  	s14 =	simm.s32 @!p0 $0x2900;
	[sflag:s24] =	ssyncadd.s32 $0xFFFFCC00  }
0x60: {  	[spmem:s11] =	stream.linear.scatter @!p0 [tilespmem:s14], [sflag:$0xA], $0x800, $0x38;
	[tilespmem:$0x1FE00] =	vst v63  }
0x61: {  	s14 =	simm.s32 @!p0 $0xA  }
0x62: {  	_ =	swait.ge @!p0 [sflag:s14], $0x800  }
0x63: {  	[sflag:s14] =	ssyncset.done @!p0 $0x0  }
0x64: {  	[sflag:s14] =	ssyncadd.s32 @!p0 $0xFFFFF800  }
0x65: {  	[bflag:$0x0] =	sbarrier.arrive $0xFFFF  }
0x66: {  	s14 =	simm.s32 $0x0;
	s22 =	rddreg [dreg:$0xa]  }
0x67: {  	[tilespmem:s14], [sflag:$0xA] =	stream.linear.gather [hbm4b:s22+s14], $0x2710, $0x38;
	[tilespmem:$0x1FE00] =	vst v63  }
0x68: {  	_ =	swait.ge [sflag:s24], $0x2710  }
0x69: {  	[sflag:s24] =	ssyncset.done $0x0  }
0x6a: {  	s16 =	simm.s32 $0xC500;
	s25 =	rddreg [dreg:$0x9];
	[sflag:s24] =	ssyncadd.s32 $0xFFFFD8F0  }
0x6b: {  	[tilespmem:s16], [sflag:$0xA] =	stream.linear.gather [hbm4b:s25+s14], $0x10, $0x38;
	[tilespmem:$0x1FE00] =	vst v63  }
0x6c: {  	_ =	swait.ge [sflag:s24], $0x10  }
0x6d: {  	[sflag:s24] =	ssyncset.done $0x0  }
0x6e: {  	[sflag:s24] =	ssyncadd.s32 $0xFFFFFFF0  }
0x6f: {  	[tilespmem:s23], [sflag:$0xA] =	stream.indirect.gather [hbm4b:s4+s26], $0x80, s14, s26, $0xb8;
	[tilespmem:$0x1FE00] =	vst v63  }
0x70: {  	_ =	swait.ge [sflag:s24], $0x800  }
0x71: {  	[sflag:s24] =	ssyncset.done $0x0  }
0x72: {  	[sflag:s24] =	ssyncadd.s32 $0xFFFFF800  }
0x73: {  	[spmem:s2] =	stream.indirect.scatter.add.f32 [tilespmem:s23], [sflag:$0xA], $0x80, s16, s26, $0xb8;
	[tilespmem:$0x1FE00] =	vst v63  }
0x74: {  	_ =	swait.ge [sflag:s24], $0x800  }
0x75: {  	[sflag:s24] =	ssyncset.done $0x0  }
0x76: {  	s17 =	rddreg [dreg:$0xb];
	[sflag:s24] =	ssyncadd.s32 $0xFFFFF800  }
0x77: {  	[tilespmem:s28], [sflag:$0x4] =	stream.linear.gather [hbm4b:s17+s14], $0x68, $0x38;
	[tilespmem:$0x1FE00] =	vst v63  }
0x78: {  	_ = 	snop  }
0x79: {  	[tilespmem:s23], [sflag:$0x1] =	stream.indirect.gather [hbm4b:s4+s29], $0x80, s26, s29, $0xb8;
	[tilespmem:$0x1FE00] =	vst v63  }
0x7a: {  	s19 =	simm.s32 $0x2800;
	s18 =	rddreg [dreg:$0xc]  }
0x7b: {  	[tilespmem:s19], [sflag:$0x5] =	stream.linear.gather [hbm4b:s18+s14], $0x68, $0x38;
	[tilespmem:$0x1FE00] =	vst v63  }
0x7c: {  	s20 =	simm.s32 $0x78;
	s21 =	simm.s32 $0x5D00;
	s22 =	rddreg [dreg:$0xd]  }
0x7d: {  	[tilespmem:s21], [sflag:$0x2] =	stream.indirect.gather [hbm4b:s4+s29], $0x80, s20, s29, $0xb8;
	[tilespmem:$0x1FE00] =	vst v63  }
0x7e: {  	s21 =	rddreg [dreg:$0x12]  }
0x7f: {  	[tilespmem:s0], [sflag:$0x6] =	stream.linear.gather [hbm4b:s22+s14], $0x68, $0x38;
	[tilespmem:$0x1FE00] =	vst v63  }
0x80: {  	s25 =	simm.s32 $0xE0;
	s20 =	rddreg [dreg:$0x11];
	s22 =	smov.u32 s15  }
0x81: {  	[tilespmem:s31], [sflag:$0x3] =	stream.indirect.gather [hbm4b:s4+s29], $0x80, s25, s29, $0xb8;
	[tilespmem:$0x1FE00] =	vst v63  }
.LBB2_4:
0x82: {  	_ =	swait.ge [sflag:s1], $0x3400  }
0x83: {  	[sflag:s1] =	ssyncset.done $0x0  }
0x84: {  	[sflag:s1] =	ssyncadd.s32 $0xFFFFCC00  }
0x85: {  	_ =	swait.ge [sflag:s30], $0x68  }
0x86: {  	p1 =	seq.s32 s14, $0x9720;
	[sflag:s30] =	ssyncset.done $0x0  }
0x87: {  	s18 =	simm.s32 @p1 $0x2;
	[sflag:s30] =	ssyncadd.s32 $0xFFFFFF98  }
0x88: {  	[spmem:s2] =	stream.indirect.scatter.add.f32 [tilespmem:s23], [sflag:$0x7], $0x80, s28, s29, $0xb8;
	[tilespmem:$0x1FE00] =	vst v63  }
0x89: {  	_ =	swait.ge @p1 [sflag:s18], $0x3400  }
0x8a: {  	[sflag:s18] =	ssyncset.done @p1 $0x0  }
0x8b: {  	[sflag:s18] =	ssyncadd.s32 @p1 $0xFFFFCC00;
	s18 =	simm.s32 @p1 $0x5  }
0x8c: {  	_ =	swait.ge @p1 [sflag:s18], $0x68  }
0x8d: {  	s12 =	simm.s32 @p1 $0x2800;
	[sflag:s18] =	ssyncset.done @p1 $0x0  }
0x8e: {  	s19 =	simm.s32 @p1 $0x5D00;
	[sflag:s18] =	ssyncadd.s32 @p1 $0xFFFFFF98;
	s18 =	simm.s32 @p1 $0x68  }
0x8f: {  	[spmem:s2] =	stream.indirect.scatter.add.f32 @p1 [tilespmem:s19], [sflag:$0x8], $0x80, s12, s18, $0xb8;
	[tilespmem:$0x1FE00] =	vst v63  }
0x90: {  	s12 =	simm.s32 @!p1 $0x7  }
0x91: {  	_ =	swait.ge @!p1 [sflag:s12], $0x3400  }
0x92: {  	[sflag:s12] =	ssyncset.done @!p1 $0x0  }
0x93: {  	s18 =	simm.s32 @!p1 $0x2780;
	[sflag:s12] =	ssyncadd.s32 @!p1 $0xFFFFCC00;
	s12 =	simm.s32 @!p1 $0x0  }
0x94: {  	[tilespmem:s18], [sflag:$0x4] =	stream.linear.gather @!p1 [hbm4b:s22+s12], $0x68, $0x38;
	[tilespmem:$0x1FE00] =	vst v63  }
0x95: {  	s18 =	sshra.s32 @!p1 s14, $0x2  }
0x96: {  	s25 =	simm.s32 @!p1 $0x68;
	s17 =	simm.s32 @!p1 $0x2900;
	s19 =	sadd.s32 @!p1 $0x148, s18  }
0x97: {  	[tilespmem:s17], [sflag:$0x1] =	stream.indirect.gather @!p1 [hbm4b:s4+s25], $0x80, s19, s25, $0xb8;
	[tilespmem:$0x1FE00] =	vst v63  }
0x98: {  	s17 =	simm.s32 @!p1 $0x2  }
0x99: {  	_ =	swait.ge @!p1 [sflag:s17], $0x3400  }
0x9a: {  	[sflag:s17] =	ssyncset.done @!p1 $0x0  }
0x9b: {  	[sflag:s17] =	ssyncadd.s32 @!p1 $0xFFFFCC00;
	s17 =	simm.s32 @!p1 $0x5  }
0x9c: {  	_ =	swait.ge @!p1 [sflag:s17], $0x68  }
0x9d: {  	s16 =	simm.s32 @!p1 $0x8;
	[sflag:s17] =	ssyncset.done @!p1 $0x0  }
0x9e: {  	s19 =	simm.s32 @!p1 $0x5D00;
	[sflag:s17] =	ssyncadd.s32 @!p1 $0xFFFFFF98;
	s17 =	simm.s32 @!p1 $0x2800  }
0x9f: {  	[spmem:s2] =	stream.indirect.scatter.add.f32 @!p1 [tilespmem:s19], [sflag:$0x8], $0x80, s17, s25, $0xb8;
	[tilespmem:$0x1FE00] =	vst v63  }
0xa0: {  	_ =	swait.ge @!p1 [sflag:s16], $0x3400  }
0xa1: {  	[sflag:s16] =	ssyncset.done @!p1 $0x0  }
0xa2: {  	[sflag:s16] =	ssyncadd.s32 @!p1 $0xFFFFCC00  }
0xa3: {  	[tilespmem:s17], [sflag:$0x5] =	stream.linear.gather @!p1 [hbm4b:s21+s12], $0x68, $0x38;
	[tilespmem:$0x1FE00] =	vst v63  }
0xa4: {  	s12 =	sadd.s32 @!p1 $0x1B0, s18  }
0xa5: {  	[tilespmem:s19], [sflag:$0x2] =	stream.indirect.gather @!p1 [hbm4b:s4+s25], $0x80, s12, s25, $0xb8;
	[tilespmem:$0x1FE00] =	vst v63  }
0xa6: {  	_ =	swait.ge [sflag:s6], $0x3400  }
0xa7: {  	[sflag:s6] =	ssyncset.done $0x0  }
.Ltmp3:
0xa8: {  	[sflag:s6] =	ssyncadd.s32 $0xFFFFCC00;
	(pc) =	sbr.rel @p1 .LBB2_6-.Ltmp3, $4  }
0xa9: {  	_ =	swait.ge [sflag:s7], $0x68  }
0xaa: {  	[sflag:s7] =	ssyncset.done $0x0  }
0xab: {  	[sflag:s7] =	ssyncadd.s32 $0xFFFFFF98  }
0xac: {  	[spmem:s2] =	stream.indirect.scatter.add.f32 [tilespmem:s31], [sflag:$0x9], $0x80, s0, s29, $0xb8;
	[tilespmem:$0x1FE00] =	vst v63  }
0xad: {  	_ =	swait.ge [sflag:s10], $0x3400  }
.Ltmp4:
0xae: {  	s12 =	sshra.s32 s14, $0x2;
	[sflag:s10] =	ssyncset.done $0x0;
	(pc) =	sbr.rel .LBB2_4-.Ltmp4, $4  }
0xaf: {  	s14 =	sadd.s32 $0x4E0, s14;
	s21 =	sadd.s32 $0x27, s21;
	[sflag:s10] =	ssyncadd.s32 $0xFFFFCC00  }
0xb0: {  	[tilespmem:s0], [sflag:$0x6] =	stream.linear.gather [hbm4b:s20+s3], $0x68, $0x38;
	[tilespmem:$0x1FE00] =	vst v63  }
0xb1: {  	s22 =	sadd.s32 $0x27, s22;
	s12 =	sadd.s32 $0x218, s12;
	s20 =	sadd.s32 $0x27, s20  }
0xb2: {  	[tilespmem:s31], [sflag:$0x3] =	stream.indirect.gather [hbm4b:s4+s29], $0x80, s12, s29, $0xb8;
	[tilespmem:$0x1FE00] =	vst v63  }
.LBB2_7:
0xb3: {  	_ =	sfence.sel $0x180000  }
0xb4: {  	[bflag:$0x0] =	sbarrier.arrive $0xFFFF  }
0xb5: {  	_ =	strace $0x9000004D  }
0xb6: {  	s0 =	stileid.u32;
	[bflag:$0x2] =	sbarrier.arrive $0xFFFF  }
0xb7: {  	p0 =	sne.s32 s0, $0x0;
	s0 =	rddreg [dreg:$0x3]  }
0xb8: {  	s0 =	sadd.s32 @!p0 $0x100000, s0  }
0xb9: {  	[sflag:s0] =	ssyncadd.tile.s32 @!p0 $0x1;
	_ =	shalt  }
.Lfunc_end2:
_tile_overlayer_lowered:
.L_overlay_start_2:
0xba: {  	(tag) =	ssettag $0x2  }
0xbb: {  	s0 =	rddreg [dreg:$0x0];
	s2 =	stileid.u32  }
0xbc: {  	s1 =	rddreg [dreg:$0x1];
	p0 =	sne.s32 s2, $0x0  }
0xbd: {  	s3 =	rddreg [dreg:$0x2];
	[bflag:$0x3] =	sbarrier.arrive $0xFFFF;
	s2 =	simm.s32 @!p0 $0x1C0A  }
0xbe: {  	[timem:s3], [sflag:s2] =	dma.local @!p0 [hbm:s0], s1  }
0xbf: {  	s0 =	simm.s32 @!p0 $0xA  }
0xc0: {  	_ =	swait.ge @!p0 [sflag:s0], s1  }
0xc1: {  	s1 =	ssub.s32 @!p0 $0x0, s1;
	[sflag:s0] =	ssyncset.done @!p0 $0x0  }
0xc2: {  	[sflag:s0] =	ssyncadd.s32 @!p0 s1  }
0xc3: {  	[bflag:$0x3] =	sbarrier.arrive $0xFFFF  }
0xc4: {  	_ =	shalt  }

// kernel: kernel.9.cloned.1.call-start
scs
__scs_entry_jumppad:
0x0: {  	(pc) =	sbr.rel $0x88, $3  }
0x1: {  	(tag) =	ssettag $0x0;
	lr =	simm.s32 $0x1  }
0x2: {  	[smem:$0x3F95] =	sst lr;
	_ =	strace $0xD0000000  }
0x3: {  	_ = 	snop  }
0x4: {  	_ = 	snop  }
0x5: {  	_ = 	snop  }
0x6: {  	_ = 	snop  }
0x7: {  	_ = 	snop  }
__scs_overlays_trampoline_lowered:
0x8: {  	[smem:$0x3FA4] =	sst s0  }
0x9: {  	[smem:$0x3FA5] =	sst s1  }
0xa: {  	[smem:$0x3FA6] =	sst s2  }
0xb: {  	[smem:$0x3FA7] =	sst s3  }
0xc: {  	[smem:$0x3FA8] =	sst s4  }
0xd: {  	[smem:$0x3FA9] =	sst s5  }
0xe: {  	[smem:$0x3FAA] =	sst s6  }
0xf: {  	[smem:$0x3FAB] =	sst s7  }
0x10: {  	[smem:$0x3FAC] =	sst s8  }
0x11: {  	[smem:$0x3FAD] =	sst s9;
	s0 =	simm.s32 @!p0 $0x0  }
0x12: {  	s1 =	sld [smem:$0x3F93];
	s0 =	simm.s32 @p0 $0x1  }
0x13: {  	[smem:$0x3FAE] =	sst s0;
	s0 =	simm.s32 @!p1 $0x0  }
0x14: {  	s2 =	sld [smem:$0x3F92];
	s0 =	simm.s32 @p1 $0x1  }
0x15: {  	[smem:$0x3FAF] =	sst s0;
	s0 =	simm.s32 @!p2 $0x0  }
0x16: {  	s3 =	sld [smem:$0x3FDB];
	s0 =	simm.s32 @p2 $0x1  }
0x17: {  	s4 =	simm.s32 $0x1BF5;
	[smem:$0x3FB1] =	sst s0  }
0x18: {  	s0 =	sld [smem:$0x3F94];
	_ =	swait.ge [sflag:s4], $0x0  }
0x19: {  	s7 =	sld [smem:$0x3F95]  }
0x1a: {  	s8 =	sadd.s32 $0xFFFFE003, lr  }
0x1b: {  	s9 =	sadd.s32 $0xFFFFFEF7, lr;
	s5 =	simm.s32 $0xFFFFFFFF;
	p2 =	slt.u32 s8, $0xFFFFF086  }
0x1c: {  	p1 =	slt.u32 s9, $0xF7A;
	s5 =	simm.s32 @!p2 $0x0  }
0x1d: {  	s5 =	simm.s32 @p1 $0x1;
	p0 =	seq.s32 s7, s2  }
0x1e: {  	s7 =	smul.u32 @!p0 $0xF7A, s2;
	p2 =	seq.s32 @!p0 s5, $0x0  }
0x1f: {  	s9 =	smul.u32 $0xF7A, s1;
	s8 =	simm.s32 @!p0 $0x1BF5;
	p2 =	por !p2, p0  }
0x20: {  	[sflag:s8] =	ssyncset.s32 @!p0 $0xFFFFF086;
	s6 =	sadd.s32 @!p0 s3, s7;
	s7 =	simm.s32 @!p0 $0x108  }
0x21: {  	s3 =	sadd.s32 s3, s9;
	s6 =	sadd.s32 @!p0 $0x88, s6;
	s7 =	simm.s32 @p2 $0x1082  }
0x22: {  	[simem:s7], [sflag:s8] =	dma.local @!p0 [hbm:s6], $0xF7A  }
0x23: {  	s9 =	sor.u32 $0xD0000000, s2;
	s6 =	simm.s32 $0x108;
	_ =	swait.ge @!p0 [sflag:s8], $0x0  }
0x24: {  	s3 =	sadd.s32 $0x88, s3;
	s6 =	simm.s32 @!p1 $0x1082;
	[sflag:s4] =	ssyncset.s32 $0xFFFFF086  }
0x25: {  	[simem:s6], [sflag:s4] =	dma.local [hbm:s3], $0xF7A  }
0x26: {  	[smem:$0x3F95] =	sst s1;
	(tag) =	ssettag s2;
	_ =	strace s9  }
0x27: {  	s1 =	sld [smem:$0x3FA5]  }
0x28: {  	s2 =	sld [smem:$0x3FA6]  }
0x29: {  	s4 =	sld [smem:$0x3FA8]  }
0x2a: {  	p0 =	seq.s32 s5, $0x0;
	s5 =	sld [smem:$0x3FA9]  }
0x2b: {  	s6 =	sld [smem:$0x3FAA]  }
0x2c: {  	s7 =	sld [smem:$0x3FAB]  }
0x2d: {  	s3 =	simm.s32 $0x108;
	s8 =	sld [smem:$0x3FAC]  }
0x2e: {  	s3 =	simm.s32 @!p0 $0x1082;
	s9 =	sld [smem:$0x3FAD]  }
0x2f: {  	lr =	sadd.s32 s0, s3;
	s0 =	sld [smem:$0x3FA4]  }
0x30: {  	s3 =	sld [smem:$0x3FA7]  }
0x31: {  	[smem:$0x3FB0] =	sst s10  }
0x32: {  	s10 =	sld [smem:$0x3FAE];
	_ =	sdelay $0x3  }
0x33: {  	p0 =	seq.s32 s10, $0x1;
	s10 =	sld [smem:$0x3FB0];
	_ =	sdelay $0x3  }
0x34: {  	[smem:$0x3FB0] =	sst s10  }
0x35: {  	s10 =	sld [smem:$0x3FAF];
	_ =	sdelay $0x3  }
0x36: {  	p1 =	seq.s32 s10, $0x1;
	s10 =	sld [smem:$0x3FB0];
	_ =	sdelay $0x3  }
0x37: {  	[smem:$0x3FB0] =	sst s10  }
0x38: {  	s10 =	sld [smem:$0x3FB1]  }
0x39: {  	_ = 	snop;
	(pc) =	sbr.ind lr, $3  }
0x3a: {  	_ = 	snop  }
0x3b: {  	_ = 	snop  }
0x3c: {  	p2 =	seq.s32 s10, $0x1;
	s10 =	sld [smem:$0x3FB0]  }
0x3d: {  	_ =	shalt  }
0x3e: {  	_ =	shalt  }
0x3f: {  	_ =	shalt  }
0x40: {  	_ =	shalt  }
0x41: {  	_ =	shalt  }
0x42: {  	_ =	shalt  }
0x43: {  	_ =	shalt  }
0x44: {  	_ =	shalt  }
0x45: {  	_ =	shalt  }
0x46: {  	_ =	shalt  }
0x47: {  	_ =	shalt  }
0x48: {  	_ =	shalt  }
0x49: {  	_ =	shalt  }
0x4a: {  	_ =	shalt  }
0x4b: {  	_ =	shalt  }
0x4c: {  	_ =	shalt  }
0x4d: {  	_ =	shalt  }
0x4e: {  	_ =	shalt  }
0x4f: {  	_ =	shalt  }
0x50: {  	_ =	shalt  }
0x51: {  	_ =	shalt  }
0x52: {  	_ =	shalt  }
0x53: {  	_ =	shalt  }
0x54: {  	_ =	shalt  }
0x55: {  	_ =	shalt  }
0x56: {  	_ =	shalt  }
0x57: {  	_ =	shalt  }
0x58: {  	_ =	shalt  }
0x59: {  	_ =	shalt  }
0x5a: {  	_ =	shalt  }
0x5b: {  	_ =	shalt  }
0x5c: {  	_ =	shalt  }
0x5d: {  	_ =	shalt  }
0x5e: {  	_ =	shalt  }
0x5f: {  	_ =	shalt  }
0x60: {  	_ =	shalt  }
0x61: {  	_ =	shalt  }
0x62: {  	_ =	shalt  }
0x63: {  	_ =	shalt  }
0x64: {  	_ =	shalt  }
0x65: {  	_ =	shalt  }
0x66: {  	_ =	shalt  }
0x67: {  	_ =	shalt  }
0x68: {  	_ =	shalt  }
0x69: {  	_ =	shalt  }
0x6a: {  	_ =	shalt  }
0x6b: {  	_ =	shalt  }
0x6c: {  	_ =	shalt  }
0x6d: {  	_ =	shalt  }
0x6e: {  	_ =	shalt  }
0x6f: {  	_ =	shalt  }
0x70: {  	_ =	shalt  }
0x71: {  	_ =	shalt  }
0x72: {  	_ =	shalt  }
0x73: {  	_ =	shalt  }
0x74: {  	_ =	shalt  }
0x75: {  	_ =	shalt  }
0x76: {  	_ =	shalt  }
0x77: {  	_ =	shalt  }
0x78: {  	_ =	shalt  }
0x79: {  	_ =	shalt  }
0x7a: {  	_ =	shalt  }
0x7b: {  	_ =	shalt  }
0x7c: {  	_ =	shalt  }
0x7d: {  	_ =	shalt  }
0x7e: {  	_ =	shalt  }
0x7f: {  	_ =	shalt  }
0x80: {  	_ =	shalt  }
0x81: {  	_ =	shalt  }
0x82: {  	_ =	shalt  }
0x83: {  	_ =	shalt  }
0x84: {  	_ =	shalt  }
0x85: {  	_ =	shalt  }
0x86: {  	_ =	shalt  }
0x87: {  	_ =	shalt  }
.Lfunc_end0:
.L_simem_size_0:
called_computation_lowered:
.L_overlay_start_0:
0x88: {  	s2 =	sld [smem:$0x3FD9]  }
0x89: {  	s3 =	sld [smem:$0x3FFE];
	_ =	sdelay $0x1  }
0x8a: {  	s1 =	srdreg.scid  }
0x8b: {  	s0 =	sand.u32 $0x1, s1  }
0x8c: {  	s17 =	sshll.u32 s0, $0xA;
	s2 =	sadd.s32 s3, s2  }
0x8d: {  	s2 =	sadd.s32 s2, s17  }
0x8e: {  	[smem:$0x3FBC] =	sst s2  }
0x8f: {  	_ = 	snop  }
0x90: {  	s2 =	sld [smem:$0x3FD0];
	(tm) =	ssettm $0x1  }
0x91: {  	s18 =	sld [smem:$0x3FFB];
	_ =	sdelay $0x3  }
0x92: {  	_ =	strace s18  }
0x93: {  	s3 =	sld [smem:$0x3FFC];
	_ =	sdelay $0x3  }
0x94: {  	_ =	strace s3  }
0x95: {  	s3 =	sld [smem:$0x3FFD];
	_ =	sdelay $0x3  }
0x96: {  	_ =	strace s3  }
0x97: {  	_ =	strace $0x8FFFFFFF  }
0x98: {  	s19 =	sld [smem:$0x3FDB];
	_ =	sdelay $0x1  }
0x99: {  	s4 =	simm.s32 $_scs_section_size  }
0x9a: {  	s5 =	simm.s32 $_size__tile_overlayer_lowered;
	s6 =	simm.s32 $_tile_overlayer_lowered  }
0x9b: {  	s22 =	simm.s32 $0x1BFF;
	s21 =	sshll.u32 s6, $0x1;
	s3 =	sadd.s32 s4, s19  }
0x9c: {  	s7 =	simm.s32 $0x0;
	s20 =	sshll.u32 s5, $0x1;
	s5 =	sadd.s32 s21, s3  }
0x9d: {  	[timem:s7], [sflag:s22] =	dma.local [hbm:s5], s20  }
0x9e: {  	_ =	swait.ge [sflag:s22], s20  }
0x9f: {  	s4 =	ssub.s32 $0x0, s20;
	[sflag:s22] =	ssyncset.done $0x0  }
0xa0: {  	[sflag:s22] =	ssyncadd.s32 s4;
	_ =	sdelay $0x1  }
0xa1: {  	s23 =	simm.s32 $0x1B8B  }
0xa2: {  	_ =	swait.ge [sflag:s23], $0x1  }
0xa3: {  	[sflag:s23] =	ssyncset.done $0x0  }
0xa4: {  	s25 =	simm.s32 $0x1B8E;
	s24 =	sld [smem:$0x3FFE];
	[sflag:s23] =	ssyncadd.s32 $0xFFFFFFFF  }
0xa5: {  	s26 =	simm.s32 $execute0_lowered;
	[smem:$0x3FD2] =	sst s25  }
0xa6: {  	s5 =	sshll.u32 s26, $0x1;
	_ =	strace $0x80000046;
	[dreg:$0x1] =	wrdreg $0xFFFFFFFF  }
0xa7: {  	s28 =	simm.s32 $_size_execute0_lowered;
	s3 =	sadd.s32 s3, s5;
	[dreg:$0x0] =	wrdreg $0x0  }
0xa8: {  	s5 =	sshll.u32 s28, $0x1;
	[dreg:$0x2] =	wrdreg s3  }
0xa9: {  	[dreg:$0x3] =	wrdreg s5  }
0xaa: {  	[dreg:$0x4] =	wrdreg $0xC0  }
0xab: {  	_ =	task [dreg:s7], $0x5FFFF  }
0xac: {  	[dreg:$0x1] =	wrdreg $0xFFFFFFFF  }
0xad: {  	[dreg:$0x0] =	wrdreg $0x60  }
0xae: {  	[dreg:$0x2] =	wrdreg s24  }
0xaf: {  	[dreg:$0x3] =	wrdreg s2  }
0xb0: {  	[dreg:$0x4] =	wrdreg $0xC5800  }
0xb1: {  	[dreg:$0x5] =	wrdreg $0x9  }
0xb2: {  	_ =	task.clear_ibuf [dreg:s7], $0x6FFFF;
	_ =	strace $0x90000046  }
0xb3: {  	s29 =	simm.s32 $0x9;
	_ =	strace $0x80000048  }
0xb4: {  	_ =	swait.ge [sflag:s29], $0x1  }
0xb5: {  	[sflag:s29] =	ssyncadd.s32 $0xFFFFFFFF  }
0xb6: {  	_ =	strace $0x90000048  }
0xb7: {  	_ =	sfence  }
0xb8: {  	s30 =	sld [smem:$0x0];
	_ =	sdelay $0x2  }
0xb9: {  	s31 =	sshll.u32 s1, $0xD;
	s1 =	sshrl.u32 s1, $0x2  }
0xba: {  	s3 =	sand.u32 $0x4000, s31;
	s1 =	sadd.s32 s1, s30  }
0xbb: {  	s0 =	sor.u32 s3, s0;
	s1 =	sshll.u32 s1, $0x11  }
0xbc: {  	s0 =	sor.u32 s1, s0  }
0xbd: {  	s0 =	sadd.s32 $0x8F2B, s0  }
0xbe: {  	[sflag:s0] =	ssyncadd.remote.s32 $0x1  }
0xbf: {  	_ =	sfence.sel $0xFFFF  }
0xc0: {  	[dreg:$0x0] =	wrdreg $0xFFFFFFFF;
	(pc) =	sbr.abs _section_cstart, $3  }
0xc1: {  	[dreg:$0x1] =	wrdreg $0xFFFFFFFF  }
0xc2: {  	_ =	task.clear_ibuf [dreg:s7], $0x2FFFF;
	_ =	strace $0x9FFFFFFF  }
0xc3: {  	(tm) =	ssettm $0x7FFFFFFF  }
tec
execute0_lowered:
.L_overlay_start_1:
0x0: {  	(tag) =	ssettag $0x1  }
0x1: {  	s0 =	srdreg.scid;
	s1 =	rddreg [dreg:$0x0]  }
0x2: {  	s6 =	rddreg [dreg:$0x1];
	s12 =	stileid.u32  }
0x3: {  	s2 =	rddreg [dreg:$0x2];
	s28 =	simm.s32 $0x2780;
	s5 =	smul.u32 $0x4E000, s12  }
0x4: {  	s29 =	simm.s32 $0x68;
	s31 =	simm.s32 $0x9100;
	s17 =	smul.u32 $0x13800, s12  }
0x5: {  	s30 =	simm.s32 $0x4;
	s0 =	sand.u32 $0x1, s0;
	s21 =	smul.u32 $0x2710, s12  }
0x6: {  	p0 =	sne.s32 s12, $0xF;
	s3 =	sshll.u32 s0, $0x4;
	s9 =	ssub.s32 $0x2, s0  }
0x7: {  	s4 =	sor.u32 s12, s3;
	s3 =	simm.s32 $0x0;
	s5 =	sshrl.u32 s5, $0x2  }
0x8: {  	s11 =	sshrl.u32 s9, $0x1;
	s7 =	smul.u32 $0x2710, s4;
	[smem:$0x7FF] =	sst s3  }
0x9: {  	s4 =	sadd.s32 $0x2800, s1;
	s5 =	sadd.s32 s5, s2;
	s9 =	ssub.s32 s9, s11  }
0xa: {  	s11 =	sadd.s32 $0x138000, s2;
	_ =	strace $0x80000047;
	s26 =	sadd.s32 $0x3400, s5  }
0xb: {  	s13 =	sadd.s32 $0x6800, s5;
	s14 =	sadd.s32 $0x9C00, s5;
	[dreg:$0x4] =	wrdreg s26  }
0xc: {  	s15 =	sadd.s32 $0xD000, s5;
	s16 =	sadd.s32 $0x10400, s5;
	[dreg:$0x5] =	wrdreg s13  }
0xd: {  	s23 =	smax.u32 s9, $0x1;
	s9 =	simm.s32 $0x8;
	[dreg:$0x6] =	wrdreg s14  }
0xe: {  	s8 =	sshrl.u32 s7, $0x3;
	[dreg:$0x7] =	wrdreg s15;
	s13 =	smul.u32 $0x138800, s0  }
0xf: {  	[dreg:$0x8] =	wrdreg s16;
	s7 =	sadd.s32 $0x78, s7;
	s0 =	smul.u32 $0x27100, s0  }
0x10: {  	[dreg:$0x10] =	wrdreg s23;
	s23 =	simm.s32 $0x2900;
	s10 =	sadd.s32 s8, s1  }
0x11: {  	s1 =	sadd.s32 $0x144E00, s1;
	s14 =	sadd.s32 s6, s8;
	s7 =	sshrl.u32 s7, $0x3  }
0x12: {  	s8 =	simm.s32 $0x7;
	s10 =	sadd.s32 $0x13B000, s10;
	[dreg:$0x9] =	wrdreg s14  }
0x13: {  	s18 =	sadd.s32 $0x2, s14;
	s7 =	sadd.s32 s6, s7;
	[dreg:$0xa] =	wrdreg s10  }
0x14: {  	s19 =	sadd.s32 s17, s13;
	s20 =	sshrl.u32 s13, $0x3;
	[dreg:$0xb] =	wrdreg s18  }
0x15: {  	s22 =	sadd.s32 $0x1C, s14;
	s0 =	sadd.s32 s21, s0;
	[dreg:$0xc] =	wrdreg s7  }
0x16: {  	s13 =	simm.s32 $0x0;
	s7 =	sshrl.u32 s19, $0x3;
	[dreg:$0xd] =	wrdreg s22  }
0x17: {  	s24 =	sadd.s32 $0x218, s0;
	s25 =	sadd.s32 $0x1B0, s0;
	s0 =	sadd.s32 $0x148, s0  }
0x18: {  	s10 =	simm.s32 $0x9;
	s7 =	sadd.s32 s1, s7;
	s1 =	sadd.s32 s1, s20  }
0x19: {  	s0 =	sshrl.u32 s0, $0x3;
	[dreg:$0xe] =	wrdreg s7;
	s1 =	sadd.s32 $0x27000, s1  }
.Ltmp0:
0x1a: {  	s7 =	sshrl.u32 s25, $0x3;
	s15 =	sadd.s32 s0, s6;
	(pc) =	sbr.rel .LBB2_1-.Ltmp0, $4  }
0x1b: {  	s0 =	simm.s32 $0x2880;
	[dreg:$0xf] =	wrdreg s1;
	s1 =	sshrl.u32 s24, $0x3  }
0x1c: {  	s26 =	sadd.s32 s7, s6;
	s24 =	simm.s32 $0xA;
	s7 =	simm.s32 $0x6  }
0x1d: {  	s1 =	sadd.s32 s1, s6;
	[dreg:$0x12] =	wrdreg s26;
	s26 =	simm.s32 $0x10  }
0x1e: {  	v0 =	vimm.f32 $0.0e+00;
	s6 =	simm.s32 $0x3;
	[dreg:$0x11] =	wrdreg s1;
	s1 =	simm.s32 $0x1  }
.LBB2_6:
0x1f: {  	_ =	swait.ge [sflag:s8], $0x3400  }
0x20: {  	[sflag:s8] =	ssyncset.done $0x0  }
0x21: {  	[sflag:s8] =	ssyncadd.s32 $0xFFFFCC00  }
0x22: {  	_ =	swait.ge [sflag:s9], $0x3400  }
0x23: {  	[sflag:s9] =	ssyncset.done $0x0  }
0x24: {  	[sflag:s9] =	ssyncadd.s32 $0xFFFFCC00  }
0x25: {  	_ =	swait.ge [sflag:s10], $0x3400  }
0x26: {  	[sflag:s10] =	ssyncset.done $0x0  }
0x27: {  	s12 =	stileid.u32;
	[sflag:s10] =	ssyncadd.s32 $0xFFFFCC00  }
0x28: {  	s12 =	sshll.u32 s12, $0x6;
	[bflag:$0x0] =	sbarrier.arrive $0xFFFF  }
0x29: {  	s14 =	sshrl.u32 s5, $0x3;
	s12 =	sor.u32 $0x1C0A, s12;
	s16 =	rddreg [dreg:$0xe]  }
0x2a: {  	[hbm:s16], [sflag:s12] =	dma.local [spmem:s14], $0x2700  }
0x2b: {  	_ =	swait.ge [sflag:s24], $0x2700  }
0x2c: {  	[sflag:s24] =	ssyncset.done $0x0  }
0x2d: {  	s14 =	sshrl.u32 @!p0 s11, $0x3;
	s16 =	rddreg [dreg:$0xf];
	[sflag:s24] =	ssyncadd.s32 $0xFFFFD900  }
0x2e: {  	[hbm:s16], [sflag:s12] =	dma.local @!p0 [spmem:s14], $0x100  }
0x2f: {  	s12 =	simm.s32 @!p0 $0xA  }
0x30: {  	_ =	swait.ge @!p0 [sflag:s12], $0x100  }
0x31: {  	s13 =	sadd.s32 $0x1, s13;
	s25 =	rddreg [dreg:$0x10]  }
0x32: {  	p1 =	sne.s32 s13, s25  }
.Ltmp1:
0x33: {  	_ = 	snop;
	(pc) =	sbr.rel @!p1 .LBB2_7-.Ltmp1, $3  }
0x34: {  	_ =	sdelay $0x1  }
0x35: {  	[sflag:s12] =	ssyncset.done @!p0 $0x0  }
0x36: {  	[sflag:s12] =	ssyncadd.s32 @!p0 $0xFFFFFF00  }
.LBB2_1:
0x37: {  	s14 =	simm.s32 $0x0;
	s20 =	simm.s32 $0x200  }
.LBB2_2:
0x38: {  	p1 =	sne.s32 s20, $0xCE00;
	[tilespmem:s14+$0x2970] =	vst v0  }
0x39: {  	[tilespmem:s14+$0x2900] =	vst v0  }
0x3a: {  	[tilespmem:s14+$0x2910] =	vst v0  }
.Ltmp2:
0x3b: {  	[tilespmem:s14+$0x2920] =	vst v0;
	(pc) =	sbr.rel @p1 .LBB2_2-.Ltmp2, $4  }
0x3c: {  	[tilespmem:s14+$0x2930] =	vst v0  }
0x3d: {  	[tilespmem:s14+$0x2940] =	vst v0  }
0x3e: {  	[tilespmem:s14+$0x2950] =	vst v0  }
0x3f: {  	[tilespmem:s14+$0x2960] =	vst v0;
	s14 =	sshra.s32 s20, $0x2;
	s20 =	sadd.s32 $0x200, s20  }
0x40: {  	[tilespmem:s14+$0x2970] =	vst v0  }
0x41: {  	[tilespmem:s14+$0x2900] =	vst v0  }
0x42: {  	[tilespmem:s14+$0x2910] =	vst v0  }
0x43: {  	[tilespmem:s14+$0x2920] =	vst v0  }
0x44: {  	[tilespmem:s14+$0x2930] =	vst v0  }
0x45: {  	[tilespmem:s14+$0x2940] =	vst v0  }
0x46: {  	[tilespmem:s14+$0x2950] =	vst v0  }
0x47: {  	[tilespmem:s14+$0x2960] =	vst v0  }
0x48: {  	[spmem:s5] =	stream.linear.scatter [tilespmem:s23], [sflag:$0xA], $0x3400, $0x38;
	[tilespmem:$0x1FE00] =	vst v63  }
0x49: {  	_ =	swait.ge [sflag:s24], $0x3400  }
0x4a: {  	[sflag:s24] =	ssyncset.done $0x0  }
0x4b: {  	s12 =	rddreg [dreg:$0x4];
	[sflag:s24] =	ssyncadd.s32 $0xFFFFCC00  }
0x4c: {  	[spmem:s12] =	stream.linear.scatter [tilespmem:s23], [sflag:$0xA], $0x3400, $0x38;
	[tilespmem:$0x1FE00] =	vst v63  }
0x4d: {  	_ =	swait.ge [sflag:s24], $0x3400  }
0x4e: {  	[sflag:s24] =	ssyncset.done $0x0  }
0x4f: {  	s18 =	rddreg [dreg:$0x5];
	[sflag:s24] =	ssyncadd.s32 $0xFFFFCC00  }
0x50: {  	[spmem:s18] =	stream.linear.scatter [tilespmem:s23], [sflag:$0xA], $0x3400, $0x38;
	[tilespmem:$0x1FE00] =	vst v63  }
0x51: {  	_ =	swait.ge [sflag:s24], $0x3400  }
0x52: {  	[sflag:s24] =	ssyncset.done $0x0  }
0x53: {  	s19 =	rddreg [dreg:$0x6];
	[sflag:s24] =	ssyncadd.s32 $0xFFFFCC00  }
0x54: {  	[spmem:s19] =	stream.linear.scatter [tilespmem:s23], [sflag:$0xA], $0x3400, $0x38;
	[tilespmem:$0x1FE00] =	vst v63  }
0x55: {  	_ =	swait.ge [sflag:s24], $0x3400  }
0x56: {  	[sflag:s24] =	ssyncset.done $0x0  }
0x57: {  	s20 =	rddreg [dreg:$0x7];
	[sflag:s24] =	ssyncadd.s32 $0xFFFFCC00  }
0x58: {  	[spmem:s20] =	stream.linear.scatter [tilespmem:s23], [sflag:$0xA], $0x3400, $0x38;
	[tilespmem:$0x1FE00] =	vst v63  }
0x59: {  	_ =	swait.ge [sflag:s24], $0x3400  }
0x5a: {  	[sflag:s24] =	ssyncset.done $0x0  }
0x5b: {  	s21 =	rddreg [dreg:$0x8];
	[sflag:s24] =	ssyncadd.s32 $0xFFFFCC00  }
0x5c: {  	[spmem:s21] =	stream.linear.scatter [tilespmem:s23], [sflag:$0xA], $0x3400, $0x38;
	[tilespmem:$0x1FE00] =	vst v63  }
0x5d: {  	_ =	swait.ge [sflag:s24], $0x3400  }
0x5e: {  	[sflag:s24] =	ssyncset.done $0x0  }
0x5f: {  	s14 =	simm.s32 @!p0 $0x2900;
	[sflag:s24] =	ssyncadd.s32 $0xFFFFCC00  }
0x60: {  	[spmem:s11] =	stream.linear.scatter @!p0 [tilespmem:s14], [sflag:$0xA], $0x800, $0x38;
	[tilespmem:$0x1FE00] =	vst v63  }
0x61: {  	s14 =	simm.s32 @!p0 $0xA  }
0x62: {  	_ =	swait.ge @!p0 [sflag:s14], $0x800  }
0x63: {  	[sflag:s14] =	ssyncset.done @!p0 $0x0  }
0x64: {  	[sflag:s14] =	ssyncadd.s32 @!p0 $0xFFFFF800  }
0x65: {  	[bflag:$0x0] =	sbarrier.arrive $0xFFFF  }
0x66: {  	s14 =	simm.s32 $0x0;
	s22 =	rddreg [dreg:$0xa]  }
0x67: {  	[tilespmem:s14], [sflag:$0xA] =	stream.linear.gather [hbm4b:s22+s14], $0x2710, $0x38;
	[tilespmem:$0x1FE00] =	vst v63  }
0x68: {  	_ =	swait.ge [sflag:s24], $0x2710  }
0x69: {  	[sflag:s24] =	ssyncset.done $0x0  }
0x6a: {  	s16 =	simm.s32 $0xC500;
	s25 =	rddreg [dreg:$0x9];
	[sflag:s24] =	ssyncadd.s32 $0xFFFFD8F0  }
0x6b: {  	[tilespmem:s16], [sflag:$0xA] =	stream.linear.gather [hbm4b:s25+s14], $0x10, $0x38;
	[tilespmem:$0x1FE00] =	vst v63  }
0x6c: {  	_ =	swait.ge [sflag:s24], $0x10  }
0x6d: {  	[sflag:s24] =	ssyncset.done $0x0  }
0x6e: {  	[sflag:s24] =	ssyncadd.s32 $0xFFFFFFF0  }
0x6f: {  	[tilespmem:s23], [sflag:$0xA] =	stream.indirect.gather [hbm4b:s4+s26], $0x80, s14, s26, $0xb8;
	[tilespmem:$0x1FE00] =	vst v63  }
0x70: {  	_ =	swait.ge [sflag:s24], $0x800  }
0x71: {  	[sflag:s24] =	ssyncset.done $0x0  }
0x72: {  	[sflag:s24] =	ssyncadd.s32 $0xFFFFF800  }
0x73: {  	[spmem:s2] =	stream.indirect.scatter.add.f32 [tilespmem:s23], [sflag:$0xA], $0x80, s16, s26, $0xb8;
	[tilespmem:$0x1FE00] =	vst v63  }
0x74: {  	_ =	swait.ge [sflag:s24], $0x800  }
0x75: {  	[sflag:s24] =	ssyncset.done $0x0  }
0x76: {  	s17 =	rddreg [dreg:$0xb];
	[sflag:s24] =	ssyncadd.s32 $0xFFFFF800  }
0x77: {  	[tilespmem:s28], [sflag:$0x4] =	stream.linear.gather [hbm4b:s17+s14], $0x68, $0x38;
	[tilespmem:$0x1FE00] =	vst v63  }
0x78: {  	_ = 	snop  }
0x79: {  	[tilespmem:s23], [sflag:$0x1] =	stream.indirect.gather [hbm4b:s4+s29], $0x80, s26, s29, $0xb8;
	[tilespmem:$0x1FE00] =	vst v63  }
0x7a: {  	s19 =	simm.s32 $0x2800;
	s18 =	rddreg [dreg:$0xc]  }
0x7b: {  	[tilespmem:s19], [sflag:$0x5] =	stream.linear.gather [hbm4b:s18+s14], $0x68, $0x38;
	[tilespmem:$0x1FE00] =	vst v63  }
0x7c: {  	s20 =	simm.s32 $0x78;
	s21 =	simm.s32 $0x5D00;
	s22 =	rddreg [dreg:$0xd]  }
0x7d: {  	[tilespmem:s21], [sflag:$0x2] =	stream.indirect.gather [hbm4b:s4+s29], $0x80, s20, s29, $0xb8;
	[tilespmem:$0x1FE00] =	vst v63  }
0x7e: {  	s21 =	rddreg [dreg:$0x12]  }
0x7f: {  	[tilespmem:s0], [sflag:$0x6] =	stream.linear.gather [hbm4b:s22+s14], $0x68, $0x38;
	[tilespmem:$0x1FE00] =	vst v63  }
0x80: {  	s25 =	simm.s32 $0xE0;
	s20 =	rddreg [dreg:$0x11];
	s22 =	smov.u32 s15  }
0x81: {  	[tilespmem:s31], [sflag:$0x3] =	stream.indirect.gather [hbm4b:s4+s29], $0x80, s25, s29, $0xb8;
	[tilespmem:$0x1FE00] =	vst v63  }
.LBB2_4:
0x82: {  	_ =	swait.ge [sflag:s1], $0x3400  }
0x83: {  	[sflag:s1] =	ssyncset.done $0x0  }
0x84: {  	[sflag:s1] =	ssyncadd.s32 $0xFFFFCC00  }
0x85: {  	_ =	swait.ge [sflag:s30], $0x68  }
0x86: {  	p1 =	seq.s32 s14, $0x9720;
	[sflag:s30] =	ssyncset.done $0x0  }
0x87: {  	s18 =	simm.s32 @p1 $0x2;
	[sflag:s30] =	ssyncadd.s32 $0xFFFFFF98  }
0x88: {  	[spmem:s2] =	stream.indirect.scatter.add.f32 [tilespmem:s23], [sflag:$0x7], $0x80, s28, s29, $0xb8;
	[tilespmem:$0x1FE00] =	vst v63  }
0x89: {  	_ =	swait.ge @p1 [sflag:s18], $0x3400  }
0x8a: {  	[sflag:s18] =	ssyncset.done @p1 $0x0  }
0x8b: {  	[sflag:s18] =	ssyncadd.s32 @p1 $0xFFFFCC00;
	s18 =	simm.s32 @p1 $0x5  }
0x8c: {  	_ =	swait.ge @p1 [sflag:s18], $0x68  }
0x8d: {  	s12 =	simm.s32 @p1 $0x2800;
	[sflag:s18] =	ssyncset.done @p1 $0x0  }
0x8e: {  	s19 =	simm.s32 @p1 $0x5D00;
	[sflag:s18] =	ssyncadd.s32 @p1 $0xFFFFFF98;
	s18 =	simm.s32 @p1 $0x68  }
0x8f: {  	[spmem:s2] =	stream.indirect.scatter.add.f32 @p1 [tilespmem:s19], [sflag:$0x8], $0x80, s12, s18, $0xb8;
	[tilespmem:$0x1FE00] =	vst v63  }
0x90: {  	s12 =	simm.s32 @!p1 $0x7  }
0x91: {  	_ =	swait.ge @!p1 [sflag:s12], $0x3400  }
0x92: {  	[sflag:s12] =	ssyncset.done @!p1 $0x0  }
0x93: {  	s18 =	simm.s32 @!p1 $0x2780;
	[sflag:s12] =	ssyncadd.s32 @!p1 $0xFFFFCC00;
	s12 =	simm.s32 @!p1 $0x0  }
0x94: {  	[tilespmem:s18], [sflag:$0x4] =	stream.linear.gather @!p1 [hbm4b:s22+s12], $0x68, $0x38;
	[tilespmem:$0x1FE00] =	vst v63  }
0x95: {  	s18 =	sshra.s32 @!p1 s14, $0x2  }
0x96: {  	s25 =	simm.s32 @!p1 $0x68;
	s17 =	simm.s32 @!p1 $0x2900;
	s19 =	sadd.s32 @!p1 $0x148, s18  }
0x97: {  	[tilespmem:s17], [sflag:$0x1] =	stream.indirect.gather @!p1 [hbm4b:s4+s25], $0x80, s19, s25, $0xb8;
	[tilespmem:$0x1FE00] =	vst v63  }
0x98: {  	s17 =	simm.s32 @!p1 $0x2  }
0x99: {  	_ =	swait.ge @!p1 [sflag:s17], $0x3400  }
0x9a: {  	[sflag:s17] =	ssyncset.done @!p1 $0x0  }
0x9b: {  	[sflag:s17] =	ssyncadd.s32 @!p1 $0xFFFFCC00;
	s17 =	simm.s32 @!p1 $0x5  }
0x9c: {  	_ =	swait.ge @!p1 [sflag:s17], $0x68  }
0x9d: {  	s16 =	simm.s32 @!p1 $0x8;
	[sflag:s17] =	ssyncset.done @!p1 $0x0  }
0x9e: {  	s19 =	simm.s32 @!p1 $0x5D00;
	[sflag:s17] =	ssyncadd.s32 @!p1 $0xFFFFFF98;
	s17 =	simm.s32 @!p1 $0x2800  }
0x9f: {  	[spmem:s2] =	stream.indirect.scatter.add.f32 @!p1 [tilespmem:s19], [sflag:$0x8], $0x80, s17, s25, $0xb8;
	[tilespmem:$0x1FE00] =	vst v63  }
0xa0: {  	_ =	swait.ge @!p1 [sflag:s16], $0x3400  }
0xa1: {  	[sflag:s16] =	ssyncset.done @!p1 $0x0  }
0xa2: {  	[sflag:s16] =	ssyncadd.s32 @!p1 $0xFFFFCC00  }
0xa3: {  	[tilespmem:s17], [sflag:$0x5] =	stream.linear.gather @!p1 [hbm4b:s21+s12], $0x68, $0x38;
	[tilespmem:$0x1FE00] =	vst v63  }
0xa4: {  	s12 =	sadd.s32 @!p1 $0x1B0, s18  }
0xa5: {  	[tilespmem:s19], [sflag:$0x2] =	stream.indirect.gather @!p1 [hbm4b:s4+s25], $0x80, s12, s25, $0xb8;
	[tilespmem:$0x1FE00] =	vst v63  }
0xa6: {  	_ =	swait.ge [sflag:s6], $0x3400  }
0xa7: {  	[sflag:s6] =	ssyncset.done $0x0  }
.Ltmp3:
0xa8: {  	[sflag:s6] =	ssyncadd.s32 $0xFFFFCC00;
	(pc) =	sbr.rel @p1 .LBB2_6-.Ltmp3, $4  }
0xa9: {  	_ =	swait.ge [sflag:s7], $0x68  }
0xaa: {  	[sflag:s7] =	ssyncset.done $0x0  }
0xab: {  	[sflag:s7] =	ssyncadd.s32 $0xFFFFFF98  }
0xac: {  	[spmem:s2] =	stream.indirect.scatter.add.f32 [tilespmem:s31], [sflag:$0x9], $0x80, s0, s29, $0xb8;
	[tilespmem:$0x1FE00] =	vst v63  }
0xad: {  	_ =	swait.ge [sflag:s10], $0x3400  }
.Ltmp4:
0xae: {  	s12 =	sshra.s32 s14, $0x2;
	[sflag:s10] =	ssyncset.done $0x0;
	(pc) =	sbr.rel .LBB2_4-.Ltmp4, $4  }
0xaf: {  	s14 =	sadd.s32 $0x4E0, s14;
	s21 =	sadd.s32 $0x27, s21;
	[sflag:s10] =	ssyncadd.s32 $0xFFFFCC00  }
0xb0: {  	[tilespmem:s0], [sflag:$0x6] =	stream.linear.gather [hbm4b:s20+s3], $0x68, $0x38;
	[tilespmem:$0x1FE00] =	vst v63  }
0xb1: {  	s22 =	sadd.s32 $0x27, s22;
	s12 =	sadd.s32 $0x218, s12;
	s20 =	sadd.s32 $0x27, s20  }
0xb2: {  	[tilespmem:s31], [sflag:$0x3] =	stream.indirect.gather [hbm4b:s4+s29], $0x80, s12, s29, $0xb8;
	[tilespmem:$0x1FE00] =	vst v63  }
.LBB2_7:
0xb3: {  	_ =	sfence.sel $0x180000  }
0xb4: {  	[bflag:$0x0] =	sbarrier.arrive $0xFFFF  }
0xb5: {  	_ =	strace $0x90000047  }
0xb6: {  	s0 =	stileid.u32;
	[bflag:$0x2] =	sbarrier.arrive $0xFFFF  }
0xb7: {  	p0 =	sne.s32 s0, $0x0;
	s0 =	rddreg [dreg:$0x3]  }
0xb8: {  	s0 =	sadd.s32 @!p0 $0x100000, s0  }
0xb9: {  	[sflag:s0] =	ssyncadd.tile.s32 @!p0 $0x1;
	_ =	shalt  }
.Lfunc_end2:
_tile_overlayer_lowered:
.L_overlay_start_2:
0xba: {  	(tag) =	ssettag $0x2  }
0xbb: {  	s0 =	rddreg [dreg:$0x0];
	s2 =	stileid.u32  }
0xbc: {  	s1 =	rddreg [dreg:$0x1];
	p0 =	sne.s32 s2, $0x0  }
0xbd: {  	s3 =	rddreg [dreg:$0x2];
	[bflag:$0x3] =	sbarrier.arrive $0xFFFF;
	s2 =	simm.s32 @!p0 $0x1C0A  }
0xbe: {  	[timem:s3], [sflag:s2] =	dma.local @!p0 [hbm:s0], s1  }
0xbf: {  	s0 =	simm.s32 @!p0 $0xA  }
0xc0: {  	_ =	swait.ge @!p0 [sflag:s0], s1  }
0xc1: {  	s1 =	ssub.s32 @!p0 $0x0, s1;
	[sflag:s0] =	ssyncset.done @!p0 $0x0  }
0xc2: {  	[sflag:s0] =	ssyncadd.s32 @!p0 s1  }
0xc3: {  	[bflag:$0x3] =	sbarrier.arrive $0xFFFF  }
0xc4: {  	_ =	shalt  }

</sc_bundles>
